<compile_context>
chip_gen: v7x
topology: tpu7x:2x2x1
jax: 0.10.2.dev20260603
libtpu: 0.0.44.dev20260713+nightly
codegen_flags: <defaults>
</compile_context>

<pallas_src>
import functools
import math

import jax
import jax.numpy as jnp
from jax import lax
from jax.experimental import pallas as pl
from jax.experimental.pallas import tpu as pltpu
from jax.experimental.pallas import tpu_sc as plsc

_D = 256
_NH = 8
_DH = 32
_K = 4
_DFF = 1024
_BS = 4
_HW = (4096, 1024, 256, 64)
_NMEM = 5440
_NQB = 1344
_NQP = 1408
_BQ_SIM = 704
_SIM_BPB = _NQP // _BQ_SIM
_BD = 128
_NDB = _NQP // _BD
_NROWS_B = _NQP * _K
_NW = 32
_CH = _NROWS_B // _NW


def _mm(x, w):
    return lax.dot_general(x, w, (((1,), (1,)), ((), ())),
                           preferred_element_type=jnp.float32)



def _sim_topk_kernel(q_ref, m0_ref, m1_ref, m2_ref, m3_ref, idx_ref):
    q = q_ref[0]
    parts = [
        lax.dot_general(q, m_ref[0], (((1,), (0,)), ((), ())),
                        preferred_element_type=jnp.float32)
        for m_ref in (m0_ref, m1_ref, m2_ref, m3_ref)
    ]
    s = jnp.concatenate(parts, axis=1)
    col = lax.broadcasted_iota(jnp.int32, s.shape, 1)
    picks = []
    for _ in range(_K):
        idx_t = jnp.argmax(s, axis=1).astype(jnp.int32)
        picks.append(idx_t[:, None])
        s = jnp.where(col == idx_t[:, None], jnp.float32(-3e38), s)
    idx_ref[0] = jnp.concatenate(picks, axis=1)


def _sim_topk_batch(qs, mems, b):
    return pl.pallas_call(
        _sim_topk_kernel,
        grid=(_SIM_BPB,),
        in_specs=[pl.BlockSpec((1, _BQ_SIM, _D), lambda k: (b, k, 0))] + [
            pl.BlockSpec((1, _D, hw), lambda k: (b, 0, 0)) for hw in _HW
        ],
        out_specs=pl.BlockSpec((1, _BQ_SIM, _K), lambda k: (0, k, 0)),
        out_shape=jax.ShapeDtypeStruct((1, _NQP, _K), jnp.int32),
    )(qs, *mems)



def _sc_gather_batch(table, idx_flat):
    mesh = plsc.VectorSubcoreMesh(core_axis_name="c", subcore_axis_name="s")

    @functools.partial(
        pl.kernel,
        mesh=mesh,
        out_type=jax.ShapeDtypeStruct((_NROWS_B, _D), jnp.float32),
        scratch_types=[
            pltpu.VMEM((_CH,), jnp.int32),
            pltpu.VMEM((_CH, _D), jnp.float32),
            pltpu.SemaphoreType.DMA,
        ],
    )
    def gather_k(table_hbm, idx_hbm, out_hbm, idx_v, rows_v, sem):
        wid = lax.axis_index("s") * 2 + lax.axis_index("c")
        base = wid * _CH
        pltpu.sync_copy(idx_hbm.at[pl.ds(base, _CH)], idx_v)
        pltpu.async_copy(table_hbm.at[idx_v], rows_v, sem).wait()
        pltpu.sync_copy(rows_v, out_hbm.at[pl.ds(base, _CH)])

    return gather_k(table, idx_flat)



def _ln(x, w, b):
    m = jnp.mean(x, axis=1, keepdims=True)
    d = x - m
    v = jnp.mean(d * d, axis=1, keepdims=True)
    return d / jnp.sqrt(v + 1e-5) * w + b


_NQD = _BS * _BD


def _dec_kernel(x_ref, kv0_ref, kv1_ref, kv2_ref, kv3_ref,
                sa_wv, sa_ow, ca_wq, ca_wk, ca_wv, ca_ow,
                l1w, l1b, l2w, vecs, o_ref):
    x = x_ref[...].reshape(_NQD, _D)
    kv_refs = (kv0_ref, kv1_ref, kv2_ref, kv3_ref)
    V = vecs[0]
    bv_sa = V[0:1]; ob_sa = V[1:2]; n1w = V[2:3]; n1b = V[3:4]
    bq = V[4:5]; bk = V[5:6]; bv = V[6:7]; ob_ca = V[7:8]
    n2w = V[8:9]; n2b = V[9:10]; b_l2 = V[10:11]; n3w = V[11:12]; n3b = V[12:13]

    sa = _mm(_mm(x, sa_wv[0]) + bv_sa, sa_ow[0]) + ob_sa
    t1 = _ln(x + sa, n1w, n1b)

    q = _mm(t1, ca_wq[0]) + bq
    hrow = lax.broadcasted_iota(jnp.int32, (_D, _NH), 0) // _DH
    hcol = lax.broadcasted_iota(jnp.int32, (_D, _NH), 1)
    H = (hrow == hcol).astype(jnp.float32)
    scale = 1.0 / math.sqrt(_DH)
    ss, vs = [], []
    for j in range(_K):
        g = jnp.concatenate([r[j] for r in kv_refs], axis=0)
        kp = _mm(g, ca_wk[0]) + bk
        vs.append(_mm(g, ca_wv[0]) + bv)
        sj = lax.dot_general(H, q * kp, (((0,), (1,)), ((), ())),
                             preferred_element_type=jnp.float32,
                             precision=lax.Precision.HIGHEST) * scale
        ss.append(sj)
    m = jnp.maximum(jnp.maximum(ss[0], ss[1]), jnp.maximum(ss[2], ss[3]))
    es = [jnp.exp(sj - m) for sj in ss]
    den = es[0] + es[1] + es[2] + es[3]
    att = jnp.zeros_like(x)
    for j in range(_K):
        wfull = lax.dot_general(es[j] / den, H, (((0,), (1,)), ((), ())),
                                preferred_element_type=jnp.float32,
                                precision=lax.Precision.HIGHEST)
        att = att + wfull * vs[j]
    ca = _mm(att, ca_ow[0]) + ob_ca
    t2 = _ln(t1 + ca, n2w, n2b)

    h = jnp.maximum(_mm(t2, l1w[0]) + l1b[0], 0.0)
    f = _mm(h, l2w[0]) + b_l2
    t3 = _ln(t2 + f, n3w, n3b)
    y = (t3 + x).reshape(_BS, _BD, _D)
    j = pl.program_id(0)
    o_ref[:, :, pl.ds(j, 1), :] = jnp.swapaxes(y, 1, 2).reshape(_BS, _D, 1, _BD)


def _lvl_of(j):
    return jnp.int32(2) - jnp.int32(j >= 8) - jnp.int32(j >= 10)


def _decoder(qs, kvs, ws):
    def wspec(a, b):
        return pl.BlockSpec((1, a, b), lambda j: (_lvl_of(j), 0, 0))
    kvspec = pl.BlockSpec((_K, _BD, _D), lambda j: (0, j, 0))
    return pl.pallas_call(
        _dec_kernel,
        grid=(_NDB,),
        in_specs=[
            pl.BlockSpec((_BS, _BD, _D), lambda j: (0, j, 0)),
            kvspec, kvspec, kvspec, kvspec,
            wspec(_D, _D), wspec(_D, _D), wspec(_D, _D), wspec(_D, _D),
            wspec(_D, _D), wspec(_D, _D),
            wspec(_DFF, _D), wspec(1, _DFF), wspec(_D, _DFF),
            wspec(16, _D),
        ],
        out_specs=pl.BlockSpec((_BS, _D, _NDB, _BD), lambda j: (0, 0, 0, 0)),
        out_shape=jax.ShapeDtypeStruct((_BS, _D, _NDB, _BD), jnp.float32),
    )(qs, *kvs, *ws)



def kernel(src0, src1, src2, src3,
           L0_sa_in_w, L0_sa_in_b, L0_sa_out_w, L0_sa_out_b,
           L0_ca_in_w, L0_ca_in_b, L0_ca_out_w, L0_ca_out_b,
           L0_lin1_w, L0_lin1_b, L0_lin2_w, L0_lin2_b,
           L0_n1_w, L0_n1_b, L0_n2_w, L0_n2_b, L0_n3_w, L0_n3_b,
           L1_sa_in_w, L1_sa_in_b, L1_sa_out_w, L1_sa_out_b,
           L1_ca_in_w, L1_ca_in_b, L1_ca_out_w, L1_ca_out_b,
           L1_lin1_w, L1_lin1_b, L1_lin2_w, L1_lin2_b,
           L1_n1_w, L1_n1_b, L1_n2_w, L1_n2_b, L1_n3_w, L1_n3_b,
           L2_sa_in_w, L2_sa_in_b, L2_sa_out_w, L2_sa_out_b,
           L2_ca_in_w, L2_ca_in_b, L2_ca_out_w, L2_ca_out_b,
           L2_lin1_w, L2_lin1_b, L2_lin2_w, L2_lin2_b,
           L2_n1_w, L2_n1_b, L2_n2_w, L2_n2_b, L2_n3_w, L2_n3_b):
    mems = [s.reshape(_BS, _D, -1) for s in (src0, src1, src2, src3)]
    flatq = [m.transpose(0, 2, 1) for m in mems[1:]]
    pad = jnp.zeros((_BS, _NQP - _NQB, _D), jnp.float32)
    qs = jnp.concatenate(flatq + [pad], axis=1)
    table0 = jnp.concatenate(
        [mems[0][0].T] + [f[0] for f in flatq], axis=0)

    kvs = []
    for b in range(_BS):
        idx_b = _sim_topk_batch(qs, mems, b)
        flat_b = idx_b[0].T.reshape(-1)
        kvs.append(_sc_gather_batch(table0, flat_b).reshape(_K, _NQP, _D))

    def stack3(a, b, c):
        return jnp.stack([a, b, c])

    sa_in = (L0_sa_in_w, L1_sa_in_w, L2_sa_in_w)
    ca_in = (L0_ca_in_w, L1_ca_in_w, L2_ca_in_w)
    ws = [
        stack3(*[w[2 * _D:] for w in sa_in]),
        stack3(L0_sa_out_w, L1_sa_out_w, L2_sa_out_w),
        stack3(*[w[:_D] for w in ca_in]),
        stack3(*[w[_D:2 * _D] for w in ca_in]),
        stack3(*[w[2 * _D:] for w in ca_in]),
        stack3(L0_ca_out_w, L1_ca_out_w, L2_ca_out_w),
        stack3(L0_lin1_w, L1_lin1_w, L2_lin1_w),
        stack3(L0_lin1_b, L1_lin1_b, L2_lin1_b).reshape(3, 1, _DFF),
        stack3(L0_lin2_w, L1_lin2_w, L2_lin2_w),
    ]
    zeros = jnp.zeros((_D,), jnp.float32)
    vec_rows = []
    for sa_b, sa_ob, ca_b, ca_ob, l2b, n1w, n1b, n2w, n2b, n3w, n3b in (
        (L0_sa_in_b, L0_sa_out_b, L0_ca_in_b, L0_ca_out_b, L0_lin2_b,
         L0_n1_w, L0_n1_b, L0_n2_w, L0_n2_b, L0_n3_w, L0_n3_b),
        (L1_sa_in_b, L1_sa_out_b, L1_ca_in_b, L1_ca_out_b, L1_lin2_b,
         L1_n1_w, L1_n1_b, L1_n2_w, L1_n2_b, L1_n3_w, L1_n3_b),
        (L2_sa_in_b, L2_sa_out_b, L2_ca_in_b, L2_ca_out_b, L2_lin2_b,
         L2_n1_w, L2_n1_b, L2_n2_w, L2_n2_b, L2_n3_w, L2_n3_b),
    ):
        vec_rows.append(jnp.stack([
            sa_b[2 * _D:], sa_ob, n1w, n1b,
            ca_b[:_D], ca_b[_D:2 * _D], ca_b[2 * _D:], ca_ob,
            n2w, n2b, l2b, n3w, n3b, zeros, zeros, zeros]))
    ws.append(jnp.stack(vec_rows))

    out = _decoder(qs, kvs, ws).reshape(_BS, _D, _NQP)

    return (out[:, :, :1024].reshape(_BS, _D, 32, 32),
            out[:, :, 1024:1280].reshape(_BS, _D, 16, 16),
            out[:, :, 1280:1344].reshape(_BS, _D, 8, 8))

# --- scband reference (transcript-rebuilt; emitter-appended) ---
"""Pipeline reference for scband-fake-fpn-with-bi-former-74586402062403 (READ-ONLY COPY).

The authoritative reference and input builder live on the scoring server;
editing this copy changes nothing except your own understanding.
"""

import jax, jax.numpy as jnp
import numpy as np

D = 256
NH = 8
TOPK = 4
DFF = 1024

def _layer_params(key, d, dff):
    ks = jax.random.split(key, 6)
    s = 0.02
    p = {}
    p['sa_in_w'] = jax.random.normal(ks[0], (3 * d, d), dtype=jnp.float32) * s
    p['sa_in_b'] = jnp.zeros((3 * d,), dtype=jnp.float32)
    p['sa_out_w'] = jax.random.normal(ks[1], (d, d), dtype=jnp.float32) * s
    p['sa_out_b'] = jnp.zeros((d,), dtype=jnp.float32)
    p['ca_in_w'] = jax.random.normal(ks[2], (3 * d, d), dtype=jnp.float32) * s
    p['ca_in_b'] = jnp.zeros((3 * d,), dtype=jnp.float32)
    p['ca_out_w'] = jax.random.normal(ks[3], (d, d), dtype=jnp.float32) * s
    p['ca_out_b'] = jnp.zeros((d,), dtype=jnp.float32)
    p['lin1_w'] = jax.random.normal(ks[4], (dff, d), dtype=jnp.float32) * s
    p['lin1_b'] = jnp.zeros((dff,), dtype=jnp.float32)
    p['lin2_w'] = jax.random.normal(ks[5], (d, dff), dtype=jnp.float32) * s
    p['lin2_b'] = jnp.zeros((d,), dtype=jnp.float32)
    for i in (1, 2, 3):
        p['n%d_w' % i] = jnp.ones((d,), dtype=jnp.float32)
        p['n%d_b' % i] = jnp.zeros((d,), dtype=jnp.float32)
    return p

def _ln(x, w, b, eps=1e-5):
    m = jnp.mean(x, axis=-1, keepdims=True)
    v = jnp.var(x, axis=-1, keepdims=True)
    return (x - m) / jnp.sqrt(v + eps) * w + b

def _mha(q, k, v, in_w, in_b, out_w, out_b, nh):
    # q: (L, N, E); k, v: (S, N, E)  -- torch MultiheadAttention (seq, batch, embed)
    E = q.shape[-1]
    dh = E // nh
    wq, wk, wv = in_w[:E], in_w[E:2 * E], in_w[2 * E:]
    bq, bk, bv = in_b[:E], in_b[E:2 * E], in_b[2 * E:]
    qp = q @ wq.T + bq
    kp = k @ wk.T + bk
    vp = v @ wv.T + bv
    L, N, _ = qp.shape
    S = kp.shape[0]
    qh = qp.reshape(L, N * nh, dh).transpose(1, 0, 2)
    kh = kp.reshape(S, N * nh, dh).transpose(1, 0, 2)
    vh = vp.reshape(S, N * nh, dh).transpose(1, 0, 2)
    scores = jnp.einsum('bld,bsd->bls', qh, kh) / jnp.sqrt(jnp.float32(dh))
    attn = jax.nn.softmax(scores, axis=-1)
    out = jnp.einsum('bls,bsd->bld', attn, vh)
    out = out.transpose(1, 0, 2).reshape(L, N, E)
    return out @ out_w.T + out_b

def _dec_layer(tgt, memory, p):
    # tgt: (B, 1, E); memory: (B, K, E); forward_post, dropout = identity (eval)
    t = tgt.transpose(1, 0, 2)
    m = memory.transpose(1, 0, 2)
    sa = _mha(t, t, t, p['sa_in_w'], p['sa_in_b'], p['sa_out_w'], p['sa_out_b'], NH)
    t = _ln(t + sa, p['n1_w'], p['n1_b'])
    ca = _mha(t, m, m, p['ca_in_w'], p['ca_in_b'], p['ca_out_w'], p['ca_out_b'], NH)
    t = _ln(t + ca, p['n2_w'], p['n2_b'])
    ff = jax.nn.relu(t @ p['lin1_w'].T + p['lin1_b']) @ p['lin2_w'].T + p['lin2_b']
    t = _ln(t + ff, p['n3_w'], p['n3_b'])
    return t.transpose(1, 0, 2)

def _forward(kw):
    srcs = [kw['src0'], kw['src1'], kw['src2'], kw['src3']]
    flat = [s.reshape(s.shape[0], s.shape[1], -1).transpose(0, 2, 1) for s in srcs]
    all_feas = jnp.concatenate(flat, axis=1)
    new_feas = []
    for level, s in enumerate(srcs[::-1][:3]):
        pref = 'L%d_' % level
        p = {k[len(pref):]: v for k, v in kw.items() if k.startswith(pref)}
        bs, c, h, w = s.shape
        query = s.reshape(bs, c, h * w).transpose(0, 2, 1)
        sim = jnp.einsum('bqc,bnc->bqn', query, all_feas)
        _, idx = jax.lax.top_k(sim, TOPK)
        # faithful to original: index into batch-flattened memory with per-batch indices
        src_flat = all_feas.reshape(-1, D)
        kv = jnp.take(src_flat, idx.reshape(-1), axis=0).reshape(bs, h * w, TOPK, D)
        tgt = query.reshape(-1, D)[:, None, :]
        mem = kv.reshape(-1, TOPK, D)
        nq = _dec_layer(tgt, mem, p)
        nq = nq.reshape(bs, h * w, D).transpose(0, 2, 1).reshape(bs, c, h, w)
        new_feas.append(nq + s)
    return tuple(new_feas[::-1])

def setup_inputs(seed: int = 0):
    key = jax.random.key(seed)
    ks = jax.random.split(key, 7)
    inp = {}
    shapes = [(4, 256, 64, 64), (4, 256, 32, 32), (4, 256, 16, 16), (4, 256, 8, 8)]
    for i, sh in enumerate(shapes):
        inp['src%d' % i] = jax.random.normal(ks[i], sh, dtype=jnp.float32)
    for lvl in range(3):
        p = _layer_params(ks[4 + lvl], D, DFF)
        for n, v in p.items():
            inp['L%d_%s' % (lvl, n)] = v
    return inp

def reference(src0, src1, src2, src3,
              L0_sa_in_w, L0_sa_in_b, L0_sa_out_w, L0_sa_out_b,
              L0_ca_in_w, L0_ca_in_b, L0_ca_out_w, L0_ca_out_b,
              L0_lin1_w, L0_lin1_b, L0_lin2_w, L0_lin2_b,
              L0_n1_w, L0_n1_b, L0_n2_w, L0_n2_b, L0_n3_w, L0_n3_b,
              L1_sa_in_w, L1_sa_in_b, L1_sa_out_w, L1_sa_out_b,
              L1_ca_in_w, L1_ca_in_b, L1_ca_out_w, L1_ca_out_b,
              L1_lin1_w, L1_lin1_b, L1_lin2_w, L1_lin2_b,
              L1_n1_w, L1_n1_b, L1_n2_w, L1_n2_b, L1_n3_w, L1_n3_b,
              L2_sa_in_w, L2_sa_in_b, L2_sa_out_w, L2_sa_out_b,
              L2_ca_in_w, L2_ca_in_b, L2_ca_out_w, L2_ca_out_b,
              L2_lin1_w, L2_lin1_b, L2_lin2_w, L2_lin2_b,
              L2_n1_w, L2_n1_b, L2_n2_w, L2_n2_b, L2_n3_w, L2_n3_b):
    return _forward(dict(locals()))

if __name__ == "__main__":
    import jax
    _d = setup_inputs()
    print(jax.jit(kernel)(*tuple(_d.values())))

</pallas_src>

<mosaic_0001>
#map = affine_map<(d0, d1) -> (0, 0)>
#map1 = affine_map<(d0, d1) -> (0)>
module attributes {stable_mosaic.version = 14 : i64} {
  func.func @gather_k(%arg0: i32, %arg1: i32, %arg2: memref<5440x256xf32, #tpu.memory_space<hbm>>, %arg3: memref<5632xi32, #tpu.memory_space<hbm>>, %arg4: memref<5632x256xf32, #tpu.memory_space<hbm>>, %arg5: memref<176xi32, #tpu.memory_space<vmem>>, %arg6: memref<176x256xf32, #tpu.memory_space<vmem>>, %arg7: memref<!tpu.dma_semaphore, #tpu.memory_space<semaphore_mem>>) attributes {dimension_semantics = [#tpu.dimension_semantics<core_parallel>, #tpu.dimension_semantics<subcore_parallel>], iteration_bounds = array<i64: 2, 16>, scalar_prefetch = 0 : i64, scratch_operands = 3 : i64, tpu.core_type = #tpu.core_type<sc_vector_subcore>, window_params = [{transform_indices = #map}, {transform_indices = #map1}, {transform_indices = #map}]} {
    %mul3A = arith.constant 2 : i32
    %mul3A_0 = arith.muli %arg1, %mul3A : i32
    %add3A = arith.addi %mul3A_0, %arg0 : i32
    %mul3A_1 = arith.constant 176 : i32
    %mul3A_2 = arith.muli %add3A, %mul3A_1 : i32
    "tpu.region"() ({
      %run_scoped3A = tpu.sem_alloc : memref<!tpu.dma_semaphore, #tpu.memory_space<semaphore_mem>>
      %dma_start3A_7 = tpu.memref_slice %arg3[%mul3A_2] : memref<5632xi32, #tpu.memory_space<hbm>> -> memref<176xi32, #tpu.memory_space<hbm>>
      %dma_start3A_8 = tpu.memref_slice %arg3[%mul3A_2] : memref<5632xi32, #tpu.memory_space<hbm>> -> memref<176xi32, #tpu.memory_space<hbm>>
      tpu.enqueue_dma source(%dma_start3A_8 : memref<176xi32, #tpu.memory_space<hbm>>) target(%arg5 : memref<176xi32, #tpu.memory_space<vmem>>) target_semaphore(%run_scoped3A : memref<!tpu.dma_semaphore, #tpu.memory_space<semaphore_mem>>)
      %dma_wait3A_9 = tpu.memref_slice %arg3[%mul3A_2] : memref<5632xi32, #tpu.memory_space<hbm>> -> memref<176xi32, #tpu.memory_space<hbm>>
      %dma_wait3A_10 = tpu.memref_slice %arg3[%mul3A_2] : memref<5632xi32, #tpu.memory_space<hbm>> -> memref<176xi32, #tpu.memory_space<hbm>>
      tpu.wait_dma2 semaphore(%run_scoped3A : memref<!tpu.dma_semaphore, #tpu.memory_space<semaphore_mem>>) src(%dma_wait3A_10 : memref<176xi32, #tpu.memory_space<hbm>>) dst(%arg5 : memref<176xi32, #tpu.memory_space<vmem>>)
      tpu.yield
    }) : () -> ()
    %dma_start3A = arith.constant 0 : i32
    %dma_start3A_3 = arith.constant 0 : i32
    %dma_start3A_4 = tpu.memref_slice %arg2[%dma_start3A, %dma_start3A_3] : memref<5440x256xf32, #tpu.memory_space<hbm>> -> memref<5440x256xf32, #tpu.memory_space<hbm>>
    tpu.enqueue_indirect_dma source(%dma_start3A_4 : memref<5440x256xf32, #tpu.memory_space<hbm>>) target(%arg6 : memref<176x256xf32, #tpu.memory_space<vmem>>) offsets(%arg5 : memref<176xi32, #tpu.memory_space<vmem>>) semaphore(%arg7 : memref<!tpu.dma_semaphore, #tpu.memory_space<semaphore_mem>>)
    %dma_wait3A = arith.constant 0 : i32
    %dma_wait3A_5 = arith.constant 0 : i32
    %dma_wait3A_6 = tpu.memref_slice %arg2[%dma_wait3A, %dma_wait3A_5] : memref<5440x256xf32, #tpu.memory_space<hbm>> -> memref<5440x256xf32, #tpu.memory_space<hbm>>
    tpu.wait_indirect_dma semaphore(%arg7 : memref<!tpu.dma_semaphore, #tpu.memory_space<semaphore_mem>>) src(%dma_wait3A_6 : memref<5440x256xf32, #tpu.memory_space<hbm>>) dst(%arg6 : memref<176x256xf32, #tpu.memory_space<vmem>>)
    "tpu.region"() ({
      %run_scoped3A = tpu.sem_alloc : memref<!tpu.dma_semaphore, #tpu.memory_space<semaphore_mem>>
      %dma_start3A_7 = arith.constant 0 : i32
      %dma_start3A_8 = tpu.memref_slice %arg4[%mul3A_2, %dma_start3A_7] : memref<5632x256xf32, #tpu.memory_space<hbm>> -> memref<176x256xf32, #tpu.memory_space<hbm>>
      %dma_start3A_9 = arith.constant 0 : i32
      %dma_start3A_10 = tpu.memref_slice %arg4[%mul3A_2, %dma_start3A_9] : memref<5632x256xf32, #tpu.memory_space<hbm>> -> memref<176x256xf32, #tpu.memory_space<hbm>>
      tpu.enqueue_dma source(%arg6 : memref<176x256xf32, #tpu.memory_space<vmem>>) target(%dma_start3A_10 : memref<176x256xf32, #tpu.memory_space<hbm>>) target_semaphore(%run_scoped3A : memref<!tpu.dma_semaphore, #tpu.memory_space<semaphore_mem>>)
      %dma_wait3A_11 = arith.constant 0 : i32
      %dma_wait3A_12 = tpu.memref_slice %arg4[%mul3A_2, %dma_wait3A_11] : memref<5632x256xf32, #tpu.memory_space<hbm>> -> memref<176x256xf32, #tpu.memory_space<hbm>>
      %dma_wait3A_13 = arith.constant 0 : i32
      %dma_wait3A_14 = tpu.memref_slice %arg4[%mul3A_2, %dma_wait3A_13] : memref<5632x256xf32, #tpu.memory_space<hbm>> -> memref<176x256xf32, #tpu.memory_space<hbm>>
      tpu.wait_dma2 semaphore(%run_scoped3A : memref<!tpu.dma_semaphore, #tpu.memory_space<semaphore_mem>>) src(%arg6 : memref<176x256xf32, #tpu.memory_space<vmem>>) dst(%dma_wait3A_14 : memref<176x256xf32, #tpu.memory_space<hbm>>)
      tpu.yield
    }) : () -> ()
    return
  }
}

#map = affine_map<(d0, d1) -> (0, 0)>
#map1 = affine_map<(d0, d1) -> (0)>
module attributes {stable_mosaic.version = 14 : i64} {
  func.func @gather_k(%arg0: i32, %arg1: i32, %arg2: memref<5440x256xf32, #tpu.memory_space<hbm>>, %arg3: memref<5632xi32, #tpu.memory_space<hbm>>, %arg4: memref<5632x256xf32, #tpu.memory_space<hbm>>, %arg5: memref<176xi32, #tpu.memory_space<vmem>>, %arg6: memref<176x256xf32, #tpu.memory_space<vmem>>, %arg7: memref<!tpu.dma_semaphore, #tpu.memory_space<semaphore_mem>>) attributes {dimension_semantics = [#tpu.dimension_semantics<core_parallel>, #tpu.dimension_semantics<subcore_parallel>], iteration_bounds = array<i64: 2, 16>, scalar_prefetch = 0 : i64, scratch_operands = 3 : i64, tpu.core_type = #tpu.core_type<sc_vector_subcore>, window_params = [{transform_indices = #map}, {transform_indices = #map1}, {transform_indices = #map}]} {
    %mul3A = arith.constant 2 : i32
    %mul3A_0 = arith.muli %arg1, %mul3A : i32
    %add3A = arith.addi %mul3A_0, %arg0 : i32
    %mul3A_1 = arith.constant 176 : i32
    %mul3A_2 = arith.muli %add3A, %mul3A_1 : i32
    "tpu.region"() ({
      %run_scoped3A = tpu.sem_alloc : memref<!tpu.dma_semaphore, #tpu.memory_space<semaphore_mem>>
      %dma_start3A_7 = tpu.memref_slice %arg3[%mul3A_2] : memref<5632xi32, #tpu.memory_space<hbm>> -> memref<176xi32, #tpu.memory_space<hbm>>
      %dma_start3A_8 = tpu.memref_slice %arg3[%mul3A_2] : memref<5632xi32, #tpu.memory_space<hbm>> -> memref<176xi32, #tpu.memory_space<hbm>>
      tpu.enqueue_dma source(%dma_start3A_8 : memref<176xi32, #tpu.memory_space<hbm>>) target(%arg5 : memref<176xi32, #tpu.memory_space<vmem>>) target_semaphore(%run_scoped3A : memref<!tpu.dma_semaphore, #tpu.memory_space<semaphore_mem>>)
      %dma_wait3A_9 = tpu.memref_slice %arg3[%mul3A_2] : memref<5632xi32, #tpu.memory_space<hbm>> -> memref<176xi32, #tpu.memory_space<hbm>>
      %dma_wait3A_10 = tpu.memref_slice %arg3[%mul3A_2] : memref<5632xi32, #tpu.memory_space<hbm>> -> memref<176xi32, #tpu.memory_space<hbm>>
      tpu.wait_dma2 semaphore(%run_scoped3A : memref<!tpu.dma_semaphore, #tpu.memory_space<semaphore_mem>>) src(%dma_wait3A_10 : memref<176xi32, #tpu.memory_space<hbm>>) dst(%arg5 : memref<176xi32, #tpu.memory_space<vmem>>)
      tpu.yield
    }) : () -> ()
    %dma_start3A = arith.constant 0 : i32
    %dma_start3A_3 = arith.constant 0 : i32
    %dma_start3A_4 = tpu.memref_slice %arg2[%dma_start3A, %dma_start3A_3] : memref<5440x256xf32, #tpu.memory_space<hbm>> -> memref<5440x256xf32, #tpu.memory_space<hbm>>
    tpu.enqueue_indirect_dma source(%dma_start3A_4 : memref<5440x256xf32, #tpu.memory_space<hbm>>) target(%arg6 : memref<176x256xf32, #tpu.memory_space<vmem>>) offsets(%arg5 : memref<176xi32, #tpu.memory_space<vmem>>) semaphore(%arg7 : memref<!tpu.dma_semaphore, #tpu.memory_space<semaphore_mem>>)
    %dma_wait3A = arith.constant 0 : i32
    %dma_wait3A_5 = arith.constant 0 : i32
    %dma_wait3A_6 = tpu.memref_slice %arg2[%dma_wait3A, %dma_wait3A_5] : memref<5440x256xf32, #tpu.memory_space<hbm>> -> memref<5440x256xf32, #tpu.memory_space<hbm>>
    tpu.wait_indirect_dma semaphore(%arg7 : memref<!tpu.dma_semaphore, #tpu.memory_space<semaphore_mem>>) src(%dma_wait3A_6 : memref<5440x256xf32, #tpu.memory_space<hbm>>) dst(%arg6 : memref<176x256xf32, #tpu.memory_space<vmem>>)
    "tpu.region"() ({
      %run_scoped3A = tpu.sem_alloc : memref<!tpu.dma_semaphore, #tpu.memory_space<semaphore_mem>>
      %dma_start3A_7 = arith.constant 0 : i32
      %dma_start3A_8 = tpu.memref_slice %arg4[%mul3A_2, %dma_start3A_7] : memref<5632x256xf32, #tpu.memory_space<hbm>> -> memref<176x256xf32, #tpu.memory_space<hbm>>
      %dma_start3A_9 = arith.constant 0 : i32
      %dma_start3A_10 = tpu.memref_slice %arg4[%mul3A_2, %dma_start3A_9] : memref<5632x256xf32, #tpu.memory_space<hbm>> -> memref<176x256xf32, #tpu.memory_space<hbm>>
      tpu.enqueue_dma source(%arg6 : memref<176x256xf32, #tpu.memory_space<vmem>>) target(%dma_start3A_10 : memref<176x256xf32, #tpu.memory_space<hbm>>) target_semaphore(%run_scoped3A : memref<!tpu.dma_semaphore, #tpu.memory_space<semaphore_mem>>)
      %dma_wait3A_11 = arith.constant 0 : i32
      %dma_wait3A_12 = tpu.memref_slice %arg4[%mul3A_2, %dma_wait3A_11] : memref<5632x256xf32, #tpu.memory_space<hbm>> -> memref<176x256xf32, #tpu.memory_space<hbm>>
      %dma_wait3A_13 = arith.constant 0 : i32
      %dma_wait3A_14 = tpu.memref_slice %arg4[%mul3A_2, %dma_wait3A_13] : memref<5632x256xf32, #tpu.memory_space<hbm>> -> memref<176x256xf32, #tpu.memory_space<hbm>>
      tpu.wait_dma2 semaphore(%run_scoped3A : memref<!tpu.dma_semaphore, #tpu.memory_space<semaphore_mem>>) src(%arg6 : memref<176x256xf32, #tpu.memory_space<vmem>>) dst(%dma_wait3A_14 : memref<176x256xf32, #tpu.memory_space<hbm>>)
      tpu.yield
    }) : () -> ()
    return
  }
}

#map = affine_map<(d0, d1) -> (0, 0)>
#map1 = affine_map<(d0, d1) -> (0)>
module attributes {stable_mosaic.version = 14 : i64} {
  func.func @gather_k(%arg0: i32, %arg1: i32, %arg2: memref<5440x256xf32, #tpu.memory_space<hbm>>, %arg3: memref<5632xi32, #tpu.memory_space<hbm>>, %arg4: memref<5632x256xf32, #tpu.memory_space<hbm>>, %arg5: memref<176xi32, #tpu.memory_space<vmem>>, %arg6: memref<176x256xf32, #tpu.memory_space<vmem>>, %arg7: memref<!tpu.dma_semaphore, #tpu.memory_space<semaphore_mem>>) attributes {dimension_semantics = [#tpu.dimension_semantics<core_parallel>, #tpu.dimension_semantics<subcore_parallel>], iteration_bounds = array<i64: 2, 16>, scalar_prefetch = 0 : i64, scratch_operands = 3 : i64, tpu.core_type = #tpu.core_type<sc_vector_subcore>, window_params = [{transform_indices = #map}, {transform_indices = #map1}, {transform_indices = #map}]} {
    %mul3A = arith.constant 2 : i32
    %mul3A_0 = arith.muli %arg1, %mul3A : i32
    %add3A = arith.addi %mul3A_0, %arg0 : i32
    %mul3A_1 = arith.constant 176 : i32
    %mul3A_2 = arith.muli %add3A, %mul3A_1 : i32
    "tpu.region"() ({
      %run_scoped3A = tpu.sem_alloc : memref<!tpu.dma_semaphore, #tpu.memory_space<semaphore_mem>>
      %dma_start3A_7 = tpu.memref_slice %arg3[%mul3A_2] : memref<5632xi32, #tpu.memory_space<hbm>> -> memref<176xi32, #tpu.memory_space<hbm>>
      %dma_start3A_8 = tpu.memref_slice %arg3[%mul3A_2] : memref<5632xi32, #tpu.memory_space<hbm>> -> memref<176xi32, #tpu.memory_space<hbm>>
      tpu.enqueue_dma source(%dma_start3A_8 : memref<176xi32, #tpu.memory_space<hbm>>) target(%arg5 : memref<176xi32, #tpu.memory_space<vmem>>) target_semaphore(%run_scoped3A : memref<!tpu.dma_semaphore, #tpu.memory_space<semaphore_mem>>)
      %dma_wait3A_9 = tpu.memref_slice %arg3[%mul3A_2] : memref<5632xi32, #tpu.memory_space<hbm>> -> memref<176xi32, #tpu.memory_space<hbm>>
      %dma_wait3A_10 = tpu.memref_slice %arg3[%mul3A_2] : memref<5632xi32, #tpu.memory_space<hbm>> -> memref<176xi32, #tpu.memory_space<hbm>>
      tpu.wait_dma2 semaphore(%run_scoped3A : memref<!tpu.dma_semaphore, #tpu.memory_space<semaphore_mem>>) src(%dma_wait3A_10 : memref<176xi32, #tpu.memory_space<hbm>>) dst(%arg5 : memref<176xi32, #tpu.memory_space<vmem>>)
      tpu.yield
    }) : () -> ()
    %dma_start3A = arith.constant 0 : i32
    %dma_start3A_3 = arith.constant 0 : i32
    %dma_start3A_4 = tpu.memref_slice %arg2[%dma_start3A, %dma_start3A_3] : memref<5440x256xf32, #tpu.memory_space<hbm>> -> memref<5440x256xf32, #tpu.memory_space<hbm>>
    tpu.enqueue_indirect_dma source(%dma_start3A_4 : memref<5440x256xf32, #tpu.memory_space<hbm>>) target(%arg6 : memref<176x256xf32, #tpu.memory_space<vmem>>) offsets(%arg5 : memref<176xi32, #tpu.memory_space<vmem>>) semaphore(%arg7 : memref<!tpu.dma_semaphore, #tpu.memory_space<semaphore_mem>>)
    %dma_wait3A = arith.constant 0 : i32
    %dma_wait3A_5 = arith.constant 0 : i32
    %dma_wait3A_6 = tpu.memref_slice %arg2[%dma_wait3A, %dma_wait3A_5] : memref<5440x256xf32, #tpu.memory_space<hbm>> -> memref<5440x256xf32, #tpu.memory_space<hbm>>
    tpu.wait_indirect_dma semaphore(%arg7 : memref<!tpu.dma_semaphore, #tpu.memory_space<semaphore_mem>>) src(%dma_wait3A_6 : memref<5440x256xf32, #tpu.memory_space<hbm>>) dst(%arg6 : memref<176x256xf32, #tpu.memory_space<vmem>>)
    "tpu.region"() ({
      %run_scoped3A = tpu.sem_alloc : memref<!tpu.dma_semaphore, #tpu.memory_space<semaphore_mem>>
      %dma_start3A_7 = arith.constant 0 : i32
      %dma_start3A_8 = tpu.memref_slice %arg4[%mul3A_2, %dma_start3A_7] : memref<5632x256xf32, #tpu.memory_space<hbm>> -> memref<176x256xf32, #tpu.memory_space<hbm>>
      %dma_start3A_9 = arith.constant 0 : i32
      %dma_start3A_10 = tpu.memref_slice %arg4[%mul3A_2, %dma_start3A_9] : memref<5632x256xf32, #tpu.memory_space<hbm>> -> memref<176x256xf32, #tpu.memory_space<hbm>>
      tpu.enqueue_dma source(%arg6 : memref<176x256xf32, #tpu.memory_space<vmem>>) target(%dma_start3A_10 : memref<176x256xf32, #tpu.memory_space<hbm>>) target_semaphore(%run_scoped3A : memref<!tpu.dma_semaphore, #tpu.memory_space<semaphore_mem>>)
      %dma_wait3A_11 = arith.constant 0 : i32
      %dma_wait3A_12 = tpu.memref_slice %arg4[%mul3A_2, %dma_wait3A_11] : memref<5632x256xf32, #tpu.memory_space<hbm>> -> memref<176x256xf32, #tpu.memory_space<hbm>>
      %dma_wait3A_13 = arith.constant 0 : i32
      %dma_wait3A_14 = tpu.memref_slice %arg4[%mul3A_2, %dma_wait3A_13] : memref<5632x256xf32, #tpu.memory_space<hbm>> -> memref<176x256xf32, #tpu.memory_space<hbm>>
      tpu.wait_dma2 semaphore(%run_scoped3A : memref<!tpu.dma_semaphore, #tpu.memory_space<semaphore_mem>>) src(%arg6 : memref<176x256xf32, #tpu.memory_space<vmem>>) dst(%dma_wait3A_14 : memref<176x256xf32, #tpu.memory_space<hbm>>)
      tpu.yield
    }) : () -> ()
    return
  }
}

#map = affine_map<(d0, d1) -> (0, 0)>
#map1 = affine_map<(d0, d1) -> (0)>
module attributes {stable_mosaic.version = 14 : i64} {
  func.func @gather_k(%arg0: i32, %arg1: i32, %arg2: memref<5440x256xf32, #tpu.memory_space<hbm>>, %arg3: memref<5632xi32, #tpu.memory_space<hbm>>, %arg4: memref<5632x256xf32, #tpu.memory_space<hbm>>, %arg5: memref<176xi32, #tpu.memory_space<vmem>>, %arg6: memref<176x256xf32, #tpu.memory_space<vmem>>, %arg7: memref<!tpu.dma_semaphore, #tpu.memory_space<semaphore_mem>>) attributes {dimension_semantics = [#tpu.dimension_semantics<core_parallel>, #tpu.dimension_semantics<subcore_parallel>], iteration_bounds = array<i64: 2, 16>, scalar_prefetch = 0 : i64, scratch_operands = 3 : i64, tpu.core_type = #tpu.core_type<sc_vector_subcore>, window_params = [{transform_indices = #map}, {transform_indices = #map1}, {transform_indices = #map}]} {
    %mul3A = arith.constant 2 : i32
    %mul3A_0 = arith.muli %arg1, %mul3A : i32
    %add3A = arith.addi %mul3A_0, %arg0 : i32
    %mul3A_1 = arith.constant 176 : i32
    %mul3A_2 = arith.muli %add3A, %mul3A_1 : i32
    "tpu.region"() ({
      %run_scoped3A = tpu.sem_alloc : memref<!tpu.dma_semaphore, #tpu.memory_space<semaphore_mem>>
      %dma_start3A_7 = tpu.memref_slice %arg3[%mul3A_2] : memref<5632xi32, #tpu.memory_space<hbm>> -> memref<176xi32, #tpu.memory_space<hbm>>
      %dma_start3A_8 = tpu.memref_slice %arg3[%mul3A_2] : memref<5632xi32, #tpu.memory_space<hbm>> -> memref<176xi32, #tpu.memory_space<hbm>>
      tpu.enqueue_dma source(%dma_start3A_8 : memref<176xi32, #tpu.memory_space<hbm>>) target(%arg5 : memref<176xi32, #tpu.memory_space<vmem>>) target_semaphore(%run_scoped3A : memref<!tpu.dma_semaphore, #tpu.memory_space<semaphore_mem>>)
      %dma_wait3A_9 = tpu.memref_slice %arg3[%mul3A_2] : memref<5632xi32, #tpu.memory_space<hbm>> -> memref<176xi32, #tpu.memory_space<hbm>>
      %dma_wait3A_10 = tpu.memref_slice %arg3[%mul3A_2] : memref<5632xi32, #tpu.memory_space<hbm>> -> memref<176xi32, #tpu.memory_space<hbm>>
      tpu.wait_dma2 semaphore(%run_scoped3A : memref<!tpu.dma_semaphore, #tpu.memory_space<semaphore_mem>>) src(%dma_wait3A_10 : memref<176xi32, #tpu.memory_space<hbm>>) dst(%arg5 : memref<176xi32, #tpu.memory_space<vmem>>)
      tpu.yield
    }) : () -> ()
    %dma_start3A = arith.constant 0 : i32
    %dma_start3A_3 = arith.constant 0 : i32
    %dma_start3A_4 = tpu.memref_slice %arg2[%dma_start3A, %dma_start3A_3] : memref<5440x256xf32, #tpu.memory_space<hbm>> -> memref<5440x256xf32, #tpu.memory_space<hbm>>
    tpu.enqueue_indirect_dma source(%dma_start3A_4 : memref<5440x256xf32, #tpu.memory_space<hbm>>) target(%arg6 : memref<176x256xf32, #tpu.memory_space<vmem>>) offsets(%arg5 : memref<176xi32, #tpu.memory_space<vmem>>) semaphore(%arg7 : memref<!tpu.dma_semaphore, #tpu.memory_space<semaphore_mem>>)
    %dma_wait3A = arith.constant 0 : i32
    %dma_wait3A_5 = arith.constant 0 : i32
    %dma_wait3A_6 = tpu.memref_slice %arg2[%dma_wait3A, %dma_wait3A_5] : memref<5440x256xf32, #tpu.memory_space<hbm>> -> memref<5440x256xf32, #tpu.memory_space<hbm>>
    tpu.wait_indirect_dma semaphore(%arg7 : memref<!tpu.dma_semaphore, #tpu.memory_space<semaphore_mem>>) src(%dma_wait3A_6 : memref<5440x256xf32, #tpu.memory_space<hbm>>) dst(%arg6 : memref<176x256xf32, #tpu.memory_space<vmem>>)
    "tpu.region"() ({
      %run_scoped3A = tpu.sem_alloc : memref<!tpu.dma_semaphore, #tpu.memory_space<semaphore_mem>>
      %dma_start3A_7 = arith.constant 0 : i32
      %dma_start3A_8 = tpu.memref_slice %arg4[%mul3A_2, %dma_start3A_7] : memref<5632x256xf32, #tpu.memory_space<hbm>> -> memref<176x256xf32, #tpu.memory_space<hbm>>
      %dma_start3A_9 = arith.constant 0 : i32
      %dma_start3A_10 = tpu.memref_slice %arg4[%mul3A_2, %dma_start3A_9] : memref<5632x256xf32, #tpu.memory_space<hbm>> -> memref<176x256xf32, #tpu.memory_space<hbm>>
      tpu.enqueue_dma source(%arg6 : memref<176x256xf32, #tpu.memory_space<vmem>>) target(%dma_start3A_10 : memref<176x256xf32, #tpu.memory_space<hbm>>) target_semaphore(%run_scoped3A : memref<!tpu.dma_semaphore, #tpu.memory_space<semaphore_mem>>)
      %dma_wait3A_11 = arith.constant 0 : i32
      %dma_wait3A_12 = tpu.memref_slice %arg4[%mul3A_2, %dma_wait3A_11] : memref<5632x256xf32, #tpu.memory_space<hbm>> -> memref<176x256xf32, #tpu.memory_space<hbm>>
      %dma_wait3A_13 = arith.constant 0 : i32
      %dma_wait3A_14 = tpu.memref_slice %arg4[%mul3A_2, %dma_wait3A_13] : memref<5632x256xf32, #tpu.memory_space<hbm>> -> memref<176x256xf32, #tpu.memory_space<hbm>>
      tpu.wait_dma2 semaphore(%run_scoped3A : memref<!tpu.dma_semaphore, #tpu.memory_space<semaphore_mem>>) src(%arg6 : memref<176x256xf32, #tpu.memory_space<vmem>>) dst(%dma_wait3A_14 : memref<176x256xf32, #tpu.memory_space<hbm>>)
      tpu.yield
    }) : () -> ()
    return
  }
}

module attributes {stable_mosaic.version = 14 : i64} {
  func.func @_sim_topk_kernel(%arg0: i32, %arg1: memref<1x704x256xf32, #tpu.memory_space<vmem>>, %arg2: memref<1x256x4096xf32, #tpu.memory_space<vmem>>, %arg3: memref<1x256x1024xf32, #tpu.memory_space<vmem>>, %arg4: memref<1x256x256xf32, #tpu.memory_space<vmem>>, %arg5: memref<1x256x64xf32, #tpu.memory_space<vmem>>, %arg6: memref<1x704x4xi32, #tpu.memory_space<vmem>>) attributes {dimension_semantics = [#tpu.dimension_semantics<arbitrary>], iteration_bounds = array<i64: 2>, scalar_prefetch = 0 : i64, scratch_operands = 0 : i64, tpu.core_type = #tpu.core_type<tc>, window_params = [{transform_indices = @transform_0, window_bounds = array<i64: 1, 704, 256>}, {transform_indices = @transform_1, window_bounds = array<i64: 1, 256, 4096>}, {transform_indices = @transform_2, window_bounds = array<i64: 1, 256, 1024>}, {transform_indices = @transform_3, window_bounds = array<i64: 1, 256, 256>}, {transform_indices = @transform_4, window_bounds = array<i64: 1, 256, 64>}, {transform_indices = @transform_5, window_bounds = array<i64: 1, 704, 4>}]} {
    %get3A = arith.constant 0 : index
    %get3A_0 = arith.constant 0 : index
    %get3A_1 = arith.constant 0 : index
    %get3A_2 = vector.load %arg1[%get3A, %get3A_0, %get3A_1] : memref<1x704x256xf32, #tpu.memory_space<vmem>>, vector<1x704x256xf32>
    %get3A_3 = vector.shape_cast %get3A_2 : vector<1x704x256xf32> to vector<704x256xf32>
    %get3A_4 = arith.constant 0 : index
    %get3A_5 = arith.constant 0 : index
    %get3A_6 = arith.constant 0 : index
    %get3A_7 = vector.load %arg2[%get3A_4, %get3A_5, %get3A_6] : memref<1x256x4096xf32, #tpu.memory_space<vmem>>, vector<1x256x4096xf32>
    %get3A_8 = vector.shape_cast %get3A_7 : vector<1x256x4096xf32> to vector<256x4096xf32>
    %dot_general3A = arith.constant dense<0.000000e+00> : vector<704x4096xf32>
    %dot_general3A_9 = tpu.matmul %get3A_3, %get3A_8, %dot_general3A {dimension_numbers = #tpu.dot_dimension_numbers<[1], [0], [0], [1], [0, 0, 1, 1], [], []>, transpose_lhs_hint = false} : vector<704x256xf32>, vector<256x4096xf32>, vector<704x4096xf32> -> vector<704x4096xf32>
    %get3A_10 = arith.constant 0 : index
    %get3A_11 = arith.constant 0 : index
    %get3A_12 = arith.constant 0 : index
    %get3A_13 = vector.load %arg3[%get3A_10, %get3A_11, %get3A_12] : memref<1x256x1024xf32, #tpu.memory_space<vmem>>, vector<1x256x1024xf32>
    %get3A_14 = vector.shape_cast %get3A_13 : vector<1x256x1024xf32> to vector<256x1024xf32>
    %dot_general3A_15 = arith.constant dense<0.000000e+00> : vector<704x1024xf32>
    %dot_general3A_16 = tpu.matmul %get3A_3, %get3A_14, %dot_general3A_15 {dimension_numbers = #tpu.dot_dimension_numbers<[1], [0], [0], [1], [0, 0, 1, 1], [], []>, transpose_lhs_hint = false} : vector<704x256xf32>, vector<256x1024xf32>, vector<704x1024xf32> -> vector<704x1024xf32>
    %get3A_17 = arith.constant 0 : index
    %get3A_18 = arith.constant 0 : index
    %get3A_19 = arith.constant 0 : index
    %get3A_20 = vector.load %arg4[%get3A_17, %get3A_18, %get3A_19] : memref<1x256x256xf32, #tpu.memory_space<vmem>>, vector<1x256x256xf32>
    %get3A_21 = vector.shape_cast %get3A_20 : vector<1x256x256xf32> to vector<256x256xf32>
    %dot_general3A_22 = arith.constant dense<0.000000e+00> : vector<704x256xf32>
    %dot_general3A_23 = tpu.matmul %get3A_3, %get3A_21, %dot_general3A_22 {dimension_numbers = #tpu.dot_dimension_numbers<[1], [0], [0], [1], [0, 0, 1, 1], [], []>, transpose_lhs_hint = false} : vector<704x256xf32>, vector<256x256xf32>, vector<704x256xf32> -> vector<704x256xf32>
    %get3A_24 = arith.constant 0 : index
    %get3A_25 = arith.constant 0 : index
    %get3A_26 = arith.constant 0 : index
    %get3A_27 = vector.load %arg5[%get3A_24, %get3A_25, %get3A_26] : memref<1x256x64xf32, #tpu.memory_space<vmem>>, vector<1x256x64xf32>
    %get3A_28 = vector.shape_cast %get3A_27 : vector<1x256x64xf32> to vector<256x64xf32>
    %dot_general3A_29 = arith.constant dense<0.000000e+00> : vector<704x64xf32>
    %dot_general3A_30 = tpu.matmul %get3A_3, %get3A_28, %dot_general3A_29 {dimension_numbers = #tpu.dot_dimension_numbers<[1], [0], [0], [1], [0, 0, 1, 1], [], []>, transpose_lhs_hint = false} : vector<704x256xf32>, vector<256x64xf32>, vector<704x64xf32> -> vector<704x64xf32>
    %concatenate3A = tpu.concatenate %dot_general3A_9, %dot_general3A_16, %dot_general3A_23, %dot_general3A_30 in 1 : vector<704x4096xf32>, vector<704x1024xf32>, vector<704x256xf32>, vector<704x64xf32> -> vector<704x5440xf32>
    %iota3A = tpu.iota {dimensions = array<i32: 1>} : vector<704x5440xi32>
    %argmax3A = tpu.reduce_index %concatenate3A {axis = 1 : i32, kind = #tpu.reduction_kind<arg_max>} : vector<704x5440xf32> -> vector<704xi32>
    %broadcast_in_dim3A = vector.shape_cast %argmax3A : vector<704xi32> to vector<704x1xi32>
    %broadcast_in_dim3A_31 = vector.shape_cast %argmax3A : vector<704xi32> to vector<704x1xi32>
    %eq3A = vector.broadcast %broadcast_in_dim3A_31 : vector<704x1xi32> to vector<704x5440xi32>
    %eq3A_32 = arith.cmpi eq, %iota3A, %eq3A : vector<704x5440xi32>
    %jit3A = arith.constant -3.000000e+38 : f32
    %broadcast_in_dim3A_33 = vector.broadcast %jit3A : f32 to vector<704x5440xf32>
    %select_n3A = arith.select %eq3A_32, %broadcast_in_dim3A_33, %concatenate3A : vector<704x5440xi1>, vector<704x5440xf32>
    %argmax3A_34 = tpu.reduce_index %select_n3A {axis = 1 : i32, kind = #tpu.reduction_kind<arg_max>} : vector<704x5440xf32> -> vector<704xi32>
    %broadcast_in_dim3A_35 = vector.shape_cast %argmax3A_34 : vector<704xi32> to vector<704x1xi32>
    %broadcast_in_dim3A_36 = vector.shape_cast %argmax3A_34 : vector<704xi32> to vector<704x1xi32>
    %eq3A_37 = vector.broadcast %broadcast_in_dim3A_36 : vector<704x1xi32> to vector<704x5440xi32>
    %eq3A_38 = arith.cmpi eq, %iota3A, %eq3A_37 : vector<704x5440xi32>
    %jit3A_39 = arith.constant -3.000000e+38 : f32
    %broadcast_in_dim3A_40 = vector.broadcast %jit3A_39 : f32 to vector<704x5440xf32>
    %select_n3A_41 = arith.select %eq3A_38, %broadcast_in_dim3A_40, %select_n3A : vector<704x5440xi1>, vector<704x5440xf32>
    %argmax3A_42 = tpu.reduce_index %select_n3A_41 {axis = 1 : i32, kind = #tpu.reduction_kind<arg_max>} : vector<704x5440xf32> -> vector<704xi32>
    %broadcast_in_dim3A_43 = vector.shape_cast %argmax3A_42 : vector<704xi32> to vector<704x1xi32>
    %broadcast_in_dim3A_44 = vector.shape_cast %argmax3A_42 : vector<704xi32> to vector<704x1xi32>
    %eq3A_45 = vector.broadcast %broadcast_in_dim3A_44 : vector<704x1xi32> to vector<704x5440xi32>
    %eq3A_46 = arith.cmpi eq, %iota3A, %eq3A_45 : vector<704x5440xi32>
    %jit3A_47 = arith.constant -3.000000e+38 : f32
    %broadcast_in_dim3A_48 = vector.broadcast %jit3A_47 : f32 to vector<704x5440xf32>
    %select_n3A_49 = arith.select %eq3A_46, %broadcast_in_dim3A_48, %select_n3A_41 : vector<704x5440xi1>, vector<704x5440xf32>
    %argmax3A_50 = tpu.reduce_index %select_n3A_49 {axis = 1 : i32, kind = #tpu.reduction_kind<arg_max>} : vector<704x5440xf32> -> vector<704xi32>
    %broadcast_in_dim3A_51 = vector.shape_cast %argmax3A_50 : vector<704xi32> to vector<704x1xi32>
    %concatenate3A_52 = tpu.concatenate %broadcast_in_dim3A, %broadcast_in_dim3A_35, %broadcast_in_dim3A_43, %broadcast_in_dim3A_51 in 1 : vector<704x1xi32>, vector<704x1xi32>, vector<704x1xi32>, vector<704x1xi32> -> vector<704x4xi32>
    %swap3A = arith.constant 0 : index
    %swap3A_53 = arith.constant 0 : index
    %swap3A_54 = arith.constant 0 : index
    %swap3A_55 = vector.load %arg6[%swap3A, %swap3A_53, %swap3A_54] : memref<1x704x4xi32, #tpu.memory_space<vmem>>, vector<1x704x4xi32>
    %swap3A_56 = vector.shape_cast %swap3A_55 : vector<1x704x4xi32> to vector<704x4xi32>
    %swap3A_57 = vector.shape_cast %concatenate3A_52 : vector<704x4xi32> to vector<1x704x4xi32>
    tpu.vector_store %arg6[%swap3A, %swap3A_53, %swap3A_54], %swap3A_57 {strides = array<i32>} : memref<1x704x4xi32, #tpu.memory_space<vmem>>, vector<1x704x4xi32>,
    return
  }
  func.func @transform_0(%arg0: i32) -> (i32, i32, i32) {
    %c0_i32 = arith.constant 0 : i32
    %c0_i32_0 = arith.constant 0 : i32
    %c0_i32_1 = arith.constant 0 : i32
    return %c0_i32, %arg0, %c0_i32_0 : i32, i32, i32
  }
  func.func @transform_1(%arg0: i32) -> (i32, i32, i32) {
    %c0_i32 = arith.constant 0 : i32
    %c0_i32_0 = arith.constant 0 : i32
    %c0_i32_1 = arith.constant 0 : i32
    %c0_i32_2 = arith.constant 0 : i32
    return %c0_i32, %c0_i32_0, %c0_i32_1 : i32, i32, i32
  }
  func.func @transform_2(%arg0: i32) -> (i32, i32, i32) {
    %c0_i32 = arith.constant 0 : i32
    %c0_i32_0 = arith.constant 0 : i32
    %c0_i32_1 = arith.constant 0 : i32
    %c0_i32_2 = arith.constant 0 : i32
    return %c0_i32, %c0_i32_0, %c0_i32_1 : i32, i32, i32
  }
  func.func @transform_3(%arg0: i32) -> (i32, i32, i32) {
    %c0_i32 = arith.constant 0 : i32
    %c0_i32_0 = arith.constant 0 : i32
    %c0_i32_1 = arith.constant 0 : i32
    %c0_i32_2 = arith.constant 0 : i32
    return %c0_i32, %c0_i32_0, %c0_i32_1 : i32, i32, i32
  }
  func.func @transform_4(%arg0: i32) -> (i32, i32, i32) {
    %c0_i32 = arith.constant 0 : i32
    %c0_i32_0 = arith.constant 0 : i32
    %c0_i32_1 = arith.constant 0 : i32
    %c0_i32_2 = arith.constant 0 : i32
    return %c0_i32, %c0_i32_0, %c0_i32_1 : i32, i32, i32
  }
  func.func @transform_5(%arg0: i32) -> (i32, i32, i32) {
    %c0_i32 = arith.constant 0 : i32
    %c0_i32_0 = arith.constant 0 : i32
    %c0_i32_1 = arith.constant 0 : i32
    return %c0_i32, %arg0, %c0_i32_0 : i32, i32, i32
  }
}

module attributes {stable_mosaic.version = 14 : i64} {
  func.func @_sim_topk_kernel(%arg0: i32, %arg1: memref<1x704x256xf32, #tpu.memory_space<vmem>>, %arg2: memref<1x256x4096xf32, #tpu.memory_space<vmem>>, %arg3: memref<1x256x1024xf32, #tpu.memory_space<vmem>>, %arg4: memref<1x256x256xf32, #tpu.memory_space<vmem>>, %arg5: memref<1x256x64xf32, #tpu.memory_space<vmem>>, %arg6: memref<1x704x4xi32, #tpu.memory_space<vmem>>) attributes {dimension_semantics = [#tpu.dimension_semantics<arbitrary>], iteration_bounds = array<i64: 2>, scalar_prefetch = 0 : i64, scratch_operands = 0 : i64, tpu.core_type = #tpu.core_type<tc>, window_params = [{transform_indices = @transform_0, window_bounds = array<i64: 1, 704, 256>}, {transform_indices = @transform_1, window_bounds = array<i64: 1, 256, 4096>}, {transform_indices = @transform_2, window_bounds = array<i64: 1, 256, 1024>}, {transform_indices = @transform_3, window_bounds = array<i64: 1, 256, 256>}, {transform_indices = @transform_4, window_bounds = array<i64: 1, 256, 64>}, {transform_indices = @transform_5, window_bounds = array<i64: 1, 704, 4>}]} {
    %get3A = arith.constant 0 : index
    %get3A_0 = arith.constant 0 : index
    %get3A_1 = arith.constant 0 : index
    %get3A_2 = vector.load %arg1[%get3A, %get3A_0, %get3A_1] : memref<1x704x256xf32, #tpu.memory_space<vmem>>, vector<1x704x256xf32>
    %get3A_3 = vector.shape_cast %get3A_2 : vector<1x704x256xf32> to vector<704x256xf32>
    %get3A_4 = arith.constant 0 : index
    %get3A_5 = arith.constant 0 : index
    %get3A_6 = arith.constant 0 : index
    %get3A_7 = vector.load %arg2[%get3A_4, %get3A_5, %get3A_6] : memref<1x256x4096xf32, #tpu.memory_space<vmem>>, vector<1x256x4096xf32>
    %get3A_8 = vector.shape_cast %get3A_7 : vector<1x256x4096xf32> to vector<256x4096xf32>
    %dot_general3A = arith.constant dense<0.000000e+00> : vector<704x4096xf32>
    %dot_general3A_9 = tpu.matmul %get3A_3, %get3A_8, %dot_general3A {dimension_numbers = #tpu.dot_dimension_numbers<[1], [0], [0], [1], [0, 0, 1, 1], [], []>, transpose_lhs_hint = false} : vector<704x256xf32>, vector<256x4096xf32>, vector<704x4096xf32> -> vector<704x4096xf32>
    %get3A_10 = arith.constant 0 : index
    %get3A_11 = arith.constant 0 : index
    %get3A_12 = arith.constant 0 : index
    %get3A_13 = vector.load %arg3[%get3A_10, %get3A_11, %get3A_12] : memref<1x256x1024xf32, #tpu.memory_space<vmem>>, vector<1x256x1024xf32>
    %get3A_14 = vector.shape_cast %get3A_13 : vector<1x256x1024xf32> to vector<256x1024xf32>
    %dot_general3A_15 = arith.constant dense<0.000000e+00> : vector<704x1024xf32>
    %dot_general3A_16 = tpu.matmul %get3A_3, %get3A_14, %dot_general3A_15 {dimension_numbers = #tpu.dot_dimension_numbers<[1], [0], [0], [1], [0, 0, 1, 1], [], []>, transpose_lhs_hint = false} : vector<704x256xf32>, vector<256x1024xf32>, vector<704x1024xf32> -> vector<704x1024xf32>
    %get3A_17 = arith.constant 0 : index
    %get3A_18 = arith.constant 0 : index
    %get3A_19 = arith.constant 0 : index
    %get3A_20 = vector.load %arg4[%get3A_17, %get3A_18, %get3A_19] : memref<1x256x256xf32, #tpu.memory_space<vmem>>, vector<1x256x256xf32>
    %get3A_21 = vector.shape_cast %get3A_20 : vector<1x256x256xf32> to vector<256x256xf32>
    %dot_general3A_22 = arith.constant dense<0.000000e+00> : vector<704x256xf32>
    %dot_general3A_23 = tpu.matmul %get3A_3, %get3A_21, %dot_general3A_22 {dimension_numbers = #tpu.dot_dimension_numbers<[1], [0], [0], [1], [0, 0, 1, 1], [], []>, transpose_lhs_hint = false} : vector<704x256xf32>, vector<256x256xf32>, vector<704x256xf32> -> vector<704x256xf32>
    %get3A_24 = arith.constant 0 : index
    %get3A_25 = arith.constant 0 : index
    %get3A_26 = arith.constant 0 : index
    %get3A_27 = vector.load %arg5[%get3A_24, %get3A_25, %get3A_26] : memref<1x256x64xf32, #tpu.memory_space<vmem>>, vector<1x256x64xf32>
    %get3A_28 = vector.shape_cast %get3A_27 : vector<1x256x64xf32> to vector<256x64xf32>
    %dot_general3A_29 = arith.constant dense<0.000000e+00> : vector<704x64xf32>
    %dot_general3A_30 = tpu.matmul %get3A_3, %get3A_28, %dot_general3A_29 {dimension_numbers = #tpu.dot_dimension_numbers<[1], [0], [0], [1], [0, 0, 1, 1], [], []>, transpose_lhs_hint = false} : vector<704x256xf32>, vector<256x64xf32>, vector<704x64xf32> -> vector<704x64xf32>
    %concatenate3A = tpu.concatenate %dot_general3A_9, %dot_general3A_16, %dot_general3A_23, %dot_general3A_30 in 1 : vector<704x4096xf32>, vector<704x1024xf32>, vector<704x256xf32>, vector<704x64xf32> -> vector<704x5440xf32>
    %iota3A = tpu.iota {dimensions = array<i32: 1>} : vector<704x5440xi32>
    %argmax3A = tpu.reduce_index %concatenate3A {axis = 1 : i32, kind = #tpu.reduction_kind<arg_max>} : vector<704x5440xf32> -> vector<704xi32>
    %broadcast_in_dim3A = vector.shape_cast %argmax3A : vector<704xi32> to vector<704x1xi32>
    %broadcast_in_dim3A_31 = vector.shape_cast %argmax3A : vector<704xi32> to vector<704x1xi32>
    %eq3A = vector.broadcast %broadcast_in_dim3A_31 : vector<704x1xi32> to vector<704x5440xi32>
    %eq3A_32 = arith.cmpi eq, %iota3A, %eq3A : vector<704x5440xi32>
    %jit3A = arith.constant -3.000000e+38 : f32
    %broadcast_in_dim3A_33 = vector.broadcast %jit3A : f32 to vector<704x5440xf32>
    %select_n3A = arith.select %eq3A_32, %broadcast_in_dim3A_33, %concatenate3A : vector<704x5440xi1>, vector<704x5440xf32>
    %argmax3A_34 = tpu.reduce_index %select_n3A {axis = 1 : i32, kind = #tpu.reduction_kind<arg_max>} : vector<704x5440xf32> -> vector<704xi32>
    %broadcast_in_dim3A_35 = vector.shape_cast %argmax3A_34 : vector<704xi32> to vector<704x1xi32>
    %broadcast_in_dim3A_36 = vector.shape_cast %argmax3A_34 : vector<704xi32> to vector<704x1xi32>
    %eq3A_37 = vector.broadcast %broadcast_in_dim3A_36 : vector<704x1xi32> to vector<704x5440xi32>
    %eq3A_38 = arith.cmpi eq, %iota3A, %eq3A_37 : vector<704x5440xi32>
    %jit3A_39 = arith.constant -3.000000e+38 : f32
    %broadcast_in_dim3A_40 = vector.broadcast %jit3A_39 : f32 to vector<704x5440xf32>
    %select_n3A_41 = arith.select %eq3A_38, %broadcast_in_dim3A_40, %select_n3A : vector<704x5440xi1>, vector<704x5440xf32>
    %argmax3A_42 = tpu.reduce_index %select_n3A_41 {axis = 1 : i32, kind = #tpu.reduction_kind<arg_max>} : vector<704x5440xf32> -> vector<704xi32>
    %broadcast_in_dim3A_43 = vector.shape_cast %argmax3A_42 : vector<704xi32> to vector<704x1xi32>
    %broadcast_in_dim3A_44 = vector.shape_cast %argmax3A_42 : vector<704xi32> to vector<704x1xi32>
    %eq3A_45 = vector.broadcast %broadcast_in_dim3A_44 : vector<704x1xi32> to vector<704x5440xi32>
    %eq3A_46 = arith.cmpi eq, %iota3A, %eq3A_45 : vector<704x5440xi32>
    %jit3A_47 = arith.constant -3.000000e+38 : f32
    %broadcast_in_dim3A_48 = vector.broadcast %jit3A_47 : f32 to vector<704x5440xf32>
    %select_n3A_49 = arith.select %eq3A_46, %broadcast_in_dim3A_48, %select_n3A_41 : vector<704x5440xi1>, vector<704x5440xf32>
    %argmax3A_50 = tpu.reduce_index %select_n3A_49 {axis = 1 : i32, kind = #tpu.reduction_kind<arg_max>} : vector<704x5440xf32> -> vector<704xi32>
    %broadcast_in_dim3A_51 = vector.shape_cast %argmax3A_50 : vector<704xi32> to vector<704x1xi32>
    %concatenate3A_52 = tpu.concatenate %broadcast_in_dim3A, %broadcast_in_dim3A_35, %broadcast_in_dim3A_43, %broadcast_in_dim3A_51 in 1 : vector<704x1xi32>, vector<704x1xi32>, vector<704x1xi32>, vector<704x1xi32> -> vector<704x4xi32>
    %swap3A = arith.constant 0 : index
    %swap3A_53 = arith.constant 0 : index
    %swap3A_54 = arith.constant 0 : index
    %swap3A_55 = vector.load %arg6[%swap3A, %swap3A_53, %swap3A_54] : memref<1x704x4xi32, #tpu.memory_space<vmem>>, vector<1x704x4xi32>
    %swap3A_56 = vector.shape_cast %swap3A_55 : vector<1x704x4xi32> to vector<704x4xi32>
    %swap3A_57 = vector.shape_cast %concatenate3A_52 : vector<704x4xi32> to vector<1x704x4xi32>
    tpu.vector_store %arg6[%swap3A, %swap3A_53, %swap3A_54], %swap3A_57 {strides = array<i32>} : memref<1x704x4xi32, #tpu.memory_space<vmem>>, vector<1x704x4xi32>,
    return
  }
  func.func @transform_0(%arg0: i32) -> (i32, i32, i32) {
    %c1_i32 = arith.constant 1 : i32
    %c0_i32 = arith.constant 0 : i32
    %c0_i32_0 = arith.constant 0 : i32
    return %c1_i32, %arg0, %c0_i32 : i32, i32, i32
  }
  func.func @transform_1(%arg0: i32) -> (i32, i32, i32) {
    %c1_i32 = arith.constant 1 : i32
    %c0_i32 = arith.constant 0 : i32
    %c0_i32_0 = arith.constant 0 : i32
    %c0_i32_1 = arith.constant 0 : i32
    return %c1_i32, %c0_i32, %c0_i32_0 : i32, i32, i32
  }
  func.func @transform_2(%arg0: i32) -> (i32, i32, i32) {
    %c1_i32 = arith.constant 1 : i32
    %c0_i32 = arith.constant 0 : i32
    %c0_i32_0 = arith.constant 0 : i32
    %c0_i32_1 = arith.constant 0 : i32
    return %c1_i32, %c0_i32, %c0_i32_0 : i32, i32, i32
  }
  func.func @transform_3(%arg0: i32) -> (i32, i32, i32) {
    %c1_i32 = arith.constant 1 : i32
    %c0_i32 = arith.constant 0 : i32
    %c0_i32_0 = arith.constant 0 : i32
    %c0_i32_1 = arith.constant 0 : i32
    return %c1_i32, %c0_i32, %c0_i32_0 : i32, i32, i32
  }
  func.func @transform_4(%arg0: i32) -> (i32, i32, i32) {
    %c1_i32 = arith.constant 1 : i32
    %c0_i32 = arith.constant 0 : i32
    %c0_i32_0 = arith.constant 0 : i32
    %c0_i32_1 = arith.constant 0 : i32
    return %c1_i32, %c0_i32, %c0_i32_0 : i32, i32, i32
  }
  func.func @transform_5(%arg0: i32) -> (i32, i32, i32) {
    %c0_i32 = arith.constant 0 : i32
    %c0_i32_0 = arith.constant 0 : i32
    %c0_i32_1 = arith.constant 0 : i32
    return %c0_i32, %arg0, %c0_i32_0 : i32, i32, i32
  }
}

module attributes {stable_mosaic.version = 14 : i64} {
  func.func @_sim_topk_kernel(%arg0: i32, %arg1: memref<1x704x256xf32, #tpu.memory_space<vmem>>, %arg2: memref<1x256x4096xf32, #tpu.memory_space<vmem>>, %arg3: memref<1x256x1024xf32, #tpu.memory_space<vmem>>, %arg4: memref<1x256x256xf32, #tpu.memory_space<vmem>>, %arg5: memref<1x256x64xf32, #tpu.memory_space<vmem>>, %arg6: memref<1x704x4xi32, #tpu.memory_space<vmem>>) attributes {dimension_semantics = [#tpu.dimension_semantics<arbitrary>], iteration_bounds = array<i64: 2>, scalar_prefetch = 0 : i64, scratch_operands = 0 : i64, tpu.core_type = #tpu.core_type<tc>, window_params = [{transform_indices = @transform_0, window_bounds = array<i64: 1, 704, 256>}, {transform_indices = @transform_1, window_bounds = array<i64: 1, 256, 4096>}, {transform_indices = @transform_2, window_bounds = array<i64: 1, 256, 1024>}, {transform_indices = @transform_3, window_bounds = array<i64: 1, 256, 256>}, {transform_indices = @transform_4, window_bounds = array<i64: 1, 256, 64>}, {transform_indices = @transform_5, window_bounds = array<i64: 1, 704, 4>}]} {
    %get3A = arith.constant 0 : index
    %get3A_0 = arith.constant 0 : index
    %get3A_1 = arith.constant 0 : index
    %get3A_2 = vector.load %arg1[%get3A, %get3A_0, %get3A_1] : memref<1x704x256xf32, #tpu.memory_space<vmem>>, vector<1x704x256xf32>
    %get3A_3 = vector.shape_cast %get3A_2 : vector<1x704x256xf32> to vector<704x256xf32>
    %get3A_4 = arith.constant 0 : index
    %get3A_5 = arith.constant 0 : index
    %get3A_6 = arith.constant 0 : index
    %get3A_7 = vector.load %arg2[%get3A_4, %get3A_5, %get3A_6] : memref<1x256x4096xf32, #tpu.memory_space<vmem>>, vector<1x256x4096xf32>
    %get3A_8 = vector.shape_cast %get3A_7 : vector<1x256x4096xf32> to vector<256x4096xf32>
    %dot_general3A = arith.constant dense<0.000000e+00> : vector<704x4096xf32>
    %dot_general3A_9 = tpu.matmul %get3A_3, %get3A_8, %dot_general3A {dimension_numbers = #tpu.dot_dimension_numbers<[1], [0], [0], [1], [0, 0, 1, 1], [], []>, transpose_lhs_hint = false} : vector<704x256xf32>, vector<256x4096xf32>, vector<704x4096xf32> -> vector<704x4096xf32>
    %get3A_10 = arith.constant 0 : index
    %get3A_11 = arith.constant 0 : index
    %get3A_12 = arith.constant 0 : index
    %get3A_13 = vector.load %arg3[%get3A_10, %get3A_11, %get3A_12] : memref<1x256x1024xf32, #tpu.memory_space<vmem>>, vector<1x256x1024xf32>
    %get3A_14 = vector.shape_cast %get3A_13 : vector<1x256x1024xf32> to vector<256x1024xf32>
    %dot_general3A_15 = arith.constant dense<0.000000e+00> : vector<704x1024xf32>
    %dot_general3A_16 = tpu.matmul %get3A_3, %get3A_14, %dot_general3A_15 {dimension_numbers = #tpu.dot_dimension_numbers<[1], [0], [0], [1], [0, 0, 1, 1], [], []>, transpose_lhs_hint = false} : vector<704x256xf32>, vector<256x1024xf32>, vector<704x1024xf32> -> vector<704x1024xf32>
    %get3A_17 = arith.constant 0 : index
    %get3A_18 = arith.constant 0 : index
    %get3A_19 = arith.constant 0 : index
    %get3A_20 = vector.load %arg4[%get3A_17, %get3A_18, %get3A_19] : memref<1x256x256xf32, #tpu.memory_space<vmem>>, vector<1x256x256xf32>
    %get3A_21 = vector.shape_cast %get3A_20 : vector<1x256x256xf32> to vector<256x256xf32>
    %dot_general3A_22 = arith.constant dense<0.000000e+00> : vector<704x256xf32>
    %dot_general3A_23 = tpu.matmul %get3A_3, %get3A_21, %dot_general3A_22 {dimension_numbers = #tpu.dot_dimension_numbers<[1], [0], [0], [1], [0, 0, 1, 1], [], []>, transpose_lhs_hint = false} : vector<704x256xf32>, vector<256x256xf32>, vector<704x256xf32> -> vector<704x256xf32>
    %get3A_24 = arith.constant 0 : index
    %get3A_25 = arith.constant 0 : index
    %get3A_26 = arith.constant 0 : index
    %get3A_27 = vector.load %arg5[%get3A_24, %get3A_25, %get3A_26] : memref<1x256x64xf32, #tpu.memory_space<vmem>>, vector<1x256x64xf32>
    %get3A_28 = vector.shape_cast %get3A_27 : vector<1x256x64xf32> to vector<256x64xf32>
    %dot_general3A_29 = arith.constant dense<0.000000e+00> : vector<704x64xf32>
    %dot_general3A_30 = tpu.matmul %get3A_3, %get3A_28, %dot_general3A_29 {dimension_numbers = #tpu.dot_dimension_numbers<[1], [0], [0], [1], [0, 0, 1, 1], [], []>, transpose_lhs_hint = false} : vector<704x256xf32>, vector<256x64xf32>, vector<704x64xf32> -> vector<704x64xf32>
    %concatenate3A = tpu.concatenate %dot_general3A_9, %dot_general3A_16, %dot_general3A_23, %dot_general3A_30 in 1 : vector<704x4096xf32>, vector<704x1024xf32>, vector<704x256xf32>, vector<704x64xf32> -> vector<704x5440xf32>
    %iota3A = tpu.iota {dimensions = array<i32: 1>} : vector<704x5440xi32>
    %argmax3A = tpu.reduce_index %concatenate3A {axis = 1 : i32, kind = #tpu.reduction_kind<arg_max>} : vector<704x5440xf32> -> vector<704xi32>
    %broadcast_in_dim3A = vector.shape_cast %argmax3A : vector<704xi32> to vector<704x1xi32>
    %broadcast_in_dim3A_31 = vector.shape_cast %argmax3A : vector<704xi32> to vector<704x1xi32>
    %eq3A = vector.broadcast %broadcast_in_dim3A_31 : vector<704x1xi32> to vector<704x5440xi32>
    %eq3A_32 = arith.cmpi eq, %iota3A, %eq3A : vector<704x5440xi32>
    %jit3A = arith.constant -3.000000e+38 : f32
    %broadcast_in_dim3A_33 = vector.broadcast %jit3A : f32 to vector<704x5440xf32>
    %select_n3A = arith.select %eq3A_32, %broadcast_in_dim3A_33, %concatenate3A : vector<704x5440xi1>, vector<704x5440xf32>
    %argmax3A_34 = tpu.reduce_index %select_n3A {axis = 1 : i32, kind = #tpu.reduction_kind<arg_max>} : vector<704x5440xf32> -> vector<704xi32>
    %broadcast_in_dim3A_35 = vector.shape_cast %argmax3A_34 : vector<704xi32> to vector<704x1xi32>
    %broadcast_in_dim3A_36 = vector.shape_cast %argmax3A_34 : vector<704xi32> to vector<704x1xi32>
    %eq3A_37 = vector.broadcast %broadcast_in_dim3A_36 : vector<704x1xi32> to vector<704x5440xi32>
    %eq3A_38 = arith.cmpi eq, %iota3A, %eq3A_37 : vector<704x5440xi32>
    %jit3A_39 = arith.constant -3.000000e+38 : f32
    %broadcast_in_dim3A_40 = vector.broadcast %jit3A_39 : f32 to vector<704x5440xf32>
    %select_n3A_41 = arith.select %eq3A_38, %broadcast_in_dim3A_40, %select_n3A : vector<704x5440xi1>, vector<704x5440xf32>
    %argmax3A_42 = tpu.reduce_index %select_n3A_41 {axis = 1 : i32, kind = #tpu.reduction_kind<arg_max>} : vector<704x5440xf32> -> vector<704xi32>
    %broadcast_in_dim3A_43 = vector.shape_cast %argmax3A_42 : vector<704xi32> to vector<704x1xi32>
    %broadcast_in_dim3A_44 = vector.shape_cast %argmax3A_42 : vector<704xi32> to vector<704x1xi32>
    %eq3A_45 = vector.broadcast %broadcast_in_dim3A_44 : vector<704x1xi32> to vector<704x5440xi32>
    %eq3A_46 = arith.cmpi eq, %iota3A, %eq3A_45 : vector<704x5440xi32>
    %jit3A_47 = arith.constant -3.000000e+38 : f32
    %broadcast_in_dim3A_48 = vector.broadcast %jit3A_47 : f32 to vector<704x5440xf32>
    %select_n3A_49 = arith.select %eq3A_46, %broadcast_in_dim3A_48, %select_n3A_41 : vector<704x5440xi1>, vector<704x5440xf32>
    %argmax3A_50 = tpu.reduce_index %select_n3A_49 {axis = 1 : i32, kind = #tpu.reduction_kind<arg_max>} : vector<704x5440xf32> -> vector<704xi32>
    %broadcast_in_dim3A_51 = vector.shape_cast %argmax3A_50 : vector<704xi32> to vector<704x1xi32>
    %concatenate3A_52 = tpu.concatenate %broadcast_in_dim3A, %broadcast_in_dim3A_35, %broadcast_in_dim3A_43, %broadcast_in_dim3A_51 in 1 : vector<704x1xi32>, vector<704x1xi32>, vector<704x1xi32>, vector<704x1xi32> -> vector<704x4xi32>
    %swap3A = arith.constant 0 : index
    %swap3A_53 = arith.constant 0 : index
    %swap3A_54 = arith.constant 0 : index
    %swap3A_55 = vector.load %arg6[%swap3A, %swap3A_53, %swap3A_54] : memref<1x704x4xi32, #tpu.memory_space<vmem>>, vector<1x704x4xi32>
    %swap3A_56 = vector.shape_cast %swap3A_55 : vector<1x704x4xi32> to vector<704x4xi32>
    %swap3A_57 = vector.shape_cast %concatenate3A_52 : vector<704x4xi32> to vector<1x704x4xi32>
    tpu.vector_store %arg6[%swap3A, %swap3A_53, %swap3A_54], %swap3A_57 {strides = array<i32>} : memref<1x704x4xi32, #tpu.memory_space<vmem>>, vector<1x704x4xi32>,
    return
  }
  func.func @transform_0(%arg0: i32) -> (i32, i32, i32) {
    %c2_i32 = arith.constant 2 : i32
    %c0_i32 = arith.constant 0 : i32
    %c0_i32_0 = arith.constant 0 : i32
    return %c2_i32, %arg0, %c0_i32 : i32, i32, i32
  }
  func.func @transform_1(%arg0: i32) -> (i32, i32, i32) {
    %c2_i32 = arith.constant 2 : i32
    %c0_i32 = arith.constant 0 : i32
    %c0_i32_0 = arith.constant 0 : i32
    %c0_i32_1 = arith.constant 0 : i32
    return %c2_i32, %c0_i32, %c0_i32_0 : i32, i32, i32
  }
  func.func @transform_2(%arg0: i32) -> (i32, i32, i32) {
    %c2_i32 = arith.constant 2 : i32
    %c0_i32 = arith.constant 0 : i32
    %c0_i32_0 = arith.constant 0 : i32
    %c0_i32_1 = arith.constant 0 : i32
    return %c2_i32, %c0_i32, %c0_i32_0 : i32, i32, i32
  }
  func.func @transform_3(%arg0: i32) -> (i32, i32, i32) {
    %c2_i32 = arith.constant 2 : i32
    %c0_i32 = arith.constant 0 : i32
    %c0_i32_0 = arith.constant 0 : i32
    %c0_i32_1 = arith.constant 0 : i32
    return %c2_i32, %c0_i32, %c0_i32_0 : i32, i32, i32
  }
  func.func @transform_4(%arg0: i32) -> (i32, i32, i32) {
    %c2_i32 = arith.constant 2 : i32
    %c0_i32 = arith.constant 0 : i32
    %c0_i32_0 = arith.constant 0 : i32
    %c0_i32_1 = arith.constant 0 : i32
    return %c2_i32, %c0_i32, %c0_i32_0 : i32, i32, i32
  }
  func.func @transform_5(%arg0: i32) -> (i32, i32, i32) {
    %c0_i32 = arith.constant 0 : i32
    %c0_i32_0 = arith.constant 0 : i32
    %c0_i32_1 = arith.constant 0 : i32
    return %c0_i32, %arg0, %c0_i32_0 : i32, i32, i32
  }
}

module attributes {stable_mosaic.version = 14 : i64} {
  func.func @_sim_topk_kernel(%arg0: i32, %arg1: memref<1x704x256xf32, #tpu.memory_space<vmem>>, %arg2: memref<1x256x4096xf32, #tpu.memory_space<vmem>>, %arg3: memref<1x256x1024xf32, #tpu.memory_space<vmem>>, %arg4: memref<1x256x256xf32, #tpu.memory_space<vmem>>, %arg5: memref<1x256x64xf32, #tpu.memory_space<vmem>>, %arg6: memref<1x704x4xi32, #tpu.memory_space<vmem>>) attributes {dimension_semantics = [#tpu.dimension_semantics<arbitrary>], iteration_bounds = array<i64: 2>, scalar_prefetch = 0 : i64, scratch_operands = 0 : i64, tpu.core_type = #tpu.core_type<tc>, window_params = [{transform_indices = @transform_0, window_bounds = array<i64: 1, 704, 256>}, {transform_indices = @transform_1, window_bounds = array<i64: 1, 256, 4096>}, {transform_indices = @transform_2, window_bounds = array<i64: 1, 256, 1024>}, {transform_indices = @transform_3, window_bounds = array<i64: 1, 256, 256>}, {transform_indices = @transform_4, window_bounds = array<i64: 1, 256, 64>}, {transform_indices = @transform_5, window_bounds = array<i64: 1, 704, 4>}]} {
    %get3A = arith.constant 0 : index
    %get3A_0 = arith.constant 0 : index
    %get3A_1 = arith.constant 0 : index
    %get3A_2 = vector.load %arg1[%get3A, %get3A_0, %get3A_1] : memref<1x704x256xf32, #tpu.memory_space<vmem>>, vector<1x704x256xf32>
    %get3A_3 = vector.shape_cast %get3A_2 : vector<1x704x256xf32> to vector<704x256xf32>
    %get3A_4 = arith.constant 0 : index
    %get3A_5 = arith.constant 0 : index
    %get3A_6 = arith.constant 0 : index
    %get3A_7 = vector.load %arg2[%get3A_4, %get3A_5, %get3A_6] : memref<1x256x4096xf32, #tpu.memory_space<vmem>>, vector<1x256x4096xf32>
    %get3A_8 = vector.shape_cast %get3A_7 : vector<1x256x4096xf32> to vector<256x4096xf32>
    %dot_general3A = arith.constant dense<0.000000e+00> : vector<704x4096xf32>
    %dot_general3A_9 = tpu.matmul %get3A_3, %get3A_8, %dot_general3A {dimension_numbers = #tpu.dot_dimension_numbers<[1], [0], [0], [1], [0, 0, 1, 1], [], []>, transpose_lhs_hint = false} : vector<704x256xf32>, vector<256x4096xf32>, vector<704x4096xf32> -> vector<704x4096xf32>
    %get3A_10 = arith.constant 0 : index
    %get3A_11 = arith.constant 0 : index
    %get3A_12 = arith.constant 0 : index
    %get3A_13 = vector.load %arg3[%get3A_10, %get3A_11, %get3A_12] : memref<1x256x1024xf32, #tpu.memory_space<vmem>>, vector<1x256x1024xf32>
    %get3A_14 = vector.shape_cast %get3A_13 : vector<1x256x1024xf32> to vector<256x1024xf32>
    %dot_general3A_15 = arith.constant dense<0.000000e+00> : vector<704x1024xf32>
    %dot_general3A_16 = tpu.matmul %get3A_3, %get3A_14, %dot_general3A_15 {dimension_numbers = #tpu.dot_dimension_numbers<[1], [0], [0], [1], [0, 0, 1, 1], [], []>, transpose_lhs_hint = false} : vector<704x256xf32>, vector<256x1024xf32>, vector<704x1024xf32> -> vector<704x1024xf32>
    %get3A_17 = arith.constant 0 : index
    %get3A_18 = arith.constant 0 : index
    %get3A_19 = arith.constant 0 : index
    %get3A_20 = vector.load %arg4[%get3A_17, %get3A_18, %get3A_19] : memref<1x256x256xf32, #tpu.memory_space<vmem>>, vector<1x256x256xf32>
    %get3A_21 = vector.shape_cast %get3A_20 : vector<1x256x256xf32> to vector<256x256xf32>
    %dot_general3A_22 = arith.constant dense<0.000000e+00> : vector<704x256xf32>
    %dot_general3A_23 = tpu.matmul %get3A_3, %get3A_21, %dot_general3A_22 {dimension_numbers = #tpu.dot_dimension_numbers<[1], [0], [0], [1], [0, 0, 1, 1], [], []>, transpose_lhs_hint = false} : vector<704x256xf32>, vector<256x256xf32>, vector<704x256xf32> -> vector<704x256xf32>
    %get3A_24 = arith.constant 0 : index
    %get3A_25 = arith.constant 0 : index
    %get3A_26 = arith.constant 0 : index
    %get3A_27 = vector.load %arg5[%get3A_24, %get3A_25, %get3A_26] : memref<1x256x64xf32, #tpu.memory_space<vmem>>, vector<1x256x64xf32>
    %get3A_28 = vector.shape_cast %get3A_27 : vector<1x256x64xf32> to vector<256x64xf32>
    %dot_general3A_29 = arith.constant dense<0.000000e+00> : vector<704x64xf32>
    %dot_general3A_30 = tpu.matmul %get3A_3, %get3A_28, %dot_general3A_29 {dimension_numbers = #tpu.dot_dimension_numbers<[1], [0], [0], [1], [0, 0, 1, 1], [], []>, transpose_lhs_hint = false} : vector<704x256xf32>, vector<256x64xf32>, vector<704x64xf32> -> vector<704x64xf32>
    %concatenate3A = tpu.concatenate %dot_general3A_9, %dot_general3A_16, %dot_general3A_23, %dot_general3A_30 in 1 : vector<704x4096xf32>, vector<704x1024xf32>, vector<704x256xf32>, vector<704x64xf32> -> vector<704x5440xf32>
    %iota3A = tpu.iota {dimensions = array<i32: 1>} : vector<704x5440xi32>
    %argmax3A = tpu.reduce_index %concatenate3A {axis = 1 : i32, kind = #tpu.reduction_kind<arg_max>} : vector<704x5440xf32> -> vector<704xi32>
    %broadcast_in_dim3A = vector.shape_cast %argmax3A : vector<704xi32> to vector<704x1xi32>
    %broadcast_in_dim3A_31 = vector.shape_cast %argmax3A : vector<704xi32> to vector<704x1xi32>
    %eq3A = vector.broadcast %broadcast_in_dim3A_31 : vector<704x1xi32> to vector<704x5440xi32>
    %eq3A_32 = arith.cmpi eq, %iota3A, %eq3A : vector<704x5440xi32>
    %jit3A = arith.constant -3.000000e+38 : f32
    %broadcast_in_dim3A_33 = vector.broadcast %jit3A : f32 to vector<704x5440xf32>
    %select_n3A = arith.select %eq3A_32, %broadcast_in_dim3A_33, %concatenate3A : vector<704x5440xi1>, vector<704x5440xf32>
    %argmax3A_34 = tpu.reduce_index %select_n3A {axis = 1 : i32, kind = #tpu.reduction_kind<arg_max>} : vector<704x5440xf32> -> vector<704xi32>
    %broadcast_in_dim3A_35 = vector.shape_cast %argmax3A_34 : vector<704xi32> to vector<704x1xi32>
    %broadcast_in_dim3A_36 = vector.shape_cast %argmax3A_34 : vector<704xi32> to vector<704x1xi32>
    %eq3A_37 = vector.broadcast %broadcast_in_dim3A_36 : vector<704x1xi32> to vector<704x5440xi32>
    %eq3A_38 = arith.cmpi eq, %iota3A, %eq3A_37 : vector<704x5440xi32>
    %jit3A_39 = arith.constant -3.000000e+38 : f32
    %broadcast_in_dim3A_40 = vector.broadcast %jit3A_39 : f32 to vector<704x5440xf32>
    %select_n3A_41 = arith.select %eq3A_38, %broadcast_in_dim3A_40, %select_n3A : vector<704x5440xi1>, vector<704x5440xf32>
    %argmax3A_42 = tpu.reduce_index %select_n3A_41 {axis = 1 : i32, kind = #tpu.reduction_kind<arg_max>} : vector<704x5440xf32> -> vector<704xi32>
    %broadcast_in_dim3A_43 = vector.shape_cast %argmax3A_42 : vector<704xi32> to vector<704x1xi32>
    %broadcast_in_dim3A_44 = vector.shape_cast %argmax3A_42 : vector<704xi32> to vector<704x1xi32>
    %eq3A_45 = vector.broadcast %broadcast_in_dim3A_44 : vector<704x1xi32> to vector<704x5440xi32>
    %eq3A_46 = arith.cmpi eq, %iota3A, %eq3A_45 : vector<704x5440xi32>
    %jit3A_47 = arith.constant -3.000000e+38 : f32
    %broadcast_in_dim3A_48 = vector.broadcast %jit3A_47 : f32 to vector<704x5440xf32>
    %select_n3A_49 = arith.select %eq3A_46, %broadcast_in_dim3A_48, %select_n3A_41 : vector<704x5440xi1>, vector<704x5440xf32>
    %argmax3A_50 = tpu.reduce_index %select_n3A_49 {axis = 1 : i32, kind = #tpu.reduction_kind<arg_max>} : vector<704x5440xf32> -> vector<704xi32>
    %broadcast_in_dim3A_51 = vector.shape_cast %argmax3A_50 : vector<704xi32> to vector<704x1xi32>
    %concatenate3A_52 = tpu.concatenate %broadcast_in_dim3A, %broadcast_in_dim3A_35, %broadcast_in_dim3A_43, %broadcast_in_dim3A_51 in 1 : vector<704x1xi32>, vector<704x1xi32>, vector<704x1xi32>, vector<704x1xi32> -> vector<704x4xi32>
    %swap3A = arith.constant 0 : index
    %swap3A_53 = arith.constant 0 : index
    %swap3A_54 = arith.constant 0 : index
    %swap3A_55 = vector.load %arg6[%swap3A, %swap3A_53, %swap3A_54] : memref<1x704x4xi32, #tpu.memory_space<vmem>>, vector<1x704x4xi32>
    %swap3A_56 = vector.shape_cast %swap3A_55 : vector<1x704x4xi32> to vector<704x4xi32>
    %swap3A_57 = vector.shape_cast %concatenate3A_52 : vector<704x4xi32> to vector<1x704x4xi32>
    tpu.vector_store %arg6[%swap3A, %swap3A_53, %swap3A_54], %swap3A_57 {strides = array<i32>} : memref<1x704x4xi32, #tpu.memory_space<vmem>>, vector<1x704x4xi32>,
    return
  }
  func.func @transform_0(%arg0: i32) -> (i32, i32, i32) {
    %c3_i32 = arith.constant 3 : i32
    %c0_i32 = arith.constant 0 : i32
    %c0_i32_0 = arith.constant 0 : i32
    return %c3_i32, %arg0, %c0_i32 : i32, i32, i32
  }
  func.func @transform_1(%arg0: i32) -> (i32, i32, i32) {
    %c3_i32 = arith.constant 3 : i32
    %c0_i32 = arith.constant 0 : i32
    %c0_i32_0 = arith.constant 0 : i32
    %c0_i32_1 = arith.constant 0 : i32
    return %c3_i32, %c0_i32, %c0_i32_0 : i32, i32, i32
  }
  func.func @transform_2(%arg0: i32) -> (i32, i32, i32) {
    %c3_i32 = arith.constant 3 : i32
    %c0_i32 = arith.constant 0 : i32
    %c0_i32_0 = arith.constant 0 : i32
    %c0_i32_1 = arith.constant 0 : i32
    return %c3_i32, %c0_i32, %c0_i32_0 : i32, i32, i32
  }
  func.func @transform_3(%arg0: i32) -> (i32, i32, i32) {
    %c3_i32 = arith.constant 3 : i32
    %c0_i32 = arith.constant 0 : i32
    %c0_i32_0 = arith.constant 0 : i32
    %c0_i32_1 = arith.constant 0 : i32
    return %c3_i32, %c0_i32, %c0_i32_0 : i32, i32, i32
  }
  func.func @transform_4(%arg0: i32) -> (i32, i32, i32) {
    %c3_i32 = arith.constant 3 : i32
    %c0_i32 = arith.constant 0 : i32
    %c0_i32_0 = arith.constant 0 : i32
    %c0_i32_1 = arith.constant 0 : i32
    return %c3_i32, %c0_i32, %c0_i32_0 : i32, i32, i32
  }
  func.func @transform_5(%arg0: i32) -> (i32, i32, i32) {
    %c0_i32 = arith.constant 0 : i32
    %c0_i32_0 = arith.constant 0 : i32
    %c0_i32_1 = arith.constant 0 : i32
    return %c0_i32, %arg0, %c0_i32_0 : i32, i32, i32
  }
}

module attributes {stable_mosaic.version = 14 : i64} {
  func.func @_dec_kernel(%arg0: i32, %arg1: memref<4x128x256xf32, #tpu.memory_space<vmem>>, %arg2: memref<4x128x256xf32, #tpu.memory_space<vmem>>, %arg3: memref<4x128x256xf32, #tpu.memory_space<vmem>>, %arg4: memref<4x128x256xf32, #tpu.memory_space<vmem>>, %arg5: memref<4x128x256xf32, #tpu.memory_space<vmem>>, %arg6: memref<1x256x256xf32, #tpu.memory_space<vmem>>, %arg7: memref<1x256x256xf32, #tpu.memory_space<vmem>>, %arg8: memref<1x256x256xf32, #tpu.memory_space<vmem>>, %arg9: memref<1x256x256xf32, #tpu.memory_space<vmem>>, %arg10: memref<1x256x256xf32, #tpu.memory_space<vmem>>, %arg11: memref<1x256x256xf32, #tpu.memory_space<vmem>>, %arg12: memref<1x1024x256xf32, #tpu.memory_space<vmem>>, %arg13: memref<1x1x1024xf32, #tpu.memory_space<vmem>>, %arg14: memref<1x256x1024xf32, #tpu.memory_space<vmem>>, %arg15: memref<1x16x256xf32, #tpu.memory_space<vmem>>, %arg16: memref<4x256x11x128xf32, #tpu.memory_space<vmem>>) attributes {dimension_semantics = [#tpu.dimension_semantics<arbitrary>], iteration_bounds = array<i64: 11>, scalar_prefetch = 0 : i64, scratch_operands = 0 : i64, tpu.core_type = #tpu.core_type<tc>, window_params = [{transform_indices = @transform_0, window_bounds = array<i64: 4, 128, 256>}, {transform_indices = @transform_1, window_bounds = array<i64: 4, 128, 256>}, {transform_indices = @transform_2, window_bounds = array<i64: 4, 128, 256>}, {transform_indices = @transform_3, window_bounds = array<i64: 4, 128, 256>}, {transform_indices = @transform_4, window_bounds = array<i64: 4, 128, 256>}, {transform_indices = @transform_5, window_bounds = array<i64: 1, 256, 256>}, {transform_indices = @transform_6, window_bounds = array<i64: 1, 256, 256>}, {transform_indices = @transform_7, window_bounds = array<i64: 1, 256, 256>}, {transform_indices = @transform_8, window_bounds = array<i64: 1, 256, 256>}, {transform_indices = @transform_9, window_bounds = array<i64: 1, 256, 256>}, {transform_indices = @transform_10, window_bounds = array<i64: 1, 256, 256>}, {transform_indices = @transform_11, window_bounds = array<i64: 1, 1024, 256>}, {transform_indices = @transform_12, window_bounds = array<i64: 1, 1, 1024>}, {transform_indices = @transform_13, window_bounds = array<i64: 1, 256, 1024>}, {transform_indices = @transform_14, window_bounds = array<i64: 1, 16, 256>}, {pipeline_mode = #tpu.pipeline_mode<synchronous>, transform_indices = @transform_15, window_bounds = array<i64: 4, 256, 11, 128>}]} {
    %get3A = arith.constant 0 : index
    %get3A_0 = arith.constant 0 : index
    %get3A_1 = arith.constant 0 : index
    %get3A_2 = vector.load %arg1[%get3A, %get3A_0, %get3A_1] : memref<4x128x256xf32, #tpu.memory_space<vmem>>, vector<4x128x256xf32>
    %reshape3A = vector.shape_cast %get3A_2 : vector<4x128x256xf32> to vector<512x256xf32>
    %get3A_3 = arith.constant 0 : index
    %get3A_4 = arith.constant 0 : index
    %get3A_5 = arith.constant 0 : index
    %get3A_6 = vector.load %arg15[%get3A_3, %get3A_4, %get3A_5] : memref<1x16x256xf32, #tpu.memory_space<vmem>>, vector<1x16x256xf32>
    %get3A_7 = vector.shape_cast %get3A_6 : vector<1x16x256xf32> to vector<16x256xf32>
    %slice3A = vector.extract_strided_slice %get3A_7 {offsets = [0, 0], sizes = [1, 256], strides = [1, 1]} : vector<16x256xf32> to vector<1x256xf32>
    %slice3A_8 = vector.extract_strided_slice %get3A_7 {offsets = [1, 0], sizes = [1, 256], strides = [1, 1]} : vector<16x256xf32> to vector<1x256xf32>
    %slice3A_9 = vector.extract_strided_slice %get3A_7 {offsets = [2, 0], sizes = [1, 256], strides = [1, 1]} : vector<16x256xf32> to vector<1x256xf32>
    %slice3A_10 = vector.extract_strided_slice %get3A_7 {offsets = [3, 0], sizes = [1, 256], strides = [1, 1]} : vector<16x256xf32> to vector<1x256xf32>
    %slice3A_11 = vector.extract_strided_slice %get3A_7 {offsets = [4, 0], sizes = [1, 256], strides = [1, 1]} : vector<16x256xf32> to vector<1x256xf32>
    %slice3A_12 = vector.extract_strided_slice %get3A_7 {offsets = [5, 0], sizes = [1, 256], strides = [1, 1]} : vector<16x256xf32> to vector<1x256xf32>
    %slice3A_13 = vector.extract_strided_slice %get3A_7 {offsets = [6, 0], sizes = [1, 256], strides = [1, 1]} : vector<16x256xf32> to vector<1x256xf32>
    %slice3A_14 = vector.extract_strided_slice %get3A_7 {offsets = [7, 0], sizes = [1, 256], strides = [1, 1]} : vector<16x256xf32> to vector<1x256xf32>
    %slice3A_15 = vector.extract_strided_slice %get3A_7 {offsets = [8, 0], sizes = [1, 256], strides = [1, 1]} : vector<16x256xf32> to vector<1x256xf32>
    %slice3A_16 = vector.extract_strided_slice %get3A_7 {offsets = [9, 0], sizes = [1, 256], strides = [1, 1]} : vector<16x256xf32> to vector<1x256xf32>
    %slice3A_17 = vector.extract_strided_slice %get3A_7 {offsets = [10, 0], sizes = [1, 256], strides = [1, 1]} : vector<16x256xf32> to vector<1x256xf32>
    %slice3A_18 = vector.extract_strided_slice %get3A_7 {offsets = [11, 0], sizes = [1, 256], strides = [1, 1]} : vector<16x256xf32> to vector<1x256xf32>
    %slice3A_19 = vector.extract_strided_slice %get3A_7 {offsets = [12, 0], sizes = [1, 256], strides = [1, 1]} : vector<16x256xf32> to vector<1x256xf32>
    %get3A_20 = arith.constant 0 : index
    %get3A_21 = arith.constant 0 : index
    %get3A_22 = arith.constant 0 : index
    %get3A_23 = vector.load %arg6[%get3A_20, %get3A_21, %get3A_22] : memref<1x256x256xf32, #tpu.memory_space<vmem>>, vector<1x256x256xf32>
    %get3A_24 = vector.shape_cast %get3A_23 : vector<1x256x256xf32> to vector<256x256xf32>
    %dot_general3A = arith.constant dense<0.000000e+00> : vector<512x256xf32>
    %dot_general3A_25 = tpu.matmul %reshape3A, %get3A_24, %dot_general3A {dimension_numbers = #tpu.dot_dimension_numbers<[1], [1], [0], [0], [0, 0, 1, 0], [], []>, transpose_lhs_hint = false} : vector<512x256xf32>, vector<256x256xf32>, vector<512x256xf32> -> vector<512x256xf32>
    %add3A = vector.broadcast %slice3A : vector<1x256xf32> to vector<512x256xf32>
    %add3A_26 = arith.addf %dot_general3A_25, %add3A : vector<512x256xf32>
    %get3A_27 = arith.constant 0 : index
    %get3A_28 = arith.constant 0 : index
    %get3A_29 = arith.constant 0 : index
    %get3A_30 = vector.load %arg7[%get3A_27, %get3A_28, %get3A_29] : memref<1x256x256xf32, #tpu.memory_space<vmem>>, vector<1x256x256xf32>
    %get3A_31 = vector.shape_cast %get3A_30 : vector<1x256x256xf32> to vector<256x256xf32>
    %dot_general3A_32 = arith.constant dense<0.000000e+00> : vector<512x256xf32>
    %dot_general3A_33 = tpu.matmul %add3A_26, %get3A_31, %dot_general3A_32 {dimension_numbers = #tpu.dot_dimension_numbers<[1], [1], [0], [0], [0, 0, 1, 0], [], []>, transpose_lhs_hint = false} : vector<512x256xf32>, vector<256x256xf32>, vector<512x256xf32> -> vector<512x256xf32>
    %add3A_34 = vector.broadcast %slice3A_8 : vector<1x256xf32> to vector<512x256xf32>
    %add3A_35 = arith.addf %dot_general3A_33, %add3A_34 : vector<512x256xf32>
    %add3A_36 = arith.addf %reshape3A, %add3A_35 : vector<512x256xf32>
    %reduce_sum3A = arith.constant dense<0.000000e+00> : vector<512xf32>
    %reduce_sum3A_37 = vector.multi_reduction <add>, %add3A_36, %reduce_sum3A [1] : vector<512x256xf32> to vector<512xf32>
    %broadcast_in_dim3A = vector.shape_cast %reduce_sum3A_37 : vector<512xf32> to vector<512x1xf32>
    %div3A = arith.constant 2.560000e+02 : f32
    %div3A_38 = vector.broadcast %div3A : f32 to vector<512x1xf32>
    %div3A_39 = arith.divf %broadcast_in_dim3A, %div3A_38 : vector<512x1xf32>
    %jit3A = arith.constant 0 : i32
    %reduce_sum3A_40 = arith.constant dense<0.000000e+00> : vector<512xf32>
    %reduce_sum3A_41 = vector.multi_reduction <add>, %add3A_36, %reduce_sum3A_40 [1] : vector<512x256xf32> to vector<512xf32>
    %broadcast_in_dim3A_42 = vector.shape_cast %reduce_sum3A_41 : vector<512xf32> to vector<512x1xf32>
    %div3A_43 = arith.constant 2.560000e+02 : f32
    %div3A_44 = vector.broadcast %div3A_43 : f32 to vector<512x1xf32>
    %div3A_45 = arith.divf %broadcast_in_dim3A_42, %div3A_44 : vector<512x1xf32>
    %sub3A = vector.broadcast %div3A_45 : vector<512x1xf32> to vector<512x256xf32>
    %sub3A_46 = arith.subf %add3A_36, %sub3A : vector<512x256xf32>
    %square3A = arith.mulf %sub3A_46, %sub3A_46 : vector<512x256xf32>
    %convert_element_type3A = arith.sitofp %jit3A : i32 to f32
    %sub3A_47 = arith.constant 2.560000e+02 : f32
    %sub3A_48 = arith.subf %sub3A_47, %convert_element_type3A : f32
    %reduce_sum3A_49 = arith.constant dense<0.000000e+00> : vector<512xf32>
    %reduce_sum3A_50 = vector.multi_reduction <add>, %square3A, %reduce_sum3A_49 [1] : vector<512x256xf32> to vector<512xf32>
    %broadcast_in_dim3A_51 = vector.shape_cast %reduce_sum3A_50 : vector<512xf32> to vector<512x1xf32>
    %div3A_52 = vector.broadcast %sub3A_48 : f32 to vector<512x1xf32>
    %div3A_53 = arith.divf %broadcast_in_dim3A_51, %div3A_52 : vector<512x1xf32>
    %gt3A = arith.constant 0.000000e+00 : f32
    %gt3A_54 = arith.cmpf ogt, %sub3A_48, %gt3A : f32
    %jit3A_55 = arith.constant 0x7FC00000 : f32
    %broadcast_in_dim3A_56 = vector.broadcast %jit3A_55 : f32 to vector<512x1xf32>
    %select_n3A = arith.select %gt3A_54, %div3A_53, %broadcast_in_dim3A_56 : vector<512x1xf32>
    %sub3A_57 = vector.broadcast %div3A_39 : vector<512x1xf32> to vector<512x256xf32>
    %sub3A_58 = arith.subf %add3A_36, %sub3A_57 : vector<512x256xf32>
    %add3A_59 = arith.constant 9.99999974E-6 : f32
    %add3A_60 = vector.broadcast %add3A_59 : f32 to vector<512x1xf32>
    %add3A_61 = arith.addf %select_n3A, %add3A_60 : vector<512x1xf32>
    %sqrt3A = math.sqrt %add3A_61 : vector<512x1xf32>
    %div3A_62 = vector.broadcast %sqrt3A : vector<512x1xf32> to vector<512x256xf32>
    %div3A_63 = arith.divf %sub3A_58, %div3A_62 : vector<512x256xf32>
    %mul3A = vector.broadcast %slice3A_9 : vector<1x256xf32> to vector<512x256xf32>
    %mul3A_64 = arith.mulf %div3A_63, %mul3A : vector<512x256xf32>
    %add3A_65 = vector.broadcast %slice3A_10 : vector<1x256xf32> to vector<512x256xf32>
    %add3A_66 = arith.addf %mul3A_64, %add3A_65 : vector<512x256xf32>
    %get3A_67 = arith.constant 0 : index
    %get3A_68 = arith.constant 0 : index
    %get3A_69 = arith.constant 0 : index
    %get3A_70 = vector.load %arg8[%get3A_67, %get3A_68, %get3A_69] : memref<1x256x256xf32, #tpu.memory_space<vmem>>, vector<1x256x256xf32>
    %get3A_71 = vector.shape_cast %get3A_70 : vector<1x256x256xf32> to vector<256x256xf32>
    %dot_general3A_72 = arith.constant dense<0.000000e+00> : vector<512x256xf32>
    %dot_general3A_73 = tpu.matmul %add3A_66, %get3A_71, %dot_general3A_72 {dimension_numbers = #tpu.dot_dimension_numbers<[1], [1], [0], [0], [0, 0, 1, 0], [], []>, transpose_lhs_hint = false} : vector<512x256xf32>, vector<256x256xf32>, vector<512x256xf32> -> vector<512x256xf32>
    %add3A_74 = vector.broadcast %slice3A_11 : vector<1x256xf32> to vector<512x256xf32>
    %add3A_75 = arith.addf %dot_general3A_73, %add3A_74 : vector<512x256xf32>
    %iota3A = tpu.iota {dimensions = array<i32: 0>} : vector<256x8xi32>
    %jit3A_76 = arith.constant 32 : i32
    %div3A_77 = vector.broadcast %jit3A_76 : i32 to vector<256x8xi32>
    %div3A_78 = arith.divsi %iota3A, %div3A_77 : vector<256x8xi32>
    %sign3A = arith.constant 0 : i32
    %sign3A_79 = vector.broadcast %sign3A : i32 to vector<256x8xi32>
    %sign3A_80 = arith.cmpi sgt, %iota3A, %sign3A_79 : vector<256x8xi32>
    %sign3A_81 = arith.extui %sign3A_80 : vector<256x8xi1> to vector<256x8xi32>
    %sign3A_82 = arith.constant 0 : i32
    %sign3A_83 = vector.broadcast %sign3A_82 : i32 to vector<256x8xi32>
    %sign3A_84 = arith.cmpi slt, %iota3A, %sign3A_83 : vector<256x8xi32>
    %sign3A_85 = arith.extui %sign3A_84 : vector<256x8xi1> to vector<256x8xi32>
    %sign3A_86 = arith.subi %sign3A_81, %sign3A_85 : vector<256x8xi32>
    %sign3A_87 = arith.constant 0 : i32
    %sign3A_88 = arith.cmpi sgt, %jit3A_76, %sign3A_87 : i32
    %sign3A_89 = arith.extui %sign3A_88 : i1 to i32
    %sign3A_90 = arith.constant 0 : i32
    %sign3A_91 = arith.cmpi slt, %jit3A_76, %sign3A_90 : i32
    %sign3A_92 = arith.extui %sign3A_91 : i1 to i32
    %sign3A_93 = arith.subi %sign3A_89, %sign3A_92 : i32
    %ne3A = vector.broadcast %sign3A_93 : i32 to vector<256x8xi32>
    %ne3A_94 = arith.cmpi ne, %sign3A_86, %ne3A : vector<256x8xi32>
    %rem3A = vector.broadcast %jit3A_76 : i32 to vector<256x8xi32>
    %rem3A_95 = arith.remsi %iota3A, %rem3A : vector<256x8xi32>
    %ne3A_96 = arith.constant 0 : i32
    %ne3A_97 = vector.broadcast %ne3A_96 : i32 to vector<256x8xi32>
    %ne3A_98 = arith.cmpi ne, %rem3A_95, %ne3A_97 : vector<256x8xi32>
    %and3A = arith.andi %ne3A_94, %ne3A_98 : vector<256x8xi1>
    %sub3A_99 = arith.constant 1 : i32
    %sub3A_100 = vector.broadcast %sub3A_99 : i32 to vector<256x8xi32>
    %sub3A_101 = arith.subi %div3A_78, %sub3A_100 : vector<256x8xi32>
    %select_n3A_102 = arith.select %and3A, %sub3A_101, %div3A_78 : vector<256x8xi1>, vector<256x8xi32>
    %iota3A_103 = tpu.iota {dimensions = array<i32: 1>} : vector<256x8xi32>
    %eq3A = arith.cmpi eq, %select_n3A_102, %iota3A_103 : vector<256x8xi32>
    %convert_element_type3A_104 = arith.extui %eq3A : vector<256x8xi1> to vector<256x8xi32>
    %convert_element_type3A_105 = arith.sitofp %convert_element_type3A_104 : vector<256x8xi32> to vector<256x8xf32>
    %get3A_106 = arith.constant 0 : index
    %get3A_107 = arith.constant 0 : index
    %get3A_108 = arith.constant 0 : index
    %get3A_109 = vector.load %arg2[%get3A_106, %get3A_107, %get3A_108] : memref<4x128x256xf32, #tpu.memory_space<vmem>>, vector<1x128x256xf32>
    %get3A_110 = vector.shape_cast %get3A_109 : vector<1x128x256xf32> to vector<128x256xf32>
    %get3A_111 = arith.constant 0 : index
    %get3A_112 = arith.constant 0 : index
    %get3A_113 = arith.constant 0 : index
    %get3A_114 = vector.load %arg3[%get3A_111, %get3A_112, %get3A_113] : memref<4x128x256xf32, #tpu.memory_space<vmem>>, vector<1x128x256xf32>
    %get3A_115 = vector.shape_cast %get3A_114 : vector<1x128x256xf32> to vector<128x256xf32>
    %get3A_116 = arith.constant 0 : index
    %get3A_117 = arith.constant 0 : index
    %get3A_118 = arith.constant 0 : index
    %get3A_119 = vector.load %arg4[%get3A_116, %get3A_117, %get3A_118] : memref<4x128x256xf32, #tpu.memory_space<vmem>>, vector<1x128x256xf32>
    %get3A_120 = vector.shape_cast %get3A_119 : vector<1x128x256xf32> to vector<128x256xf32>
    %get3A_121 = arith.constant 0 : index
    %get3A_122 = arith.constant 0 : index
    %get3A_123 = arith.constant 0 : index
    %get3A_124 = vector.load %arg5[%get3A_121, %get3A_122, %get3A_123] : memref<4x128x256xf32, #tpu.memory_space<vmem>>, vector<1x128x256xf32>
    %get3A_125 = vector.shape_cast %get3A_124 : vector<1x128x256xf32> to vector<128x256xf32>
    %concatenate3A = tpu.concatenate %get3A_110, %get3A_115, %get3A_120, %get3A_125 in 0 : vector<128x256xf32>, vector<128x256xf32>, vector<128x256xf32>, vector<128x256xf32> -> vector<512x256xf32>
    %get3A_126 = arith.constant 0 : index
    %get3A_127 = arith.constant 0 : index
    %get3A_128 = arith.constant 0 : index
    %get3A_129 = vector.load %arg9[%get3A_126, %get3A_127, %get3A_128] : memref<1x256x256xf32, #tpu.memory_space<vmem>>, vector<1x256x256xf32>
    %get3A_130 = vector.shape_cast %get3A_129 : vector<1x256x256xf32> to vector<256x256xf32>
    %dot_general3A_131 = arith.constant dense<0.000000e+00> : vector<512x256xf32>
    %dot_general3A_132 = tpu.matmul %concatenate3A, %get3A_130, %dot_general3A_131 {dimension_numbers = #tpu.dot_dimension_numbers<[1], [1], [0], [0], [0, 0, 1, 0], [], []>, transpose_lhs_hint = false} : vector<512x256xf32>, vector<256x256xf32>, vector<512x256xf32> -> vector<512x256xf32>
    %add3A_133 = vector.broadcast %slice3A_12 : vector<1x256xf32> to vector<512x256xf32>
    %add3A_134 = arith.addf %dot_general3A_132, %add3A_133 : vector<512x256xf32>
    %get3A_135 = arith.constant 0 : index
    %get3A_136 = arith.constant 0 : index
    %get3A_137 = arith.constant 0 : index
    %get3A_138 = vector.load %arg10[%get3A_135, %get3A_136, %get3A_137] : memref<1x256x256xf32, #tpu.memory_space<vmem>>, vector<1x256x256xf32>
    %get3A_139 = vector.shape_cast %get3A_138 : vector<1x256x256xf32> to vector<256x256xf32>
    %dot_general3A_140 = arith.constant dense<0.000000e+00> : vector<512x256xf32>
    %dot_general3A_141 = tpu.matmul %concatenate3A, %get3A_139, %dot_general3A_140 {dimension_numbers = #tpu.dot_dimension_numbers<[1], [1], [0], [0], [0, 0, 1, 0], [], []>, transpose_lhs_hint = false} : vector<512x256xf32>, vector<256x256xf32>, vector<512x256xf32> -> vector<512x256xf32>
    %add3A_142 = vector.broadcast %slice3A_13 : vector<1x256xf32> to vector<512x256xf32>
    %add3A_143 = arith.addf %dot_general3A_141, %add3A_142 : vector<512x256xf32>
    %mul3A_144 = arith.mulf %add3A_75, %add3A_134 : vector<512x256xf32>
    %dot_general3A_145 = arith.constant dense<0.000000e+00> : vector<8x512xf32>
    %dot_general3A_146 = tpu.matmul %convert_element_type3A_105, %mul3A_144, %dot_general3A_145 {dimension_numbers = #tpu.dot_dimension_numbers<[0], [1], [1], [0], [0, 1, 1, 0], [], []>, precision = #tpu.contract_precision<fp32>, transpose_lhs_hint = false} : vector<256x8xf32>, vector<512x256xf32>, vector<8x512xf32> -> vector<8x512xf32>
    %mul3A_147 = arith.constant 0.176776692 : f32
    %mul3A_148 = vector.broadcast %mul3A_147 : f32 to vector<8x512xf32>
    %mul3A_149 = arith.mulf %dot_general3A_146, %mul3A_148 : vector<8x512xf32>
    %get3A_150 = arith.constant 1 : index
    %get3A_151 = arith.constant 0 : index
    %get3A_152 = arith.constant 0 : index
    %get3A_153 = vector.load %arg2[%get3A_150, %get3A_151, %get3A_152] : memref<4x128x256xf32, #tpu.memory_space<vmem>>, vector<1x128x256xf32>
    %get3A_154 = vector.shape_cast %get3A_153 : vector<1x128x256xf32> to vector<128x256xf32>
    %get3A_155 = arith.constant 1 : index
    %get3A_156 = arith.constant 0 : index
    %get3A_157 = arith.constant 0 : index
    %get3A_158 = vector.load %arg3[%get3A_155, %get3A_156, %get3A_157] : memref<4x128x256xf32, #tpu.memory_space<vmem>>, vector<1x128x256xf32>
    %get3A_159 = vector.shape_cast %get3A_158 : vector<1x128x256xf32> to vector<128x256xf32>
    %get3A_160 = arith.constant 1 : index
    %get3A_161 = arith.constant 0 : index
    %get3A_162 = arith.constant 0 : index
    %get3A_163 = vector.load %arg4[%get3A_160, %get3A_161, %get3A_162] : memref<4x128x256xf32, #tpu.memory_space<vmem>>, vector<1x128x256xf32>
    %get3A_164 = vector.shape_cast %get3A_163 : vector<1x128x256xf32> to vector<128x256xf32>
    %get3A_165 = arith.constant 1 : index
    %get3A_166 = arith.constant 0 : index
    %get3A_167 = arith.constant 0 : index
    %get3A_168 = vector.load %arg5[%get3A_165, %get3A_166, %get3A_167] : memref<4x128x256xf32, #tpu.memory_space<vmem>>, vector<1x128x256xf32>
    %get3A_169 = vector.shape_cast %get3A_168 : vector<1x128x256xf32> to vector<128x256xf32>
    %concatenate3A_170 = tpu.concatenate %get3A_154, %get3A_159, %get3A_164, %get3A_169 in 0 : vector<128x256xf32>, vector<128x256xf32>, vector<128x256xf32>, vector<128x256xf32> -> vector<512x256xf32>
    %get3A_171 = arith.constant 0 : index
    %get3A_172 = arith.constant 0 : index
    %get3A_173 = arith.constant 0 : index
    %get3A_174 = vector.load %arg9[%get3A_171, %get3A_172, %get3A_173] : memref<1x256x256xf32, #tpu.memory_space<vmem>>, vector<1x256x256xf32>
    %get3A_175 = vector.shape_cast %get3A_174 : vector<1x256x256xf32> to vector<256x256xf32>
    %dot_general3A_176 = arith.constant dense<0.000000e+00> : vector<512x256xf32>
    %dot_general3A_177 = tpu.matmul %concatenate3A_170, %get3A_175, %dot_general3A_176 {dimension_numbers = #tpu.dot_dimension_numbers<[1], [1], [0], [0], [0, 0, 1, 0], [], []>, transpose_lhs_hint = false} : vector<512x256xf32>, vector<256x256xf32>, vector<512x256xf32> -> vector<512x256xf32>
    %add3A_178 = vector.broadcast %slice3A_12 : vector<1x256xf32> to vector<512x256xf32>
    %add3A_179 = arith.addf %dot_general3A_177, %add3A_178 : vector<512x256xf32>
    %get3A_180 = arith.constant 0 : index
    %get3A_181 = arith.constant 0 : index
    %get3A_182 = arith.constant 0 : index
    %get3A_183 = vector.load %arg10[%get3A_180, %get3A_181, %get3A_182] : memref<1x256x256xf32, #tpu.memory_space<vmem>>, vector<1x256x256xf32>
    %get3A_184 = vector.shape_cast %get3A_183 : vector<1x256x256xf32> to vector<256x256xf32>
    %dot_general3A_185 = arith.constant dense<0.000000e+00> : vector<512x256xf32>
    %dot_general3A_186 = tpu.matmul %concatenate3A_170, %get3A_184, %dot_general3A_185 {dimension_numbers = #tpu.dot_dimension_numbers<[1], [1], [0], [0], [0, 0, 1, 0], [], []>, transpose_lhs_hint = false} : vector<512x256xf32>, vector<256x256xf32>, vector<512x256xf32> -> vector<512x256xf32>
    %add3A_187 = vector.broadcast %slice3A_13 : vector<1x256xf32> to vector<512x256xf32>
    %add3A_188 = arith.addf %dot_general3A_186, %add3A_187 : vector<512x256xf32>
    %mul3A_189 = arith.mulf %add3A_75, %add3A_179 : vector<512x256xf32>
    %dot_general3A_190 = arith.constant dense<0.000000e+00> : vector<8x512xf32>
    %dot_general3A_191 = tpu.matmul %convert_element_type3A_105, %mul3A_189, %dot_general3A_190 {dimension_numbers = #tpu.dot_dimension_numbers<[0], [1], [1], [0], [0, 1, 1, 0], [], []>, precision = #tpu.contract_precision<fp32>, transpose_lhs_hint = false} : vector<256x8xf32>, vector<512x256xf32>, vector<8x512xf32> -> vector<8x512xf32>
    %mul3A_192 = arith.constant 0.176776692 : f32
    %mul3A_193 = vector.broadcast %mul3A_192 : f32 to vector<8x512xf32>
    %mul3A_194 = arith.mulf %dot_general3A_191, %mul3A_193 : vector<8x512xf32>
    %get3A_195 = arith.constant 2 : index
    %get3A_196 = arith.constant 0 : index
    %get3A_197 = arith.constant 0 : index
    %get3A_198 = vector.load %arg2[%get3A_195, %get3A_196, %get3A_197] : memref<4x128x256xf32, #tpu.memory_space<vmem>>, vector<1x128x256xf32>
    %get3A_199 = vector.shape_cast %get3A_198 : vector<1x128x256xf32> to vector<128x256xf32>
    %get3A_200 = arith.constant 2 : index
    %get3A_201 = arith.constant 0 : index
    %get3A_202 = arith.constant 0 : index
    %get3A_203 = vector.load %arg3[%get3A_200, %get3A_201, %get3A_202] : memref<4x128x256xf32, #tpu.memory_space<vmem>>, vector<1x128x256xf32>
    %get3A_204 = vector.shape_cast %get3A_203 : vector<1x128x256xf32> to vector<128x256xf32>
    %get3A_205 = arith.constant 2 : index
    %get3A_206 = arith.constant 0 : index
    %get3A_207 = arith.constant 0 : index
    %get3A_208 = vector.load %arg4[%get3A_205, %get3A_206, %get3A_207] : memref<4x128x256xf32, #tpu.memory_space<vmem>>, vector<1x128x256xf32>
    %get3A_209 = vector.shape_cast %get3A_208 : vector<1x128x256xf32> to vector<128x256xf32>
    %get3A_210 = arith.constant 2 : index
    %get3A_211 = arith.constant 0 : index
    %get3A_212 = arith.constant 0 : index
    %get3A_213 = vector.load %arg5[%get3A_210, %get3A_211, %get3A_212] : memref<4x128x256xf32, #tpu.memory_space<vmem>>, vector<1x128x256xf32>
    %get3A_214 = vector.shape_cast %get3A_213 : vector<1x128x256xf32> to vector<128x256xf32>
    %concatenate3A_215 = tpu.concatenate %get3A_199, %get3A_204, %get3A_209, %get3A_214 in 0 : vector<128x256xf32>, vector<128x256xf32>, vector<128x256xf32>, vector<128x256xf32> -> vector<512x256xf32>
    %get3A_216 = arith.constant 0 : index
    %get3A_217 = arith.constant 0 : index
    %get3A_218 = arith.constant 0 : index
    %get3A_219 = vector.load %arg9[%get3A_216, %get3A_217, %get3A_218] : memref<1x256x256xf32, #tpu.memory_space<vmem>>, vector<1x256x256xf32>
    %get3A_220 = vector.shape_cast %get3A_219 : vector<1x256x256xf32> to vector<256x256xf32>
    %dot_general3A_221 = arith.constant dense<0.000000e+00> : vector<512x256xf32>
    %dot_general3A_222 = tpu.matmul %concatenate3A_215, %get3A_220, %dot_general3A_221 {dimension_numbers = #tpu.dot_dimension_numbers<[1], [1], [0], [0], [0, 0, 1, 0], [], []>, transpose_lhs_hint = false} : vector<512x256xf32>, vector<256x256xf32>, vector<512x256xf32> -> vector<512x256xf32>
    %add3A_223 = vector.broadcast %slice3A_12 : vector<1x256xf32> to vector<512x256xf32>
    %add3A_224 = arith.addf %dot_general3A_222, %add3A_223 : vector<512x256xf32>
    %get3A_225 = arith.constant 0 : index
    %get3A_226 = arith.constant 0 : index
    %get3A_227 = arith.constant 0 : index
    %get3A_228 = vector.load %arg10[%get3A_225, %get3A_226, %get3A_227] : memref<1x256x256xf32, #tpu.memory_space<vmem>>, vector<1x256x256xf32>
    %get3A_229 = vector.shape_cast %get3A_228 : vector<1x256x256xf32> to vector<256x256xf32>
    %dot_general3A_230 = arith.constant dense<0.000000e+00> : vector<512x256xf32>
    %dot_general3A_231 = tpu.matmul %concatenate3A_215, %get3A_229, %dot_general3A_230 {dimension_numbers = #tpu.dot_dimension_numbers<[1], [1], [0], [0], [0, 0, 1, 0], [], []>, transpose_lhs_hint = false} : vector<512x256xf32>, vector<256x256xf32>, vector<512x256xf32> -> vector<512x256xf32>
    %add3A_232 = vector.broadcast %slice3A_13 : vector<1x256xf32> to vector<512x256xf32>
    %add3A_233 = arith.addf %dot_general3A_231, %add3A_232 : vector<512x256xf32>
    %mul3A_234 = arith.mulf %add3A_75, %add3A_224 : vector<512x256xf32>
    %dot_general3A_235 = arith.constant dense<0.000000e+00> : vector<8x512xf32>
    %dot_general3A_236 = tpu.matmul %convert_element_type3A_105, %mul3A_234, %dot_general3A_235 {dimension_numbers = #tpu.dot_dimension_numbers<[0], [1], [1], [0], [0, 1, 1, 0], [], []>, precision = #tpu.contract_precision<fp32>, transpose_lhs_hint = false} : vector<256x8xf32>, vector<512x256xf32>, vector<8x512xf32> -> vector<8x512xf32>
    %mul3A_237 = arith.constant 0.176776692 : f32
    %mul3A_238 = vector.broadcast %mul3A_237 : f32 to vector<8x512xf32>
    %mul3A_239 = arith.mulf %dot_general3A_236, %mul3A_238 : vector<8x512xf32>
    %get3A_240 = arith.constant 3 : index
    %get3A_241 = arith.constant 0 : index
    %get3A_242 = arith.constant 0 : index
    %get3A_243 = vector.load %arg2[%get3A_240, %get3A_241, %get3A_242] : memref<4x128x256xf32, #tpu.memory_space<vmem>>, vector<1x128x256xf32>
    %get3A_244 = vector.shape_cast %get3A_243 : vector<1x128x256xf32> to vector<128x256xf32>
    %get3A_245 = arith.constant 3 : index
    %get3A_246 = arith.constant 0 : index
    %get3A_247 = arith.constant 0 : index
    %get3A_248 = vector.load %arg3[%get3A_245, %get3A_246, %get3A_247] : memref<4x128x256xf32, #tpu.memory_space<vmem>>, vector<1x128x256xf32>
    %get3A_249 = vector.shape_cast %get3A_248 : vector<1x128x256xf32> to vector<128x256xf32>
    %get3A_250 = arith.constant 3 : index
    %get3A_251 = arith.constant 0 : index
    %get3A_252 = arith.constant 0 : index
    %get3A_253 = vector.load %arg4[%get3A_250, %get3A_251, %get3A_252] : memref<4x128x256xf32, #tpu.memory_space<vmem>>, vector<1x128x256xf32>
    %get3A_254 = vector.shape_cast %get3A_253 : vector<1x128x256xf32> to vector<128x256xf32>
    %get3A_255 = arith.constant 3 : index
    %get3A_256 = arith.constant 0 : index
    %get3A_257 = arith.constant 0 : index
    %get3A_258 = vector.load %arg5[%get3A_255, %get3A_256, %get3A_257] : memref<4x128x256xf32, #tpu.memory_space<vmem>>, vector<1x128x256xf32>
    %get3A_259 = vector.shape_cast %get3A_258 : vector<1x128x256xf32> to vector<128x256xf32>
    %concatenate3A_260 = tpu.concatenate %get3A_244, %get3A_249, %get3A_254, %get3A_259 in 0 : vector<128x256xf32>, vector<128x256xf32>, vector<128x256xf32>, vector<128x256xf32> -> vector<512x256xf32>
    %get3A_261 = arith.constant 0 : index
    %get3A_262 = arith.constant 0 : index
    %get3A_263 = arith.constant 0 : index
    %get3A_264 = vector.load %arg9[%get3A_261, %get3A_262, %get3A_263] : memref<1x256x256xf32, #tpu.memory_space<vmem>>, vector<1x256x256xf32>
    %get3A_265 = vector.shape_cast %get3A_264 : vector<1x256x256xf32> to vector<256x256xf32>
    %dot_general3A_266 = arith.constant dense<0.000000e+00> : vector<512x256xf32>
    %dot_general3A_267 = tpu.matmul %concatenate3A_260, %get3A_265, %dot_general3A_266 {dimension_numbers = #tpu.dot_dimension_numbers<[1], [1], [0], [0], [0, 0, 1, 0], [], []>, transpose_lhs_hint = false} : vector<512x256xf32>, vector<256x256xf32>, vector<512x256xf32> -> vector<512x256xf32>
    %add3A_268 = vector.broadcast %slice3A_12 : vector<1x256xf32> to vector<512x256xf32>
    %add3A_269 = arith.addf %dot_general3A_267, %add3A_268 : vector<512x256xf32>
    %get3A_270 = arith.constant 0 : index
    %get3A_271 = arith.constant 0 : index
    %get3A_272 = arith.constant 0 : index
    %get3A_273 = vector.load %arg10[%get3A_270, %get3A_271, %get3A_272] : memref<1x256x256xf32, #tpu.memory_space<vmem>>, vector<1x256x256xf32>
    %get3A_274 = vector.shape_cast %get3A_273 : vector<1x256x256xf32> to vector<256x256xf32>
    %dot_general3A_275 = arith.constant dense<0.000000e+00> : vector<512x256xf32>
    %dot_general3A_276 = tpu.matmul %concatenate3A_260, %get3A_274, %dot_general3A_275 {dimension_numbers = #tpu.dot_dimension_numbers<[1], [1], [0], [0], [0, 0, 1, 0], [], []>, transpose_lhs_hint = false} : vector<512x256xf32>, vector<256x256xf32>, vector<512x256xf32> -> vector<512x256xf32>
    %add3A_277 = vector.broadcast %slice3A_13 : vector<1x256xf32> to vector<512x256xf32>
    %add3A_278 = arith.addf %dot_general3A_276, %add3A_277 : vector<512x256xf32>
    %mul3A_279 = arith.mulf %add3A_75, %add3A_269 : vector<512x256xf32>
    %dot_general3A_280 = arith.constant dense<0.000000e+00> : vector<8x512xf32>
    %dot_general3A_281 = tpu.matmul %convert_element_type3A_105, %mul3A_279, %dot_general3A_280 {dimension_numbers = #tpu.dot_dimension_numbers<[0], [1], [1], [0], [0, 1, 1, 0], [], []>, precision = #tpu.contract_precision<fp32>, transpose_lhs_hint = false} : vector<256x8xf32>, vector<512x256xf32>, vector<8x512xf32> -> vector<8x512xf32>
    %mul3A_282 = arith.constant 0.176776692 : f32
    %mul3A_283 = vector.broadcast %mul3A_282 : f32 to vector<8x512xf32>
    %mul3A_284 = arith.mulf %dot_general3A_281, %mul3A_283 : vector<8x512xf32>
    %max3A = arith.maximumf %mul3A_149, %mul3A_194 : vector<8x512xf32>
    %max3A_285 = arith.maximumf %mul3A_239, %mul3A_284 : vector<8x512xf32>
    %max3A_286 = arith.maximumf %max3A, %max3A_285 : vector<8x512xf32>
    %sub3A_287 = arith.subf %mul3A_149, %max3A_286 : vector<8x512xf32>
    %exp3A = math.exp %sub3A_287 : vector<8x512xf32>
    %sub3A_288 = arith.subf %mul3A_194, %max3A_286 : vector<8x512xf32>
    %exp3A_289 = math.exp %sub3A_288 : vector<8x512xf32>
    %sub3A_290 = arith.subf %mul3A_239, %max3A_286 : vector<8x512xf32>
    %exp3A_291 = math.exp %sub3A_290 : vector<8x512xf32>
    %sub3A_292 = arith.subf %mul3A_284, %max3A_286 : vector<8x512xf32>
    %exp3A_293 = math.exp %sub3A_292 : vector<8x512xf32>
    %add3A_294 = arith.addf %exp3A, %exp3A_289 : vector<8x512xf32>
    %add3A_295 = arith.addf %add3A_294, %exp3A_291 : vector<8x512xf32>
    %add3A_296 = arith.addf %add3A_295, %exp3A_293 : vector<8x512xf32>
    %broadcast_in_dim3A_297 = arith.constant 0.000000e+00 : f32
    %broadcast_in_dim3A_298 = vector.broadcast %broadcast_in_dim3A_297 : f32 to vector<512x256xf32>
    %div3A_299 = arith.divf %exp3A, %add3A_296 : vector<8x512xf32>
    %dot_general3A_300 = arith.constant dense<0.000000e+00> : vector<512x256xf32>
    %dot_general3A_301 = tpu.matmul %div3A_299, %convert_element_type3A_105, %dot_general3A_300 {dimension_numbers = #tpu.dot_dimension_numbers<[0], [1], [1], [0], [0, 1, 1, 0], [], []>, precision = #tpu.contract_precision<fp32>, transpose_lhs_hint = false} : vector<8x512xf32>, vector<256x8xf32>, vector<512x256xf32> -> vector<512x256xf32>
    %mul3A_302 = arith.mulf %dot_general3A_301, %add3A_143 : vector<512x256xf32>
    %add3A_303 = arith.addf %broadcast_in_dim3A_298, %mul3A_302 : vector<512x256xf32>
    %div3A_304 = arith.divf %exp3A_289, %add3A_296 : vector<8x512xf32>
    %dot_general3A_305 = arith.constant dense<0.000000e+00> : vector<512x256xf32>
    %dot_general3A_306 = tpu.matmul %div3A_304, %convert_element_type3A_105, %dot_general3A_305 {dimension_numbers = #tpu.dot_dimension_numbers<[0], [1], [1], [0], [0, 1, 1, 0], [], []>, precision = #tpu.contract_precision<fp32>, transpose_lhs_hint = false} : vector<8x512xf32>, vector<256x8xf32>, vector<512x256xf32> -> vector<512x256xf32>
    %mul3A_307 = arith.mulf %dot_general3A_306, %add3A_188 : vector<512x256xf32>
    %add3A_308 = arith.addf %add3A_303, %mul3A_307 : vector<512x256xf32>
    %div3A_309 = arith.divf %exp3A_291, %add3A_296 : vector<8x512xf32>
    %dot_general3A_310 = arith.constant dense<0.000000e+00> : vector<512x256xf32>
    %dot_general3A_311 = tpu.matmul %div3A_309, %convert_element_type3A_105, %dot_general3A_310 {dimension_numbers = #tpu.dot_dimension_numbers<[0], [1], [1], [0], [0, 1, 1, 0], [], []>, precision = #tpu.contract_precision<fp32>, transpose_lhs_hint = false} : vector<8x512xf32>, vector<256x8xf32>, vector<512x256xf32> -> vector<512x256xf32>
    %mul3A_312 = arith.mulf %dot_general3A_311, %add3A_233 : vector<512x256xf32>
    %add3A_313 = arith.addf %add3A_308, %mul3A_312 : vector<512x256xf32>
    %div3A_314 = arith.divf %exp3A_293, %add3A_296 : vector<8x512xf32>
    %dot_general3A_315 = arith.constant dense<0.000000e+00> : vector<512x256xf32>
    %dot_general3A_316 = tpu.matmul %div3A_314, %convert_element_type3A_105, %dot_general3A_315 {dimension_numbers = #tpu.dot_dimension_numbers<[0], [1], [1], [0], [0, 1, 1, 0], [], []>, precision = #tpu.contract_precision<fp32>, transpose_lhs_hint = false} : vector<8x512xf32>, vector<256x8xf32>, vector<512x256xf32> -> vector<512x256xf32>
    %mul3A_317 = arith.mulf %dot_general3A_316, %add3A_278 : vector<512x256xf32>
    %add3A_318 = arith.addf %add3A_313, %mul3A_317 : vector<512x256xf32>
    %get3A_319 = arith.constant 0 : index
    %get3A_320 = arith.constant 0 : index
    %get3A_321 = arith.constant 0 : index
    %get3A_322 = vector.load %arg11[%get3A_319, %get3A_320, %get3A_321] : memref<1x256x256xf32, #tpu.memory_space<vmem>>, vector<1x256x256xf32>
    %get3A_323 = vector.shape_cast %get3A_322 : vector<1x256x256xf32> to vector<256x256xf32>
    %dot_general3A_324 = arith.constant dense<0.000000e+00> : vector<512x256xf32>
    %dot_general3A_325 = tpu.matmul %add3A_318, %get3A_323, %dot_general3A_324 {dimension_numbers = #tpu.dot_dimension_numbers<[1], [1], [0], [0], [0, 0, 1, 0], [], []>, transpose_lhs_hint = false} : vector<512x256xf32>, vector<256x256xf32>, vector<512x256xf32> -> vector<512x256xf32>
    %add3A_326 = vector.broadcast %slice3A_14 : vector<1x256xf32> to vector<512x256xf32>
    %add3A_327 = arith.addf %dot_general3A_325, %add3A_326 : vector<512x256xf32>
    %add3A_328 = arith.addf %add3A_66, %add3A_327 : vector<512x256xf32>
    %reduce_sum3A_329 = arith.constant dense<0.000000e+00> : vector<512xf32>
    %reduce_sum3A_330 = vector.multi_reduction <add>, %add3A_328, %reduce_sum3A_329 [1] : vector<512x256xf32> to vector<512xf32>
    %broadcast_in_dim3A_331 = vector.shape_cast %reduce_sum3A_330 : vector<512xf32> to vector<512x1xf32>
    %div3A_332 = arith.constant 2.560000e+02 : f32
    %div3A_333 = vector.broadcast %div3A_332 : f32 to vector<512x1xf32>
    %div3A_334 = arith.divf %broadcast_in_dim3A_331, %div3A_333 : vector<512x1xf32>
    %jit3A_335 = arith.constant 0 : i32
    %reduce_sum3A_336 = arith.constant dense<0.000000e+00> : vector<512xf32>
    %reduce_sum3A_337 = vector.multi_reduction <add>, %add3A_328, %reduce_sum3A_336 [1] : vector<512x256xf32> to vector<512xf32>
    %broadcast_in_dim3A_338 = vector.shape_cast %reduce_sum3A_337 : vector<512xf32> to vector<512x1xf32>
    %div3A_339 = arith.constant 2.560000e+02 : f32
    %div3A_340 = vector.broadcast %div3A_339 : f32 to vector<512x1xf32>
    %div3A_341 = arith.divf %broadcast_in_dim3A_338, %div3A_340 : vector<512x1xf32>
    %sub3A_342 = vector.broadcast %div3A_341 : vector<512x1xf32> to vector<512x256xf32>
    %sub3A_343 = arith.subf %add3A_328, %sub3A_342 : vector<512x256xf32>
    %square3A_344 = arith.mulf %sub3A_343, %sub3A_343 : vector<512x256xf32>
    %convert_element_type3A_345 = arith.sitofp %jit3A_335 : i32 to f32
    %sub3A_346 = arith.constant 2.560000e+02 : f32
    %sub3A_347 = arith.subf %sub3A_346, %convert_element_type3A_345 : f32
    %reduce_sum3A_348 = arith.constant dense<0.000000e+00> : vector<512xf32>
    %reduce_sum3A_349 = vector.multi_reduction <add>, %square3A_344, %reduce_sum3A_348 [1] : vector<512x256xf32> to vector<512xf32>
    %broadcast_in_dim3A_350 = vector.shape_cast %reduce_sum3A_349 : vector<512xf32> to vector<512x1xf32>
    %div3A_351 = vector.broadcast %sub3A_347 : f32 to vector<512x1xf32>
    %div3A_352 = arith.divf %broadcast_in_dim3A_350, %div3A_351 : vector<512x1xf32>
    %gt3A_353 = arith.constant 0.000000e+00 : f32
    %gt3A_354 = arith.cmpf ogt, %sub3A_347, %gt3A_353 : f32
    %jit3A_355 = arith.constant 0x7FC00000 : f32
    %broadcast_in_dim3A_356 = vector.broadcast %jit3A_355 : f32 to vector<512x1xf32>
    %select_n3A_357 = arith.select %gt3A_354, %div3A_352, %broadcast_in_dim3A_356 : vector<512x1xf32>
    %sub3A_358 = vector.broadcast %div3A_334 : vector<512x1xf32> to vector<512x256xf32>
    %sub3A_359 = arith.subf %add3A_328, %sub3A_358 : vector<512x256xf32>
    %add3A_360 = arith.constant 9.99999974E-6 : f32
    %add3A_361 = vector.broadcast %add3A_360 : f32 to vector<512x1xf32>
    %add3A_362 = arith.addf %select_n3A_357, %add3A_361 : vector<512x1xf32>
    %sqrt3A_363 = math.sqrt %add3A_362 : vector<512x1xf32>
    %div3A_364 = vector.broadcast %sqrt3A_363 : vector<512x1xf32> to vector<512x256xf32>
    %div3A_365 = arith.divf %sub3A_359, %div3A_364 : vector<512x256xf32>
    %mul3A_366 = vector.broadcast %slice3A_15 : vector<1x256xf32> to vector<512x256xf32>
    %mul3A_367 = arith.mulf %div3A_365, %mul3A_366 : vector<512x256xf32>
    %add3A_368 = vector.broadcast %slice3A_16 : vector<1x256xf32> to vector<512x256xf32>
    %add3A_369 = arith.addf %mul3A_367, %add3A_368 : vector<512x256xf32>
    %get3A_370 = arith.constant 0 : index
    %get3A_371 = arith.constant 0 : index
    %get3A_372 = arith.constant 0 : index
    %get3A_373 = vector.load %arg12[%get3A_370, %get3A_371, %get3A_372] : memref<1x1024x256xf32, #tpu.memory_space<vmem>>, vector<1x1024x256xf32>
    %get3A_374 = vector.shape_cast %get3A_373 : vector<1x1024x256xf32> to vector<1024x256xf32>
    %dot_general3A_375 = arith.constant dense<0.000000e+00> : vector<512x1024xf32>
    %dot_general3A_376 = tpu.matmul %add3A_369, %get3A_374, %dot_general3A_375 {dimension_numbers = #tpu.dot_dimension_numbers<[1], [1], [0], [0], [0, 0, 1, 0], [], []>, transpose_lhs_hint = false} : vector<512x256xf32>, vector<1024x256xf32>, vector<512x1024xf32> -> vector<512x1024xf32>
    %get3A_377 = arith.constant 0 : index
    %get3A_378 = arith.constant 0 : index
    %get3A_379 = arith.constant 0 : index
    %get3A_380 = vector.load %arg13[%get3A_377, %get3A_378, %get3A_379] : memref<1x1x1024xf32, #tpu.memory_space<vmem>>, vector<1x1x1024xf32>
    %get3A_381 = vector.shape_cast %get3A_380 : vector<1x1x1024xf32> to vector<1x1024xf32>
    %add3A_382 = vector.broadcast %get3A_381 : vector<1x1024xf32> to vector<512x1024xf32>
    %add3A_383 = arith.addf %dot_general3A_376, %add3A_382 : vector<512x1024xf32>
    %max3A_384 = arith.constant 0.000000e+00 : f32
    %max3A_385 = vector.broadcast %max3A_384 : f32 to vector<512x1024xf32>
    %max3A_386 = arith.maximumf %add3A_383, %max3A_385 : vector<512x1024xf32>
    %get3A_387 = arith.constant 0 : index
    %get3A_388 = arith.constant 0 : index
    %get3A_389 = arith.constant 0 : index
    %get3A_390 = vector.load %arg14[%get3A_387, %get3A_388, %get3A_389] : memref<1x256x1024xf32, #tpu.memory_space<vmem>>, vector<1x256x1024xf32>
    %get3A_391 = vector.shape_cast %get3A_390 : vector<1x256x1024xf32> to vector<256x1024xf32>
    %dot_general3A_392 = arith.constant dense<0.000000e+00> : vector<512x256xf32>
    %dot_general3A_393 = tpu.matmul %max3A_386, %get3A_391, %dot_general3A_392 {dimension_numbers = #tpu.dot_dimension_numbers<[1], [1], [0], [0], [0, 0, 1, 0], [], []>, transpose_lhs_hint = false} : vector<512x1024xf32>, vector<256x1024xf32>, vector<512x256xf32> -> vector<512x256xf32>
    %add3A_394 = vector.broadcast %slice3A_17 : vector<1x256xf32> to vector<512x256xf32>
    %add3A_395 = arith.addf %dot_general3A_393, %add3A_394 : vector<512x256xf32>
    %add3A_396 = arith.addf %add3A_369, %add3A_395 : vector<512x256xf32>
    %reduce_sum3A_397 = arith.constant dense<0.000000e+00> : vector<512xf32>
    %reduce_sum3A_398 = vector.multi_reduction <add>, %add3A_396, %reduce_sum3A_397 [1] : vector<512x256xf32> to vector<512xf32>
    %broadcast_in_dim3A_399 = vector.shape_cast %reduce_sum3A_398 : vector<512xf32> to vector<512x1xf32>
    %div3A_400 = arith.constant 2.560000e+02 : f32
    %div3A_401 = vector.broadcast %div3A_400 : f32 to vector<512x1xf32>
    %div3A_402 = arith.divf %broadcast_in_dim3A_399, %div3A_401 : vector<512x1xf32>
    %jit3A_403 = arith.constant 0 : i32
    %reduce_sum3A_404 = arith.constant dense<0.000000e+00> : vector<512xf32>
    %reduce_sum3A_405 = vector.multi_reduction <add>, %add3A_396, %reduce_sum3A_404 [1] : vector<512x256xf32> to vector<512xf32>
    %broadcast_in_dim3A_406 = vector.shape_cast %reduce_sum3A_405 : vector<512xf32> to vector<512x1xf32>
    %div3A_407 = arith.constant 2.560000e+02 : f32
    %div3A_408 = vector.broadcast %div3A_407 : f32 to vector<512x1xf32>
    %div3A_409 = arith.divf %broadcast_in_dim3A_406, %div3A_408 : vector<512x1xf32>
    %sub3A_410 = vector.broadcast %div3A_409 : vector<512x1xf32> to vector<512x256xf32>
    %sub3A_411 = arith.subf %add3A_396, %sub3A_410 : vector<512x256xf32>
    %square3A_412 = arith.mulf %sub3A_411, %sub3A_411 : vector<512x256xf32>
    %convert_element_type3A_413 = arith.sitofp %jit3A_403 : i32 to f32
    %sub3A_414 = arith.constant 2.560000e+02 : f32
    %sub3A_415 = arith.subf %sub3A_414, %convert_element_type3A_413 : f32
    %reduce_sum3A_416 = arith.constant dense<0.000000e+00> : vector<512xf32>
    %reduce_sum3A_417 = vector.multi_reduction <add>, %square3A_412, %reduce_sum3A_416 [1] : vector<512x256xf32> to vector<512xf32>
    %broadcast_in_dim3A_418 = vector.shape_cast %reduce_sum3A_417 : vector<512xf32> to vector<512x1xf32>
    %div3A_419 = vector.broadcast %sub3A_415 : f32 to vector<512x1xf32>
    %div3A_420 = arith.divf %broadcast_in_dim3A_418, %div3A_419 : vector<512x1xf32>
    %gt3A_421 = arith.constant 0.000000e+00 : f32
    %gt3A_422 = arith.cmpf ogt, %sub3A_415, %gt3A_421 : f32
    %jit3A_423 = arith.constant 0x7FC00000 : f32
    %broadcast_in_dim3A_424 = vector.broadcast %jit3A_423 : f32 to vector<512x1xf32>
    %select_n3A_425 = arith.select %gt3A_422, %div3A_420, %broadcast_in_dim3A_424 : vector<512x1xf32>
    %sub3A_426 = vector.broadcast %div3A_402 : vector<512x1xf32> to vector<512x256xf32>
    %sub3A_427 = arith.subf %add3A_396, %sub3A_426 : vector<512x256xf32>
    %add3A_428 = arith.constant 9.99999974E-6 : f32
    %add3A_429 = vector.broadcast %add3A_428 : f32 to vector<512x1xf32>
    %add3A_430 = arith.addf %select_n3A_425, %add3A_429 : vector<512x1xf32>
    %sqrt3A_431 = math.sqrt %add3A_430 : vector<512x1xf32>
    %div3A_432 = vector.broadcast %sqrt3A_431 : vector<512x1xf32> to vector<512x256xf32>
    %div3A_433 = arith.divf %sub3A_427, %div3A_432 : vector<512x256xf32>
    %mul3A_434 = vector.broadcast %slice3A_18 : vector<1x256xf32> to vector<512x256xf32>
    %mul3A_435 = arith.mulf %div3A_433, %mul3A_434 : vector<512x256xf32>
    %add3A_436 = vector.broadcast %slice3A_19 : vector<1x256xf32> to vector<512x256xf32>
    %add3A_437 = arith.addf %mul3A_435, %add3A_436 : vector<512x256xf32>
    %add3A_438 = arith.addf %add3A_437, %reshape3A : vector<512x256xf32>
    %reshape3A_439 = vector.shape_cast %add3A_438 : vector<512x256xf32> to vector<4x128x256xf32>
    %transpose3A = tpu.transpose %reshape3A_439, [0, 2, 1] : vector<4x128x256xf32> -> vector<4x256x128xf32>
    %reshape3A_440 = vector.shape_cast %transpose3A : vector<4x256x128xf32> to vector<4x256x1x128xf32>
    %swap3A = arith.constant 0 : index
    %swap3A_441 = arith.constant 0 : index
    %swap3A_442 = arith.index_cast %arg0 : i32 to index
    %swap3A_443 = arith.constant 0 : index
    %swap3A_444 = vector.load %arg16[%swap3A, %swap3A_441, %swap3A_442, %swap3A_443] : memref<4x256x11x128xf32, #tpu.memory_space<vmem>>, vector<4x256x1x128xf32>
    tpu.vector_store %arg16[%swap3A, %swap3A_441, %swap3A_442, %swap3A_443], %reshape3A_440 {strides = array<i32>} : memref<4x256x11x128xf32, #tpu.memory_space<vmem>>, vector<4x256x1x128xf32>,
    return
  }
  func.func @transform_0(%arg0: i32) -> (i32, i32, i32) {
    %c0_i32 = arith.constant 0 : i32
    %c0_i32_0 = arith.constant 0 : i32
    %c0_i32_1 = arith.constant 0 : i32
    return %c0_i32, %arg0, %c0_i32_0 : i32, i32, i32
  }
  func.func @transform_1(%arg0: i32) -> (i32, i32, i32) {
    %c0_i32 = arith.constant 0 : i32
    %c0_i32_0 = arith.constant 0 : i32
    %c0_i32_1 = arith.constant 0 : i32
    return %c0_i32, %arg0, %c0_i32_0 : i32, i32, i32
  }
  func.func @transform_2(%arg0: i32) -> (i32, i32, i32) {
    %c0_i32 = arith.constant 0 : i32
    %c0_i32_0 = arith.constant 0 : i32
    %c0_i32_1 = arith.constant 0 : i32
    return %c0_i32, %arg0, %c0_i32_0 : i32, i32, i32
  }
  func.func @transform_3(%arg0: i32) -> (i32, i32, i32) {
    %c0_i32 = arith.constant 0 : i32
    %c0_i32_0 = arith.constant 0 : i32
    %c0_i32_1 = arith.constant 0 : i32
    return %c0_i32, %arg0, %c0_i32_0 : i32, i32, i32
  }
  func.func @transform_4(%arg0: i32) -> (i32, i32, i32) {
    %c0_i32 = arith.constant 0 : i32
    %c0_i32_0 = arith.constant 0 : i32
    %c0_i32_1 = arith.constant 0 : i32
    return %c0_i32, %arg0, %c0_i32_0 : i32, i32, i32
  }
  func.func @transform_5(%arg0: i32) -> (i32, i32, i32) {
    %ge3A = arith.constant 8 : i32
    %ge3A_0 = arith.cmpi sge, %arg0, %ge3A : i32
    %convert_element_type3A = arith.extui %ge3A_0 : i1 to i32
    %sub3A = arith.constant 2 : i32
    %sub3A_1 = arith.subi %sub3A, %convert_element_type3A : i32
    %ge3A_2 = arith.constant 10 : i32
    %ge3A_3 = arith.cmpi sge, %arg0, %ge3A_2 : i32
    %convert_element_type3A_4 = arith.extui %ge3A_3 : i1 to i32
    %sub3A_5 = arith.subi %sub3A_1, %convert_element_type3A_4 : i32
    %c0_i32 = arith.constant 0 : i32
    %c0_i32_6 = arith.constant 0 : i32
    %c0_i32_7 = arith.constant 0 : i32
    return %sub3A_5, %c0_i32, %c0_i32_6 : i32, i32, i32
  }
  func.func @transform_6(%arg0: i32) -> (i32, i32, i32) {
    %ge3A = arith.constant 8 : i32
    %ge3A_0 = arith.cmpi sge, %arg0, %ge3A : i32
    %convert_element_type3A = arith.extui %ge3A_0 : i1 to i32
    %sub3A = arith.constant 2 : i32
    %sub3A_1 = arith.subi %sub3A, %convert_element_type3A : i32
    %ge3A_2 = arith.constant 10 : i32
    %ge3A_3 = arith.cmpi sge, %arg0, %ge3A_2 : i32
    %convert_element_type3A_4 = arith.extui %ge3A_3 : i1 to i32
    %sub3A_5 = arith.subi %sub3A_1, %convert_element_type3A_4 : i32
    %c0_i32 = arith.constant 0 : i32
    %c0_i32_6 = arith.constant 0 : i32
    %c0_i32_7 = arith.constant 0 : i32
    return %sub3A_5, %c0_i32, %c0_i32_6 : i32, i32, i32
  }
  func.func @transform_7(%arg0: i32) -> (i32, i32, i32) {
    %ge3A = arith.constant 8 : i32
    %ge3A_0 = arith.cmpi sge, %arg0, %ge3A : i32
    %convert_element_type3A = arith.extui %ge3A_0 : i1 to i32
    %sub3A = arith.constant 2 : i32
    %sub3A_1 = arith.subi %sub3A, %convert_element_type3A : i32
    %ge3A_2 = arith.constant 10 : i32
    %ge3A_3 = arith.cmpi sge, %arg0, %ge3A_2 : i32
    %convert_element_type3A_4 = arith.extui %ge3A_3 : i1 to i32
    %sub3A_5 = arith.subi %sub3A_1, %convert_element_type3A_4 : i32
    %c0_i32 = arith.constant 0 : i32
    %c0_i32_6 = arith.constant 0 : i32
    %c0_i32_7 = arith.constant 0 : i32
    return %sub3A_5, %c0_i32, %c0_i32_6 : i32, i32, i32
  }
  func.func @transform_8(%arg0: i32) -> (i32, i32, i32) {
    %ge3A = arith.constant 8 : i32
    %ge3A_0 = arith.cmpi sge, %arg0, %ge3A : i32
    %convert_element_type3A = arith.extui %ge3A_0 : i1 to i32
    %sub3A = arith.constant 2 : i32
    %sub3A_1 = arith.subi %sub3A, %convert_element_type3A : i32
    %ge3A_2 = arith.constant 10 : i32
    %ge3A_3 = arith.cmpi sge, %arg0, %ge3A_2 : i32
    %convert_element_type3A_4 = arith.extui %ge3A_3 : i1 to i32
    %sub3A_5 = arith.subi %sub3A_1, %convert_element_type3A_4 : i32
    %c0_i32 = arith.constant 0 : i32
    %c0_i32_6 = arith.constant 0 : i32
    %c0_i32_7 = arith.constant 0 : i32
    return %sub3A_5, %c0_i32, %c0_i32_6 : i32, i32, i32
  }
  func.func @transform_9(%arg0: i32) -> (i32, i32, i32) {
    %ge3A = arith.constant 8 : i32
    %ge3A_0 = arith.cmpi sge, %arg0, %ge3A : i32
    %convert_element_type3A = arith.extui %ge3A_0 : i1 to i32
    %sub3A = arith.constant 2 : i32
    %sub3A_1 = arith.subi %sub3A, %convert_element_type3A : i32
    %ge3A_2 = arith.constant 10 : i32
    %ge3A_3 = arith.cmpi sge, %arg0, %ge3A_2 : i32
    %convert_element_type3A_4 = arith.extui %ge3A_3 : i1 to i32
    %sub3A_5 = arith.subi %sub3A_1, %convert_element_type3A_4 : i32
    %c0_i32 = arith.constant 0 : i32
    %c0_i32_6 = arith.constant 0 : i32
    %c0_i32_7 = arith.constant 0 : i32
    return %sub3A_5, %c0_i32, %c0_i32_6 : i32, i32, i32
  }
  func.func @transform_10(%arg0: i32) -> (i32, i32, i32) {
    %ge3A = arith.constant 8 : i32
    %ge3A_0 = arith.cmpi sge, %arg0, %ge3A : i32
    %convert_element_type3A = arith.extui %ge3A_0 : i1 to i32
    %sub3A = arith.constant 2 : i32
    %sub3A_1 = arith.subi %sub3A, %convert_element_type3A : i32
    %ge3A_2 = arith.constant 10 : i32
    %ge3A_3 = arith.cmpi sge, %arg0, %ge3A_2 : i32
    %convert_element_type3A_4 = arith.extui %ge3A_3 : i1 to i32
    %sub3A_5 = arith.subi %sub3A_1, %convert_element_type3A_4 : i32
    %c0_i32 = arith.constant 0 : i32
    %c0_i32_6 = arith.constant 0 : i32
    %c0_i32_7 = arith.constant 0 : i32
    return %sub3A_5, %c0_i32, %c0_i32_6 : i32, i32, i32
  }
  func.func @transform_11(%arg0: i32) -> (i32, i32, i32) {
    %ge3A = arith.constant 8 : i32
    %ge3A_0 = arith.cmpi sge, %arg0, %ge3A : i32
    %convert_element_type3A = arith.extui %ge3A_0 : i1 to i32
    %sub3A = arith.constant 2 : i32
    %sub3A_1 = arith.subi %sub3A, %convert_element_type3A : i32
    %ge3A_2 = arith.constant 10 : i32
    %ge3A_3 = arith.cmpi sge, %arg0, %ge3A_2 : i32
    %convert_element_type3A_4 = arith.extui %ge3A_3 : i1 to i32
    %sub3A_5 = arith.subi %sub3A_1, %convert_element_type3A_4 : i32
    %c0_i32 = arith.constant 0 : i32
    %c0_i32_6 = arith.constant 0 : i32
    %c0_i32_7 = arith.constant 0 : i32
    return %sub3A_5, %c0_i32, %c0_i32_6 : i32, i32, i32
  }
  func.func @transform_12(%arg0: i32) -> (i32, i32, i32) {
    %ge3A = arith.constant 8 : i32
    %ge3A_0 = arith.cmpi sge, %arg0, %ge3A : i32
    %convert_element_type3A = arith.extui %ge3A_0 : i1 to i32
    %sub3A = arith.constant 2 : i32
    %sub3A_1 = arith.subi %sub3A, %convert_element_type3A : i32
    %ge3A_2 = arith.constant 10 : i32
    %ge3A_3 = arith.cmpi sge, %arg0, %ge3A_2 : i32
    %convert_element_type3A_4 = arith.extui %ge3A_3 : i1 to i32
    %sub3A_5 = arith.subi %sub3A_1, %convert_element_type3A_4 : i32
    %c0_i32 = arith.constant 0 : i32
    %c0_i32_6 = arith.constant 0 : i32
    %c0_i32_7 = arith.constant 0 : i32
    return %sub3A_5, %c0_i32, %c0_i32_6 : i32, i32, i32
  }
  func.func @transform_13(%arg0: i32) -> (i32, i32, i32) {
    %ge3A = arith.constant 8 : i32
    %ge3A_0 = arith.cmpi sge, %arg0, %ge3A : i32
    %convert_element_type3A = arith.extui %ge3A_0 : i1 to i32
    %sub3A = arith.constant 2 : i32
    %sub3A_1 = arith.subi %sub3A, %convert_element_type3A : i32
    %ge3A_2 = arith.constant 10 : i32
    %ge3A_3 = arith.cmpi sge, %arg0, %ge3A_2 : i32
    %convert_element_type3A_4 = arith.extui %ge3A_3 : i1 to i32
    %sub3A_5 = arith.subi %sub3A_1, %convert_element_type3A_4 : i32
    %c0_i32 = arith.constant 0 : i32
    %c0_i32_6 = arith.constant 0 : i32
    %c0_i32_7 = arith.constant 0 : i32
    return %sub3A_5, %c0_i32, %c0_i32_6 : i32, i32, i32
  }
  func.func @transform_14(%arg0: i32) -> (i32, i32, i32) {
    %ge3A = arith.constant 8 : i32
    %ge3A_0 = arith.cmpi sge, %arg0, %ge3A : i32
    %convert_element_type3A = arith.extui %ge3A_0 : i1 to i32
    %sub3A = arith.constant 2 : i32
    %sub3A_1 = arith.subi %sub3A, %convert_element_type3A : i32
    %ge3A_2 = arith.constant 10 : i32
    %ge3A_3 = arith.cmpi sge, %arg0, %ge3A_2 : i32
    %convert_element_type3A_4 = arith.extui %ge3A_3 : i1 to i32
    %sub3A_5 = arith.subi %sub3A_1, %convert_element_type3A_4 : i32
    %c0_i32 = arith.constant 0 : i32
    %c0_i32_6 = arith.constant 0 : i32
    %c0_i32_7 = arith.constant 0 : i32
    return %sub3A_5, %c0_i32, %c0_i32_6 : i32, i32, i32
  }
  func.func @transform_15(%arg0: i32) -> (i32, i32, i32, i32) {
    %c0_i32 = arith.constant 0 : i32
    %c0_i32_0 = arith.constant 0 : i32
    %c0_i32_1 = arith.constant 0 : i32
    %c0_i32_2 = arith.constant 0 : i32
    %c0_i32_3 = arith.constant 0 : i32
    return %c0_i32, %c0_i32_0, %c0_i32_1, %c0_i32_2 : i32, i32, i32, i32
  }
}

</mosaic_0001>

<sc_bundles>
// kernel: kernel.11.cloned.1.call-start
scs
__scs_entry_jumppad:
0x0: {  	(pc) =	sbr.rel $0x88, $3  }
0x1: {  	(tag) =	ssettag $0x0;
	lr =	simm.s32 $0x1  }
0x2: {  	[smem:$0x3F67] =	sst lr;
	_ =	strace $0xD0000000  }
0x3: {  	_ = 	snop  }
0x4: {  	_ = 	snop  }
0x5: {  	_ = 	snop  }
0x6: {  	_ = 	snop  }
0x7: {  	_ = 	snop  }
__scs_overlays_trampoline_lowered:
0x8: {  	[smem:$0x3F76] =	sst s0  }
0x9: {  	[smem:$0x3F77] =	sst s1  }
0xa: {  	[smem:$0x3F78] =	sst s2  }
0xb: {  	[smem:$0x3F79] =	sst s3  }
0xc: {  	[smem:$0x3F7A] =	sst s4  }
0xd: {  	[smem:$0x3F7B] =	sst s5  }
0xe: {  	[smem:$0x3F7C] =	sst s6  }
0xf: {  	[smem:$0x3F7D] =	sst s7  }
0x10: {  	[smem:$0x3F7E] =	sst s8  }
0x11: {  	[smem:$0x3F7F] =	sst s9;
	s0 =	simm.s32 @!p0 $0x0  }
0x12: {  	s1 =	sld [smem:$0x3F65];
	s0 =	simm.s32 @p0 $0x1  }
0x13: {  	[smem:$0x3F80] =	sst s0;
	s0 =	simm.s32 @!p1 $0x0  }
0x14: {  	s2 =	sld [smem:$0x3F64];
	s0 =	simm.s32 @p1 $0x1  }
0x15: {  	[smem:$0x3F81] =	sst s0;
	s0 =	simm.s32 @!p2 $0x0  }
0x16: {  	s3 =	sld [smem:$0x3FDB];
	s0 =	simm.s32 @p2 $0x1  }
0x17: {  	s4 =	simm.s32 $0x1BF5;
	[smem:$0x3F83] =	sst s0  }
0x18: {  	s0 =	sld [smem:$0x3F66];
	_ =	swait.ge [sflag:s4], $0x0  }
0x19: {  	s7 =	sld [smem:$0x3F67]  }
0x1a: {  	s8 =	sadd.s32 $0xFFFFE003, lr  }
0x1b: {  	s9 =	sadd.s32 $0xFFFFFEF7, lr;
	s5 =	simm.s32 $0xFFFFFFFF;
	p2 =	slt.u32 s8, $0xFFFFF086  }
0x1c: {  	p1 =	slt.u32 s9, $0xF7A;
	s5 =	simm.s32 @!p2 $0x0  }
0x1d: {  	s5 =	simm.s32 @p1 $0x1;
	p0 =	seq.s32 s7, s2  }
0x1e: {  	s7 =	smul.u32 @!p0 $0xF7A, s2;
	p2 =	seq.s32 @!p0 s5, $0x0  }
0x1f: {  	s9 =	smul.u32 $0xF7A, s1;
	s8 =	simm.s32 @!p0 $0x1BF5;
	p2 =	por !p2, p0  }
0x20: {  	[sflag:s8] =	ssyncset.s32 @!p0 $0xFFFFF086;
	s6 =	sadd.s32 @!p0 s3, s7;
	s7 =	simm.s32 @!p0 $0x108  }
0x21: {  	s3 =	sadd.s32 s3, s9;
	s6 =	sadd.s32 @!p0 $0x88, s6;
	s7 =	simm.s32 @p2 $0x1082  }
0x22: {  	[simem:s7], [sflag:s8] =	dma.local @!p0 [hbm:s6], $0xF7A  }
0x23: {  	s9 =	sor.u32 $0xD0000000, s2;
	s6 =	simm.s32 $0x108;
	_ =	swait.ge @!p0 [sflag:s8], $0x0  }
0x24: {  	s3 =	sadd.s32 $0x88, s3;
	s6 =	simm.s32 @!p1 $0x1082;
	[sflag:s4] =	ssyncset.s32 $0xFFFFF086  }
0x25: {  	[simem:s6], [sflag:s4] =	dma.local [hbm:s3], $0xF7A  }
0x26: {  	[smem:$0x3F67] =	sst s1;
	(tag) =	ssettag s2;
	_ =	strace s9  }
0x27: {  	s1 =	sld [smem:$0x3F77]  }
0x28: {  	s2 =	sld [smem:$0x3F78]  }
0x29: {  	s4 =	sld [smem:$0x3F7A]  }
0x2a: {  	p0 =	seq.s32 s5, $0x0;
	s5 =	sld [smem:$0x3F7B]  }
0x2b: {  	s6 =	sld [smem:$0x3F7C]  }
0x2c: {  	s7 =	sld [smem:$0x3F7D]  }
0x2d: {  	s3 =	simm.s32 $0x108;
	s8 =	sld [smem:$0x3F7E]  }
0x2e: {  	s3 =	simm.s32 @!p0 $0x1082;
	s9 =	sld [smem:$0x3F7F]  }
0x2f: {  	lr =	sadd.s32 s0, s3;
	s0 =	sld [smem:$0x3F76]  }
0x30: {  	s3 =	sld [smem:$0x3F79]  }
0x31: {  	[smem:$0x3F82] =	sst s10  }
0x32: {  	s10 =	sld [smem:$0x3F80];
	_ =	sdelay $0x3  }
0x33: {  	p0 =	seq.s32 s10, $0x1;
	s10 =	sld [smem:$0x3F82];
	_ =	sdelay $0x3  }
0x34: {  	[smem:$0x3F82] =	sst s10  }
0x35: {  	s10 =	sld [smem:$0x3F81];
	_ =	sdelay $0x3  }
0x36: {  	p1 =	seq.s32 s10, $0x1;
	s10 =	sld [smem:$0x3F82];
	_ =	sdelay $0x3  }
0x37: {  	[smem:$0x3F82] =	sst s10  }
0x38: {  	s10 =	sld [smem:$0x3F83]  }
0x39: {  	_ = 	snop;
	(pc) =	sbr.ind lr, $3  }
0x3a: {  	_ = 	snop  }
0x3b: {  	_ = 	snop  }
0x3c: {  	p2 =	seq.s32 s10, $0x1;
	s10 =	sld [smem:$0x3F82]  }
0x3d: {  	_ =	shalt  }
0x3e: {  	_ =	shalt  }
0x3f: {  	_ =	shalt  }
0x40: {  	_ =	shalt  }
0x41: {  	_ =	shalt  }
0x42: {  	_ =	shalt  }
0x43: {  	_ =	shalt  }
0x44: {  	_ =	shalt  }
0x45: {  	_ =	shalt  }
0x46: {  	_ =	shalt  }
0x47: {  	_ =	shalt  }
0x48: {  	_ =	shalt  }
0x49: {  	_ =	shalt  }
0x4a: {  	_ =	shalt  }
0x4b: {  	_ =	shalt  }
0x4c: {  	_ =	shalt  }
0x4d: {  	_ =	shalt  }
0x4e: {  	_ =	shalt  }
0x4f: {  	_ =	shalt  }
0x50: {  	_ =	shalt  }
0x51: {  	_ =	shalt  }
0x52: {  	_ =	shalt  }
0x53: {  	_ =	shalt  }
0x54: {  	_ =	shalt  }
0x55: {  	_ =	shalt  }
0x56: {  	_ =	shalt  }
0x57: {  	_ =	shalt  }
0x58: {  	_ =	shalt  }
0x59: {  	_ =	shalt  }
0x5a: {  	_ =	shalt  }
0x5b: {  	_ =	shalt  }
0x5c: {  	_ =	shalt  }
0x5d: {  	_ =	shalt  }
0x5e: {  	_ =	shalt  }
0x5f: {  	_ =	shalt  }
0x60: {  	_ =	shalt  }
0x61: {  	_ =	shalt  }
0x62: {  	_ =	shalt  }
0x63: {  	_ =	shalt  }
0x64: {  	_ =	shalt  }
0x65: {  	_ =	shalt  }
0x66: {  	_ =	shalt  }
0x67: {  	_ =	shalt  }
0x68: {  	_ =	shalt  }
0x69: {  	_ =	shalt  }
0x6a: {  	_ =	shalt  }
0x6b: {  	_ =	shalt  }
0x6c: {  	_ =	shalt  }
0x6d: {  	_ =	shalt  }
0x6e: {  	_ =	shalt  }
0x6f: {  	_ =	shalt  }
0x70: {  	_ =	shalt  }
0x71: {  	_ =	shalt  }
0x72: {  	_ =	shalt  }
0x73: {  	_ =	shalt  }
0x74: {  	_ =	shalt  }
0x75: {  	_ =	shalt  }
0x76: {  	_ =	shalt  }
0x77: {  	_ =	shalt  }
0x78: {  	_ =	shalt  }
0x79: {  	_ =	shalt  }
0x7a: {  	_ =	shalt  }
0x7b: {  	_ =	shalt  }
0x7c: {  	_ =	shalt  }
0x7d: {  	_ =	shalt  }
0x7e: {  	_ =	shalt  }
0x7f: {  	_ =	shalt  }
0x80: {  	_ =	shalt  }
0x81: {  	_ =	shalt  }
0x82: {  	_ =	shalt  }
0x83: {  	_ =	shalt  }
0x84: {  	_ =	shalt  }
0x85: {  	_ =	shalt  }
0x86: {  	_ =	shalt  }
0x87: {  	_ =	shalt  }
.Lfunc_end0:
.L_simem_size_0:
called_computation_lowered:
.L_overlay_start_0:
0x88: {  	s2 =	sld [smem:$0x3FD9]  }
0x89: {  	s3 =	sld [smem:$0x3FFE];
	_ =	sdelay $0x1  }
0x8a: {  	s1 =	srdreg.scid  }
0x8b: {  	s0 =	sand.u32 $0x1, s1  }
0x8c: {  	s14 =	sshll.u32 s0, $0xA;
	s2 =	sadd.s32 s3, s2  }
0x8d: {  	s2 =	sadd.s32 s2, s14  }
0x8e: {  	[smem:$0x3F8E] =	sst s2  }
0x8f: {  	_ = 	snop  }
0x90: {  	s2 =	sld [smem:$0x3FD0];
	_ =	sdelay $0x2  }
0x91: {  	s15 =	simm.s32 $0xD;
	s4 =	simm.s32 $0x10  }
0x92: {  	[smem:s4], [sflag:s15] =	dma.local [hbm:s2], $0x1  }
0x93: {  	_ =	swait.eq [sflag:s15], $0x1  }
0x94: {  	[sflag:s15] =	ssyncset.done $0x0  }
0x95: {  	[sflag:s15] =	ssyncadd.s32 $0xFFFFFFFF  }
0x96: {  	s16 =	sld [smem:$0x12];
	(tm) =	ssettm $0x1  }
0x97: {  	s17 =	sld [smem:$0x3FFB];
	_ =	sdelay $0x3  }
0x98: {  	_ =	strace s17  }
0x99: {  	s3 =	sld [smem:$0x3FFC];
	_ =	sdelay $0x3  }
0x9a: {  	_ =	strace s3  }
0x9b: {  	s3 =	sld [smem:$0x3FFD];
	_ =	sdelay $0x3  }
0x9c: {  	_ =	strace s3  }
0x9d: {  	_ =	strace $0x8FFFFFFF  }
0x9e: {  	s18 =	sld [smem:$0x3FDB];
	_ =	sdelay $0x1  }
0x9f: {  	s19 =	simm.s32 $_scs_section_size  }
0xa0: {  	s5 =	simm.s32 $_size__tile_overlayer_lowered;
	s6 =	simm.s32 $_tile_overlayer_lowered  }
0xa1: {  	s22 =	simm.s32 $0x1BFF;
	s21 =	sshll.u32 s6, $0x1;
	s3 =	sadd.s32 s19, s18  }
0xa2: {  	s7 =	simm.s32 $0x0;
	s20 =	sshll.u32 s5, $0x1;
	s5 =	sadd.s32 s21, s3  }
0xa3: {  	[timem:s7], [sflag:s22] =	dma.local [hbm:s5], s20  }
0xa4: {  	_ =	swait.ge [sflag:s22], s20  }
0xa5: {  	s4 =	ssub.s32 $0x0, s20;
	[sflag:s22] =	ssyncset.done $0x0  }
0xa6: {  	[sflag:s22] =	ssyncadd.s32 s4;
	_ =	sdelay $0x1  }
0xa7: {  	s23 =	simm.s32 $0x1B8B  }
0xa8: {  	_ =	swait.ge [sflag:s23], $0x1  }
0xa9: {  	[sflag:s23] =	ssyncset.done $0x0  }
0xaa: {  	s25 =	simm.s32 $0x1B8E;
	s24 =	sld [smem:$0x3FFE];
	[sflag:s23] =	ssyncadd.s32 $0xFFFFFFFF  }
0xab: {  	s26 =	simm.s32 $execute0_lowered;
	[smem:$0x3FD2] =	sst s25  }
0xac: {  	s5 =	sshll.u32 s26, $0x1;
	_ =	strace $0x80000046;
	[dreg:$0x1] =	wrdreg $0xFFFFFFFF  }
0xad: {  	s28 =	simm.s32 $_size_execute0_lowered;
	s3 =	sadd.s32 s3, s5;
	[dreg:$0x0] =	wrdreg $0x0  }
0xae: {  	s5 =	sshll.u32 s28, $0x1;
	[dreg:$0x2] =	wrdreg s3  }
0xaf: {  	[dreg:$0x3] =	wrdreg s5  }
0xb0: {  	[dreg:$0x4] =	wrdreg $0xC0  }
0xb1: {  	_ =	task [dreg:s7], $0x5FFFF  }
0xb2: {  	[dreg:$0x1] =	wrdreg $0xFFFFFFFF  }
0xb3: {  	[dreg:$0x0] =	wrdreg $0x60  }
0xb4: {  	[dreg:$0x2] =	wrdreg s24  }
0xb5: {  	[dreg:$0x3] =	wrdreg s16  }
0xb6: {  	[dreg:$0x4] =	wrdreg $0x9  }
0xb7: {  	_ =	task.clear_ibuf [dreg:s7], $0x5FFFF;
	_ =	strace $0x90000046  }
0xb8: {  	s29 =	simm.s32 $0x9;
	_ =	strace $0x80000048  }
0xb9: {  	_ =	swait.ge [sflag:s29], $0x1  }
0xba: {  	[sflag:s29] =	ssyncadd.s32 $0xFFFFFFFF  }
0xbb: {  	_ =	strace $0x90000048  }
0xbc: {  	_ =	sfence  }
0xbd: {  	s30 =	sld [smem:$0x0];
	_ =	sdelay $0x2  }
0xbe: {  	s31 =	sshll.u32 s1, $0xD;
	s1 =	sshrl.u32 s1, $0x2  }
0xbf: {  	s3 =	sand.u32 $0x4000, s31;
	s1 =	sadd.s32 s1, s30  }
0xc0: {  	s0 =	sor.u32 s3, s0;
	s1 =	sshll.u32 s1, $0x11  }
0xc1: {  	s0 =	sor.u32 s1, s0  }
0xc2: {  	s0 =	sadd.s32 $0x8F2B, s0  }
0xc3: {  	[sflag:s0] =	ssyncadd.remote.s32 $0x1  }
0xc4: {  	_ =	sfence.sel $0xFFFF  }
0xc5: {  	[dreg:$0x0] =	wrdreg $0xFFFFFFFF;
	(pc) =	sbr.abs _section_cstart, $3  }
0xc6: {  	[dreg:$0x1] =	wrdreg $0xFFFFFFFF  }
0xc7: {  	_ =	task.clear_ibuf [dreg:s7], $0x2FFFF;
	_ =	strace $0x9FFFFFFF  }
0xc8: {  	(tm) =	ssettm $0x7FFFFFFF  }
0xc9: {  	_ =	shalt  }
tec
execute0_lowered:
.L_overlay_start_1:
0x0: {  	(tag) =	ssettag $0x1  }
0x1: {  	s4 =	rddreg [dreg:$0x0]  }
0x2: {  	s1 =	srdreg.scid;
	s0 =	stileid.u32  }
0x3: {  	s5 =	rddreg [dreg:$0x1];
	s2 =	simm.s32 $0x0;
	s10 =	simm.s32 $0x1100  }
0x4: {  	s11 =	simm.s32 $0x1900;
	s12 =	simm.s32 $0x2100;
	s13 =	simm.s32 $0x2900  }
0x5: {  	s14 =	simm.s32 $0x3100;
	s15 =	simm.s32 $0x3900;
	s16 =	simm.s32 $0x4100  }
0x6: {  	s17 =	simm.s32 $0x4900;
	s18 =	simm.s32 $0x5100;
	s19 =	simm.s32 $0x5900  }
0x7: {  	s20 =	simm.s32 $0x6100;
	s21 =	simm.s32 $0x6900;
	s22 =	simm.s32 $0x7100  }
0x8: {  	s23 =	simm.s32 $0x7900;
	s24 =	simm.s32 $0x8100;
	s25 =	simm.s32 $0x8900  }
0x9: {  	s26 =	simm.s32 $0x9100;
	s28 =	simm.s32 $0x9900;
	s29 =	simm.s32 $0xA100  }
0xa: {  	s30 =	simm.s32 $0xA900;
	s3 =	sand.u32 $0x1, s1;
	s6 =	sshll.u32 s0, $0x1  }
0xb: {  	s31 =	simm.s32 $0x1;
	s1 =	rddreg [dreg:$0x2];
	s6 =	sor.u32 s3, s6  }
0xc: {  	[smem:$0x7FF] =	sst s2;
	s8 =	ssub.s32 $0x2, s3;
	s7 =	smul.u32 $0x1600, s6  }
0xd: {  	_ =	strace $0x80000047;
	s9 =	sshrl.u32 s8, $0x1;
	s6 =	smul.u32 $0x16, s6  }
0xe: {  	v2 =	vlaneseq.u32;
	s3 =	sadd.s32 $0x89E00, s4;
	s8 =	ssub.s32 s8, s9;
	s9 =	simm.s32 $0x900  }
0xf: {  	vm0 =	vmmov $0xffff;
	v1 =	vshrl.u32 v2, $0x3;
	s7 =	sadd.s32 s7, s4;
	s4 =	sadd.s32 s5, s6;
	s6 =	smax.u32 s8, $0x1  }
0x10: {  	v0 =	vand.u32 $0x7, v2;
	v2 =	vor.u32 $0x8, v2;
	v1 =	vmul.u32 $0x8, v1;
	s8 =	simm.s32 $0x100;
	s5 =	sadd.s32 $0xB4600, s7;
	s7 =	simm.s32 $0x2  }
.LBB2_1:
0x11: {  	[tilespmem:s2], [sflag:$0x2] =	stream.linear.gather [hbm4b:s4+s2], $0xB0, $0x38;
	[tilespmem:$0xB100] =	vst v63  }
0x12: {  	_ =	swait.ge [sflag:s7], $0xB0  }
0x13: {  	[sflag:s7] =	ssyncset.done $0x0  }
0x14: {  	[sflag:s7] =	ssyncadd.s32 $0xFFFFFF50  }
0x15: {  	v3 =	vld [tilespmem:$0x0];
	_ =	sdelay $0x4  }
0x16: {  	v4 =	vshll.u32 v3, $0x1  }
0x17: {  	v3 =	vand.u32 $0x7, v3;
	v4 =	vand.u32 $0xFFFFFFF0, v4  }
0x18: {  	v3 =	vor.u32 v3, v4  }
0x19: {  	v4 =	vperm.xlane v3, v0;
	_ =	sdelay $0x1  }
0x1a: {  	v3 =	vperm.xlane v3, v2;
	v4 =	vadd.s32 v1, v4;
	_ =	sdelay $0x1  }
0x1b: {  	v3 =	vadd.s32 v1, v3;
	_ =	sdelay $0x2  }
0x1c: {  	[tilespmem:s8], [sflag:$0x1] =	stream.indirect_vreg.gather [hbm4b:s3+s2], $0x80, v4, vm0, $0xb8;
	[tilespmem:$0xB100] =	vst v63  }
0x1d: {  	_ = 	snop  }
0x1e: {  	[tilespmem:s9], [sflag:$0x1] =	stream.indirect_vreg.gather [hbm4b:s3+s2], $0x80, v3, vm0, $0xb8;
	[tilespmem:$0xB100] =	vst v63  }
0x1f: {  	v3 =	vld [tilespmem:$0x10];
	_ =	sdelay $0x4  }
0x20: {  	v54 =	vshll.u32 v3, $0x1  }
0x21: {  	v3 =	vand.u32 $0x7, v3;
	v4 =	vand.u32 $0xFFFFFFF0, v54  }
0x22: {  	v3 =	vor.u32 v3, v4  }
0x23: {  	v4 =	vperm.xlane v3, v0;
	_ =	sdelay $0x1  }
0x24: {  	v3 =	vperm.xlane v3, v2;
	v4 =	vadd.s32 v1, v4;
	_ =	sdelay $0x1  }
0x25: {  	v3 =	vadd.s32 v1, v3;
	_ =	sdelay $0x2  }
0x26: {  	[tilespmem:s10], [sflag:$0x1] =	stream.indirect_vreg.gather [hbm4b:s3+s2], $0x80, v4, vm0, $0xb8;
	[tilespmem:$0xB100] =	vst v63  }
0x27: {  	_ = 	snop  }
0x28: {  	[tilespmem:s11], [sflag:$0x1] =	stream.indirect_vreg.gather [hbm4b:s3+s2], $0x80, v3, vm0, $0xb8;
	[tilespmem:$0xB100] =	vst v63  }
0x29: {  	v3 =	vld [tilespmem:$0x20];
	_ =	sdelay $0x4  }
0x2a: {  	v55 =	vshll.u32 v3, $0x1  }
0x2b: {  	v3 =	vand.u32 $0x7, v3;
	v4 =	vand.u32 $0xFFFFFFF0, v55  }
0x2c: {  	v3 =	vor.u32 v3, v4  }
0x2d: {  	v4 =	vperm.xlane v3, v0;
	_ =	sdelay $0x1  }
0x2e: {  	v3 =	vperm.xlane v3, v2;
	v4 =	vadd.s32 v1, v4;
	_ =	sdelay $0x1  }
0x2f: {  	v3 =	vadd.s32 v1, v3;
	_ =	sdelay $0x2  }
0x30: {  	[tilespmem:s12], [sflag:$0x1] =	stream.indirect_vreg.gather [hbm4b:s3+s2], $0x80, v4, vm0, $0xb8;
	[tilespmem:$0xB100] =	vst v63  }
0x31: {  	_ = 	snop  }
0x32: {  	[tilespmem:s13], [sflag:$0x1] =	stream.indirect_vreg.gather [hbm4b:s3+s2], $0x80, v3, vm0, $0xb8;
	[tilespmem:$0xB100] =	vst v63  }
0x33: {  	v3 =	vld [tilespmem:$0x30];
	_ =	sdelay $0x4  }
0x34: {  	v56 =	vshll.u32 v3, $0x1  }
0x35: {  	v3 =	vand.u32 $0x7, v3;
	v4 =	vand.u32 $0xFFFFFFF0, v56  }
0x36: {  	v3 =	vor.u32 v3, v4  }
0x37: {  	v4 =	vperm.xlane v3, v0;
	_ =	sdelay $0x1  }
0x38: {  	v3 =	vperm.xlane v3, v2;
	v4 =	vadd.s32 v1, v4;
	_ =	sdelay $0x1  }
0x39: {  	v3 =	vadd.s32 v1, v3;
	_ =	sdelay $0x2  }
0x3a: {  	[tilespmem:s14], [sflag:$0x1] =	stream.indirect_vreg.gather [hbm4b:s3+s2], $0x80, v4, vm0, $0xb8;
	[tilespmem:$0xB100] =	vst v63  }
0x3b: {  	_ = 	snop  }
0x3c: {  	[tilespmem:s15], [sflag:$0x1] =	stream.indirect_vreg.gather [hbm4b:s3+s2], $0x80, v3, vm0, $0xb8;
	[tilespmem:$0xB100] =	vst v63  }
0x3d: {  	v3 =	vld [tilespmem:$0x40];
	_ =	sdelay $0x4  }
0x3e: {  	v57 =	vshll.u32 v3, $0x1  }
0x3f: {  	v3 =	vand.u32 $0x7, v3;
	v4 =	vand.u32 $0xFFFFFFF0, v57  }
0x40: {  	v3 =	vor.u32 v3, v4  }
0x41: {  	v4 =	vperm.xlane v3, v0;
	_ =	sdelay $0x1  }
0x42: {  	v3 =	vperm.xlane v3, v2;
	v4 =	vadd.s32 v1, v4;
	_ =	sdelay $0x1  }
0x43: {  	v3 =	vadd.s32 v1, v3;
	_ =	sdelay $0x2  }
0x44: {  	[tilespmem:s16], [sflag:$0x1] =	stream.indirect_vreg.gather [hbm4b:s3+s2], $0x80, v4, vm0, $0xb8;
	[tilespmem:$0xB100] =	vst v63  }
0x45: {  	_ = 	snop  }
0x46: {  	[tilespmem:s17], [sflag:$0x1] =	stream.indirect_vreg.gather [hbm4b:s3+s2], $0x80, v3, vm0, $0xb8;
	[tilespmem:$0xB100] =	vst v63  }
0x47: {  	v3 =	vld [tilespmem:$0x50];
	_ =	sdelay $0x4  }
0x48: {  	v58 =	vshll.u32 v3, $0x1  }
0x49: {  	v3 =	vand.u32 $0x7, v3;
	v4 =	vand.u32 $0xFFFFFFF0, v58  }
0x4a: {  	v3 =	vor.u32 v3, v4  }
0x4b: {  	v4 =	vperm.xlane v3, v0;
	_ =	sdelay $0x1  }
0x4c: {  	v3 =	vperm.xlane v3, v2;
	v4 =	vadd.s32 v1, v4;
	_ =	sdelay $0x1  }
0x4d: {  	v3 =	vadd.s32 v1, v3;
	_ =	sdelay $0x2  }
0x4e: {  	[tilespmem:s18], [sflag:$0x1] =	stream.indirect_vreg.gather [hbm4b:s3+s2], $0x80, v4, vm0, $0xb8;
	[tilespmem:$0xB100] =	vst v63  }
0x4f: {  	_ = 	snop  }
0x50: {  	[tilespmem:s19], [sflag:$0x1] =	stream.indirect_vreg.gather [hbm4b:s3+s2], $0x80, v3, vm0, $0xb8;
	[tilespmem:$0xB100] =	vst v63  }
0x51: {  	v3 =	vld [tilespmem:$0x60];
	_ =	sdelay $0x4  }
0x52: {  	v59 =	vshll.u32 v3, $0x1  }
0x53: {  	v3 =	vand.u32 $0x7, v3;
	v4 =	vand.u32 $0xFFFFFFF0, v59  }
0x54: {  	v3 =	vor.u32 v3, v4  }
0x55: {  	v4 =	vperm.xlane v3, v0;
	_ =	sdelay $0x1  }
0x56: {  	v3 =	vperm.xlane v3, v2;
	v4 =	vadd.s32 v1, v4;
	_ =	sdelay $0x1  }
0x57: {  	v3 =	vadd.s32 v1, v3;
	_ =	sdelay $0x2  }
0x58: {  	[tilespmem:s20], [sflag:$0x1] =	stream.indirect_vreg.gather [hbm4b:s3+s2], $0x80, v4, vm0, $0xb8;
	[tilespmem:$0xB100] =	vst v63  }
0x59: {  	_ = 	snop  }
0x5a: {  	[tilespmem:s21], [sflag:$0x1] =	stream.indirect_vreg.gather [hbm4b:s3+s2], $0x80, v3, vm0, $0xb8;
	[tilespmem:$0xB100] =	vst v63  }
0x5b: {  	v3 =	vld [tilespmem:$0x70];
	_ =	sdelay $0x4  }
0x5c: {  	v60 =	vshll.u32 v3, $0x1  }
0x5d: {  	v3 =	vand.u32 $0x7, v3;
	v4 =	vand.u32 $0xFFFFFFF0, v60  }
0x5e: {  	v3 =	vor.u32 v3, v4  }
0x5f: {  	v4 =	vperm.xlane v3, v0;
	_ =	sdelay $0x1  }
0x60: {  	v3 =	vperm.xlane v3, v2;
	v4 =	vadd.s32 v1, v4;
	_ =	sdelay $0x1  }
0x61: {  	v3 =	vadd.s32 v1, v3;
	_ =	sdelay $0x2  }
0x62: {  	[tilespmem:s22], [sflag:$0x1] =	stream.indirect_vreg.gather [hbm4b:s3+s2], $0x80, v4, vm0, $0xb8;
	[tilespmem:$0xB100] =	vst v63  }
0x63: {  	_ = 	snop  }
0x64: {  	[tilespmem:s23], [sflag:$0x1] =	stream.indirect_vreg.gather [hbm4b:s3+s2], $0x80, v3, vm0, $0xb8;
	[tilespmem:$0xB100] =	vst v63  }
0x65: {  	v3 =	vld [tilespmem:$0x80];
	_ =	sdelay $0x4  }
0x66: {  	v61 =	vshll.u32 v3, $0x1  }
0x67: {  	v3 =	vand.u32 $0x7, v3;
	v4 =	vand.u32 $0xFFFFFFF0, v61  }
0x68: {  	v3 =	vor.u32 v3, v4  }
0x69: {  	v4 =	vperm.xlane v3, v0;
	_ =	sdelay $0x1  }
0x6a: {  	v3 =	vperm.xlane v3, v2;
	v4 =	vadd.s32 v1, v4;
	_ =	sdelay $0x1  }
0x6b: {  	v3 =	vadd.s32 v1, v3;
	_ =	sdelay $0x2  }
0x6c: {  	[tilespmem:s24], [sflag:$0x1] =	stream.indirect_vreg.gather [hbm4b:s3+s2], $0x80, v4, vm0, $0xb8;
	[tilespmem:$0xB100] =	vst v63  }
0x6d: {  	_ = 	snop  }
0x6e: {  	[tilespmem:s25], [sflag:$0x1] =	stream.indirect_vreg.gather [hbm4b:s3+s2], $0x80, v3, vm0, $0xb8;
	[tilespmem:$0xB100] =	vst v63  }
0x6f: {  	v3 =	vld [tilespmem:$0x90];
	_ =	sdelay $0x4  }
0x70: {  	v62 =	vshll.u32 v3, $0x1  }
0x71: {  	v3 =	vand.u32 $0x7, v3;
	v4 =	vand.u32 $0xFFFFFFF0, v62  }
0x72: {  	v3 =	vor.u32 v3, v4  }
0x73: {  	v4 =	vperm.xlane v3, v0;
	_ =	sdelay $0x1  }
0x74: {  	v3 =	vperm.xlane v3, v2;
	v4 =	vadd.s32 v1, v4;
	_ =	sdelay $0x1  }
0x75: {  	v3 =	vadd.s32 v1, v3;
	_ =	sdelay $0x2  }
0x76: {  	[tilespmem:s26], [sflag:$0x1] =	stream.indirect_vreg.gather [hbm4b:s3+s2], $0x80, v4, vm0, $0xb8;
	[tilespmem:$0xB100] =	vst v63  }
0x77: {  	_ = 	snop  }
0x78: {  	[tilespmem:s28], [sflag:$0x1] =	stream.indirect_vreg.gather [hbm4b:s3+s2], $0x80, v3, vm0, $0xb8;
	[tilespmem:$0xB100] =	vst v63  }
0x79: {  	v3 =	vld [tilespmem:$0xA0];
	_ =	sdelay $0x4  }
0x7a: {  	v63 =	vshll.u32 v3, $0x1  }
0x7b: {  	v3 =	vand.u32 $0x7, v3;
	v4 =	vand.u32 $0xFFFFFFF0, v63  }
0x7c: {  	v3 =	vor.u32 v3, v4  }
0x7d: {  	v4 =	vperm.xlane v3, v0;
	_ =	sdelay $0x1  }
0x7e: {  	v3 =	vperm.xlane v3, v2;
	v4 =	vadd.s32 v1, v4;
	_ =	sdelay $0x1  }
0x7f: {  	v3 =	vadd.s32 v1, v3;
	_ =	sdelay $0x2  }
0x80: {  	[tilespmem:s29], [sflag:$0x1] =	stream.indirect_vreg.gather [hbm4b:s3+s2], $0x80, v4, vm0, $0xb8;
	[tilespmem:$0xB100] =	vst v63  }
0x81: {  	_ = 	snop  }
0x82: {  	[tilespmem:s30], [sflag:$0x1] =	stream.indirect_vreg.gather [hbm4b:s3+s2], $0x80, v3, vm0, $0xb8;
	[tilespmem:$0xB100] =	vst v63  }
0x83: {  	_ =	swait.ge [sflag:s31], $0xB000  }
0x84: {  	p0 =	sne.s32 s6, $0x1;
	[sflag:s31] =	ssyncset.done $0x0  }
.Ltmp0:
0x85: {  	[sflag:s31] =	ssyncadd.s32 $0xFFFF5000;
	(pc) =	sbr.rel @p0 .LBB2_1-.Ltmp0, $4  }
0x86: {  	[hbm4b:s5+s2] =	stream.linear.scatter [tilespmem:s8], [sflag:$0x2], $0xB000, $0x38;
	[tilespmem:$0xB100] =	vst v63  }
0x87: {  	_ =	swait.ge [sflag:s7], $0xB000  }
0x88: {  	[sflag:s7] =	ssyncset.done $0x0  }
0x89: {  	s6 =	sadd.s32 $0xFFFFFFFF, s6;
	[sflag:s7] =	ssyncadd.s32 $0xFFFF5000  }
0x8a: {  	_ =	sfence.sel $0x180000  }
0x8b: {  	[bflag:$0x0] =	sbarrier.arrive $0xFFFF  }
0x8c: {  	p0 =	sne.s32 s0, $0x0;
	_ =	strace $0x90000047  }
0x8d: {  	s0 =	sadd.s32 @!p0 $0x100000, s1;
	[bflag:$0x2] =	sbarrier.arrive $0xFFFF  }
0x8e: {  	[sflag:s0] =	ssyncadd.tile.s32 @!p0 $0x1;
	_ =	shalt  }
.Lfunc_end2:
_tile_overlayer_lowered:
.L_overlay_start_2:
0x8f: {  	(tag) =	ssettag $0x2  }
0x90: {  	s0 =	rddreg [dreg:$0x0];
	s2 =	stileid.u32  }
0x91: {  	s1 =	rddreg [dreg:$0x1];
	p0 =	sne.s32 s2, $0x0  }
0x92: {  	s3 =	rddreg [dreg:$0x2];
	[bflag:$0x3] =	sbarrier.arrive $0xFFFF;
	s2 =	simm.s32 @!p0 $0x1C02  }
0x93: {  	[timem:s3], [sflag:s2] =	dma.local @!p0 [hbm:s0], s1  }
0x94: {  	s0 =	simm.s32 @!p0 $0x2  }
0x95: {  	_ =	swait.ge @!p0 [sflag:s0], s1  }
0x96: {  	s1 =	ssub.s32 @!p0 $0x0, s1;
	[sflag:s0] =	ssyncset.done @!p0 $0x0  }
0x97: {  	[sflag:s0] =	ssyncadd.s32 @!p0 s1  }
0x98: {  	[bflag:$0x3] =	sbarrier.arrive $0xFFFF  }
0x99: {  	_ =	shalt  }

// kernel: kernel.14.cloned.1.call-start
scs
__scs_entry_jumppad:
0x0: {  	(pc) =	sbr.rel $0x88, $3  }
0x1: {  	(tag) =	ssettag $0x0;
	lr =	simm.s32 $0x1  }
0x2: {  	[smem:$0x3F67] =	sst lr;
	_ =	strace $0xD0000000  }
0x3: {  	_ = 	snop  }
0x4: {  	_ = 	snop  }
0x5: {  	_ = 	snop  }
0x6: {  	_ = 	snop  }
0x7: {  	_ = 	snop  }
__scs_overlays_trampoline_lowered:
0x8: {  	[smem:$0x3F76] =	sst s0  }
0x9: {  	[smem:$0x3F77] =	sst s1  }
0xa: {  	[smem:$0x3F78] =	sst s2  }
0xb: {  	[smem:$0x3F79] =	sst s3  }
0xc: {  	[smem:$0x3F7A] =	sst s4  }
0xd: {  	[smem:$0x3F7B] =	sst s5  }
0xe: {  	[smem:$0x3F7C] =	sst s6  }
0xf: {  	[smem:$0x3F7D] =	sst s7  }
0x10: {  	[smem:$0x3F7E] =	sst s8  }
0x11: {  	[smem:$0x3F7F] =	sst s9;
	s0 =	simm.s32 @!p0 $0x0  }
0x12: {  	s1 =	sld [smem:$0x3F65];
	s0 =	simm.s32 @p0 $0x1  }
0x13: {  	[smem:$0x3F80] =	sst s0;
	s0 =	simm.s32 @!p1 $0x0  }
0x14: {  	s2 =	sld [smem:$0x3F64];
	s0 =	simm.s32 @p1 $0x1  }
0x15: {  	[smem:$0x3F81] =	sst s0;
	s0 =	simm.s32 @!p2 $0x0  }
0x16: {  	s3 =	sld [smem:$0x3FDB];
	s0 =	simm.s32 @p2 $0x1  }
0x17: {  	s4 =	simm.s32 $0x1BF5;
	[smem:$0x3F83] =	sst s0  }
0x18: {  	s0 =	sld [smem:$0x3F66];
	_ =	swait.ge [sflag:s4], $0x0  }
0x19: {  	s7 =	sld [smem:$0x3F67]  }
0x1a: {  	s8 =	sadd.s32 $0xFFFFE003, lr  }
0x1b: {  	s9 =	sadd.s32 $0xFFFFFEF7, lr;
	s5 =	simm.s32 $0xFFFFFFFF;
	p2 =	slt.u32 s8, $0xFFFFF086  }
0x1c: {  	p1 =	slt.u32 s9, $0xF7A;
	s5 =	simm.s32 @!p2 $0x0  }
0x1d: {  	s5 =	simm.s32 @p1 $0x1;
	p0 =	seq.s32 s7, s2  }
0x1e: {  	s7 =	smul.u32 @!p0 $0xF7A, s2;
	p2 =	seq.s32 @!p0 s5, $0x0  }
0x1f: {  	s9 =	smul.u32 $0xF7A, s1;
	s8 =	simm.s32 @!p0 $0x1BF5;
	p2 =	por !p2, p0  }
0x20: {  	[sflag:s8] =	ssyncset.s32 @!p0 $0xFFFFF086;
	s6 =	sadd.s32 @!p0 s3, s7;
	s7 =	simm.s32 @!p0 $0x108  }
0x21: {  	s3 =	sadd.s32 s3, s9;
	s6 =	sadd.s32 @!p0 $0x88, s6;
	s7 =	simm.s32 @p2 $0x1082  }
0x22: {  	[simem:s7], [sflag:s8] =	dma.local @!p0 [hbm:s6], $0xF7A  }
0x23: {  	s9 =	sor.u32 $0xD0000000, s2;
	s6 =	simm.s32 $0x108;
	_ =	swait.ge @!p0 [sflag:s8], $0x0  }
0x24: {  	s3 =	sadd.s32 $0x88, s3;
	s6 =	simm.s32 @!p1 $0x1082;
	[sflag:s4] =	ssyncset.s32 $0xFFFFF086  }
0x25: {  	[simem:s6], [sflag:s4] =	dma.local [hbm:s3], $0xF7A  }
0x26: {  	[smem:$0x3F67] =	sst s1;
	(tag) =	ssettag s2;
	_ =	strace s9  }
0x27: {  	s1 =	sld [smem:$0x3F77]  }
0x28: {  	s2 =	sld [smem:$0x3F78]  }
0x29: {  	s4 =	sld [smem:$0x3F7A]  }
0x2a: {  	p0 =	seq.s32 s5, $0x0;
	s5 =	sld [smem:$0x3F7B]  }
0x2b: {  	s6 =	sld [smem:$0x3F7C]  }
0x2c: {  	s7 =	sld [smem:$0x3F7D]  }
0x2d: {  	s3 =	simm.s32 $0x108;
	s8 =	sld [smem:$0x3F7E]  }
0x2e: {  	s3 =	simm.s32 @!p0 $0x1082;
	s9 =	sld [smem:$0x3F7F]  }
0x2f: {  	lr =	sadd.s32 s0, s3;
	s0 =	sld [smem:$0x3F76]  }
0x30: {  	s3 =	sld [smem:$0x3F79]  }
0x31: {  	[smem:$0x3F82] =	sst s10  }
0x32: {  	s10 =	sld [smem:$0x3F80];
	_ =	sdelay $0x3  }
0x33: {  	p0 =	seq.s32 s10, $0x1;
	s10 =	sld [smem:$0x3F82];
	_ =	sdelay $0x3  }
0x34: {  	[smem:$0x3F82] =	sst s10  }
0x35: {  	s10 =	sld [smem:$0x3F81];
	_ =	sdelay $0x3  }
0x36: {  	p1 =	seq.s32 s10, $0x1;
	s10 =	sld [smem:$0x3F82];
	_ =	sdelay $0x3  }
0x37: {  	[smem:$0x3F82] =	sst s10  }
0x38: {  	s10 =	sld [smem:$0x3F83]  }
0x39: {  	_ = 	snop;
	(pc) =	sbr.ind lr, $3  }
0x3a: {  	_ = 	snop  }
0x3b: {  	_ = 	snop  }
0x3c: {  	p2 =	seq.s32 s10, $0x1;
	s10 =	sld [smem:$0x3F82]  }
0x3d: {  	_ =	shalt  }
0x3e: {  	_ =	shalt  }
0x3f: {  	_ =	shalt  }
0x40: {  	_ =	shalt  }
0x41: {  	_ =	shalt  }
0x42: {  	_ =	shalt  }
0x43: {  	_ =	shalt  }
0x44: {  	_ =	shalt  }
0x45: {  	_ =	shalt  }
0x46: {  	_ =	shalt  }
0x47: {  	_ =	shalt  }
0x48: {  	_ =	shalt  }
0x49: {  	_ =	shalt  }
0x4a: {  	_ =	shalt  }
0x4b: {  	_ =	shalt  }
0x4c: {  	_ =	shalt  }
0x4d: {  	_ =	shalt  }
0x4e: {  	_ =	shalt  }
0x4f: {  	_ =	shalt  }
0x50: {  	_ =	shalt  }
0x51: {  	_ =	shalt  }
0x52: {  	_ =	shalt  }
0x53: {  	_ =	shalt  }
0x54: {  	_ =	shalt  }
0x55: {  	_ =	shalt  }
0x56: {  	_ =	shalt  }
0x57: {  	_ =	shalt  }
0x58: {  	_ =	shalt  }
0x59: {  	_ =	shalt  }
0x5a: {  	_ =	shalt  }
0x5b: {  	_ =	shalt  }
0x5c: {  	_ =	shalt  }
0x5d: {  	_ =	shalt  }
0x5e: {  	_ =	shalt  }
0x5f: {  	_ =	shalt  }
0x60: {  	_ =	shalt  }
0x61: {  	_ =	shalt  }
0x62: {  	_ =	shalt  }
0x63: {  	_ =	shalt  }
0x64: {  	_ =	shalt  }
0x65: {  	_ =	shalt  }
0x66: {  	_ =	shalt  }
0x67: {  	_ =	shalt  }
0x68: {  	_ =	shalt  }
0x69: {  	_ =	shalt  }
0x6a: {  	_ =	shalt  }
0x6b: {  	_ =	shalt  }
0x6c: {  	_ =	shalt  }
0x6d: {  	_ =	shalt  }
0x6e: {  	_ =	shalt  }
0x6f: {  	_ =	shalt  }
0x70: {  	_ =	shalt  }
0x71: {  	_ =	shalt  }
0x72: {  	_ =	shalt  }
0x73: {  	_ =	shalt  }
0x74: {  	_ =	shalt  }
0x75: {  	_ =	shalt  }
0x76: {  	_ =	shalt  }
0x77: {  	_ =	shalt  }
0x78: {  	_ =	shalt  }
0x79: {  	_ =	shalt  }
0x7a: {  	_ =	shalt  }
0x7b: {  	_ =	shalt  }
0x7c: {  	_ =	shalt  }
0x7d: {  	_ =	shalt  }
0x7e: {  	_ =	shalt  }
0x7f: {  	_ =	shalt  }
0x80: {  	_ =	shalt  }
0x81: {  	_ =	shalt  }
0x82: {  	_ =	shalt  }
0x83: {  	_ =	shalt  }
0x84: {  	_ =	shalt  }
0x85: {  	_ =	shalt  }
0x86: {  	_ =	shalt  }
0x87: {  	_ =	shalt  }
.Lfunc_end0:
.L_simem_size_0:
called_computation.1_lowered:
.L_overlay_start_0:
0x88: {  	s2 =	sld [smem:$0x3FD9]  }
0x89: {  	s3 =	sld [smem:$0x3FFE];
	_ =	sdelay $0x1  }
0x8a: {  	s1 =	srdreg.scid  }
0x8b: {  	s0 =	sand.u32 $0x1, s1  }
0x8c: {  	s15 =	sshll.u32 s0, $0xA;
	s2 =	sadd.s32 s3, s2  }
0x8d: {  	s2 =	sadd.s32 s2, s15  }
0x8e: {  	[smem:$0x3F8E] =	sst s2  }
0x8f: {  	_ = 	snop  }
0x90: {  	s2 =	sld [smem:$0x3FD0];
	_ =	sdelay $0x2  }
0x91: {  	s16 =	simm.s32 $0xD;
	s4 =	simm.s32 $0x10  }
0x92: {  	[smem:s4], [sflag:s16] =	dma.local [hbm:s2], $0x1  }
0x93: {  	_ =	swait.eq [sflag:s16], $0x1  }
0x94: {  	[sflag:s16] =	ssyncset.done $0x0  }
0x95: {  	[sflag:s16] =	ssyncadd.s32 $0xFFFFFFFF  }
0x96: {  	s17 =	sld [smem:$0x11];
	(tm) =	ssettm $0x1  }
0x97: {  	s18 =	sld [smem:$0x3FFB];
	_ =	sdelay $0x3  }
0x98: {  	_ =	strace s18  }
0x99: {  	s2 =	sld [smem:$0x3FFC];
	_ =	sdelay $0x3  }
0x9a: {  	_ =	strace s2  }
0x9b: {  	s2 =	sld [smem:$0x3FFD];
	_ =	sdelay $0x3  }
0x9c: {  	_ =	strace s2  }
0x9d: {  	_ =	strace $0x8FFFFFFF  }
0x9e: {  	s19 =	sld [smem:$0x3FDB];
	_ =	sdelay $0x1  }
0x9f: {  	s20 =	simm.s32 $_scs_section_size  }
0xa0: {  	s5 =	simm.s32 $_size__tile_overlayer_lowered;
	s6 =	simm.s32 $_tile_overlayer_lowered  }
0xa1: {  	s7 =	simm.s32 $0x1BFF;
	s21 =	sshll.u32 s6, $0x1;
	s4 =	sadd.s32 s20, s19  }
0xa2: {  	s22 =	simm.s32 $0x0;
	s5 =	sshll.u32 s5, $0x1;
	s6 =	sadd.s32 s21, s4  }
0xa3: {  	[timem:s22], [sflag:s7] =	dma.local [hbm:s6], s5  }
0xa4: {  	_ =	swait.ge [sflag:s7], s5  }
0xa5: {  	s5 =	ssub.s32 $0x0, s5;
	[sflag:s7] =	ssyncset.done $0x0  }
0xa6: {  	[sflag:s7] =	ssyncadd.s32 s5;
	_ =	sdelay $0x1  }
0xa7: {  	s23 =	simm.s32 $0x1B8B  }
0xa8: {  	_ =	swait.ge [sflag:s23], $0x1  }
0xa9: {  	[sflag:s23] =	ssyncset.done $0x0  }
0xaa: {  	[sflag:s23] =	ssyncadd.s32 $0xFFFFFFFF  }
0xab: {  	s5 =	sld [smem:$0x0]  }
0xac: {  	s6 =	sand.u32 $0xFFFFFFFE, s1  }
0xad: {  	p0 =	sne.s32 s1, s6  }
0xae: {  	s6 =	sshll.u32 @p0 s6, $0xE  }
0xaf: {  	s6 =	sadd.s32 @p0 $0x11B8D, s6;
	s7 =	sshll.u32 @p0 s5, $0x11  }
0xb0: {  	s6 =	sor.u32 @p0 s7, s6  }
0xb1: {  	[sflag:s6] =	ssyncadd.remote.s32 @p0 $0x1;
	_ =	sdelay $0x1  }
0xb2: {  	s6 =	simm.s32 @p0 $0x1B8D  }
0xb3: {  	_ =	swait.eq @p0 [sflag:s6], $0x1  }
0xb4: {  	[sflag:s6] =	ssyncadd.s32 @p0 $0xFFFFFFFF  }
0xb5: {  	s7 =	sshll.u32 @!p0 s1, $0xE  }
0xb6: {  	s7 =	sor.u32 @!p0 $0x4000, s7;
	s6 =	simm.s32 @!p0 $0x1B8D  }
0xb7: {  	s5 =	sshll.u32 @!p0 s5, $0x11;
	s7 =	sadd.s32 @!p0 $0x11B8D, s7;
	_ =	swait.eq @!p0 [sflag:s6], $0x1  }
0xb8: {  	s5 =	sor.u32 @!p0 s5, s7;
	[sflag:s6] =	ssyncadd.s32 @!p0 $0xFFFFFFFF  }
0xb9: {  	s25 =	simm.s32 $0x1B8E;
	s24 =	sld [smem:$0x3FFE];
	[sflag:s5] =	ssyncadd.remote.s32 @!p0 $0x1  }
0xba: {  	s26 =	simm.s32 $execute0_lowered;
	[smem:$0x3FD2] =	sst s25  }
0xbb: {  	s6 =	sshll.u32 s26, $0x1;
	_ =	strace $0x80000049;
	[dreg:$0x1] =	wrdreg $0xFFFFFFFF  }
0xbc: {  	s28 =	simm.s32 $_size_execute0_lowered;
	s4 =	sadd.s32 s4, s6;
	[dreg:$0x0] =	wrdreg $0x0  }
0xbd: {  	s6 =	sshll.u32 s28, $0x1;
	[dreg:$0x2] =	wrdreg s4  }
0xbe: {  	[dreg:$0x3] =	wrdreg s6  }
0xbf: {  	[dreg:$0x4] =	wrdreg $0xC0  }
0xc0: {  	_ =	task [dreg:s22], $0x5FFFF  }
0xc1: {  	[dreg:$0x1] =	wrdreg $0xFFFFFFFF  }
0xc2: {  	[dreg:$0x0] =	wrdreg $0x60  }
0xc3: {  	[dreg:$0x2] =	wrdreg s24  }
0xc4: {  	[dreg:$0x3] =	wrdreg s17  }
0xc5: {  	[dreg:$0x4] =	wrdreg $0xA  }
0xc6: {  	_ =	task.clear_ibuf [dreg:s22], $0x5FFFF;
	_ =	strace $0x90000049  }
0xc7: {  	s29 =	simm.s32 $0xA;
	_ =	strace $0x8000004B  }
0xc8: {  	_ =	swait.ge [sflag:s29], $0x1  }
0xc9: {  	[sflag:s29] =	ssyncadd.s32 $0xFFFFFFFF  }
0xca: {  	_ =	strace $0x9000004B  }
0xcb: {  	_ =	sfence  }
0xcc: {  	s30 =	sld [smem:$0x0];
	_ =	sdelay $0x2  }
0xcd: {  	s31 =	sshll.u32 s1, $0xD;
	s1 =	sshrl.u32 s1, $0x2  }
0xce: {  	s4 =	sand.u32 $0x4000, s31;
	s1 =	sadd.s32 s1, s30  }
0xcf: {  	s0 =	sor.u32 s4, s0;
	s1 =	sshll.u32 s1, $0x11  }
0xd0: {  	s0 =	sor.u32 s1, s0  }
0xd1: {  	s0 =	sadd.s32 $0x8F2B, s0  }
0xd2: {  	[sflag:s0] =	ssyncadd.remote.s32 $0x1  }
0xd3: {  	_ =	sfence.sel $0xFFFF  }
0xd4: {  	[dreg:$0x0] =	wrdreg $0xFFFFFFFF;
	(pc) =	sbr.abs _section_cstart, $3  }
0xd5: {  	[dreg:$0x1] =	wrdreg $0xFFFFFFFF  }
0xd6: {  	_ =	task.clear_ibuf [dreg:s22], $0x2FFFF;
	_ =	strace $0x9FFFFFFF  }
0xd7: {  	(tm) =	ssettm $0x7FFFFFFF  }
tec
execute0_lowered:
.L_overlay_start_1:
0x0: {  	(tag) =	ssettag $0x1  }
0x1: {  	s4 =	rddreg [dreg:$0x0]  }
0x2: {  	s1 =	srdreg.scid;
	s0 =	stileid.u32  }
0x3: {  	s5 =	rddreg [dreg:$0x1];
	s2 =	simm.s32 $0x0;
	s10 =	simm.s32 $0x1100  }
0x4: {  	s11 =	simm.s32 $0x1900;
	s12 =	simm.s32 $0x2100;
	s13 =	simm.s32 $0x2900  }
0x5: {  	s14 =	simm.s32 $0x3100;
	s15 =	simm.s32 $0x3900;
	s16 =	simm.s32 $0x4100  }
0x6: {  	s17 =	simm.s32 $0x4900;
	s18 =	simm.s32 $0x5100;
	s19 =	simm.s32 $0x5900  }
0x7: {  	s20 =	simm.s32 $0x6100;
	s21 =	simm.s32 $0x6900;
	s22 =	simm.s32 $0x7100  }
0x8: {  	s23 =	simm.s32 $0x7900;
	s24 =	simm.s32 $0x8100;
	s25 =	simm.s32 $0x8900  }
0x9: {  	s26 =	simm.s32 $0x9100;
	s28 =	simm.s32 $0x9900;
	s29 =	simm.s32 $0xA100  }
0xa: {  	s30 =	simm.s32 $0xA900;
	s3 =	sand.u32 $0x1, s1;
	s6 =	sshll.u32 s0, $0x1  }
0xb: {  	s31 =	simm.s32 $0x1;
	s1 =	rddreg [dreg:$0x2];
	s6 =	sor.u32 s3, s6  }
0xc: {  	[smem:$0x7FF] =	sst s2;
	s8 =	ssub.s32 $0x2, s3;
	s7 =	smul.u32 $0x1600, s6  }
0xd: {  	_ =	strace $0x8000004A;
	s9 =	sshrl.u32 s8, $0x1;
	s6 =	smul.u32 $0x16, s6  }
0xe: {  	v2 =	vlaneseq.u32;
	s3 =	sadd.s32 $0x89E00, s4;
	s8 =	ssub.s32 s8, s9;
	s9 =	simm.s32 $0x900  }
0xf: {  	vm0 =	vmmov $0xffff;
	v1 =	vshrl.u32 v2, $0x3;
	s7 =	sadd.s32 s7, s4;
	s4 =	sadd.s32 s5, s6;
	s6 =	smax.u32 s8, $0x1  }
0x10: {  	v0 =	vand.u32 $0x7, v2;
	v2 =	vor.u32 $0x8, v2;
	v1 =	vmul.u32 $0x8, v1;
	s8 =	simm.s32 $0x100;
	s5 =	sadd.s32 $0xE0600, s7;
	s7 =	simm.s32 $0x2  }
.LBB2_1:
0x11: {  	[tilespmem:s2], [sflag:$0x2] =	stream.linear.gather [hbm4b:s4+s2], $0xB0, $0x38;
	[tilespmem:$0xB100] =	vst v63  }
0x12: {  	_ =	swait.ge [sflag:s7], $0xB0  }
0x13: {  	[sflag:s7] =	ssyncset.done $0x0  }
0x14: {  	[sflag:s7] =	ssyncadd.s32 $0xFFFFFF50  }
0x15: {  	v3 =	vld [tilespmem:$0x0];
	_ =	sdelay $0x4  }
0x16: {  	v4 =	vshll.u32 v3, $0x1  }
0x17: {  	v3 =	vand.u32 $0x7, v3;
	v4 =	vand.u32 $0xFFFFFFF0, v4  }
0x18: {  	v3 =	vor.u32 v3, v4  }
0x19: {  	v4 =	vperm.xlane v3, v0;
	_ =	sdelay $0x1  }
0x1a: {  	v3 =	vperm.xlane v3, v2;
	v4 =	vadd.s32 v1, v4;
	_ =	sdelay $0x1  }
0x1b: {  	v3 =	vadd.s32 v1, v3;
	_ =	sdelay $0x2  }
0x1c: {  	[tilespmem:s8], [sflag:$0x1] =	stream.indirect_vreg.gather [hbm4b:s3+s2], $0x80, v4, vm0, $0xb8;
	[tilespmem:$0xB100] =	vst v63  }
0x1d: {  	_ = 	snop  }
0x1e: {  	[tilespmem:s9], [sflag:$0x1] =	stream.indirect_vreg.gather [hbm4b:s3+s2], $0x80, v3, vm0, $0xb8;
	[tilespmem:$0xB100] =	vst v63  }
0x1f: {  	v3 =	vld [tilespmem:$0x10];
	_ =	sdelay $0x4  }
0x20: {  	v54 =	vshll.u32 v3, $0x1  }
0x21: {  	v3 =	vand.u32 $0x7, v3;
	v4 =	vand.u32 $0xFFFFFFF0, v54  }
0x22: {  	v3 =	vor.u32 v3, v4  }
0x23: {  	v4 =	vperm.xlane v3, v0;
	_ =	sdelay $0x1  }
0x24: {  	v3 =	vperm.xlane v3, v2;
	v4 =	vadd.s32 v1, v4;
	_ =	sdelay $0x1  }
0x25: {  	v3 =	vadd.s32 v1, v3;
	_ =	sdelay $0x2  }
0x26: {  	[tilespmem:s10], [sflag:$0x1] =	stream.indirect_vreg.gather [hbm4b:s3+s2], $0x80, v4, vm0, $0xb8;
	[tilespmem:$0xB100] =	vst v63  }
0x27: {  	_ = 	snop  }
0x28: {  	[tilespmem:s11], [sflag:$0x1] =	stream.indirect_vreg.gather [hbm4b:s3+s2], $0x80, v3, vm0, $0xb8;
	[tilespmem:$0xB100] =	vst v63  }
0x29: {  	v3 =	vld [tilespmem:$0x20];
	_ =	sdelay $0x4  }
0x2a: {  	v55 =	vshll.u32 v3, $0x1  }
0x2b: {  	v3 =	vand.u32 $0x7, v3;
	v4 =	vand.u32 $0xFFFFFFF0, v55  }
0x2c: {  	v3 =	vor.u32 v3, v4  }
0x2d: {  	v4 =	vperm.xlane v3, v0;
	_ =	sdelay $0x1  }
0x2e: {  	v3 =	vperm.xlane v3, v2;
	v4 =	vadd.s32 v1, v4;
	_ =	sdelay $0x1  }
0x2f: {  	v3 =	vadd.s32 v1, v3;
	_ =	sdelay $0x2  }
0x30: {  	[tilespmem:s12], [sflag:$0x1] =	stream.indirect_vreg.gather [hbm4b:s3+s2], $0x80, v4, vm0, $0xb8;
	[tilespmem:$0xB100] =	vst v63  }
0x31: {  	_ = 	snop  }
0x32: {  	[tilespmem:s13], [sflag:$0x1] =	stream.indirect_vreg.gather [hbm4b:s3+s2], $0x80, v3, vm0, $0xb8;
	[tilespmem:$0xB100] =	vst v63  }
0x33: {  	v3 =	vld [tilespmem:$0x30];
	_ =	sdelay $0x4  }
0x34: {  	v56 =	vshll.u32 v3, $0x1  }
0x35: {  	v3 =	vand.u32 $0x7, v3;
	v4 =	vand.u32 $0xFFFFFFF0, v56  }
0x36: {  	v3 =	vor.u32 v3, v4  }
0x37: {  	v4 =	vperm.xlane v3, v0;
	_ =	sdelay $0x1  }
0x38: {  	v3 =	vperm.xlane v3, v2;
	v4 =	vadd.s32 v1, v4;
	_ =	sdelay $0x1  }
0x39: {  	v3 =	vadd.s32 v1, v3;
	_ =	sdelay $0x2  }
0x3a: {  	[tilespmem:s14], [sflag:$0x1] =	stream.indirect_vreg.gather [hbm4b:s3+s2], $0x80, v4, vm0, $0xb8;
	[tilespmem:$0xB100] =	vst v63  }
0x3b: {  	_ = 	snop  }
0x3c: {  	[tilespmem:s15], [sflag:$0x1] =	stream.indirect_vreg.gather [hbm4b:s3+s2], $0x80, v3, vm0, $0xb8;
	[tilespmem:$0xB100] =	vst v63  }
0x3d: {  	v3 =	vld [tilespmem:$0x40];
	_ =	sdelay $0x4  }
0x3e: {  	v57 =	vshll.u32 v3, $0x1  }
0x3f: {  	v3 =	vand.u32 $0x7, v3;
	v4 =	vand.u32 $0xFFFFFFF0, v57  }
0x40: {  	v3 =	vor.u32 v3, v4  }
0x41: {  	v4 =	vperm.xlane v3, v0;
	_ =	sdelay $0x1  }
0x42: {  	v3 =	vperm.xlane v3, v2;
	v4 =	vadd.s32 v1, v4;
	_ =	sdelay $0x1  }
0x43: {  	v3 =	vadd.s32 v1, v3;
	_ =	sdelay $0x2  }
0x44: {  	[tilespmem:s16], [sflag:$0x1] =	stream.indirect_vreg.gather [hbm4b:s3+s2], $0x80, v4, vm0, $0xb8;
	[tilespmem:$0xB100] =	vst v63  }
0x45: {  	_ = 	snop  }
0x46: {  	[tilespmem:s17], [sflag:$0x1] =	stream.indirect_vreg.gather [hbm4b:s3+s2], $0x80, v3, vm0, $0xb8;
	[tilespmem:$0xB100] =	vst v63  }
0x47: {  	v3 =	vld [tilespmem:$0x50];
	_ =	sdelay $0x4  }
0x48: {  	v58 =	vshll.u32 v3, $0x1  }
0x49: {  	v3 =	vand.u32 $0x7, v3;
	v4 =	vand.u32 $0xFFFFFFF0, v58  }
0x4a: {  	v3 =	vor.u32 v3, v4  }
0x4b: {  	v4 =	vperm.xlane v3, v0;
	_ =	sdelay $0x1  }
0x4c: {  	v3 =	vperm.xlane v3, v2;
	v4 =	vadd.s32 v1, v4;
	_ =	sdelay $0x1  }
0x4d: {  	v3 =	vadd.s32 v1, v3;
	_ =	sdelay $0x2  }
0x4e: {  	[tilespmem:s18], [sflag:$0x1] =	stream.indirect_vreg.gather [hbm4b:s3+s2], $0x80, v4, vm0, $0xb8;
	[tilespmem:$0xB100] =	vst v63  }
0x4f: {  	_ = 	snop  }
0x50: {  	[tilespmem:s19], [sflag:$0x1] =	stream.indirect_vreg.gather [hbm4b:s3+s2], $0x80, v3, vm0, $0xb8;
	[tilespmem:$0xB100] =	vst v63  }
0x51: {  	v3 =	vld [tilespmem:$0x60];
	_ =	sdelay $0x4  }
0x52: {  	v59 =	vshll.u32 v3, $0x1  }
0x53: {  	v3 =	vand.u32 $0x7, v3;
	v4 =	vand.u32 $0xFFFFFFF0, v59  }
0x54: {  	v3 =	vor.u32 v3, v4  }
0x55: {  	v4 =	vperm.xlane v3, v0;
	_ =	sdelay $0x1  }
0x56: {  	v3 =	vperm.xlane v3, v2;
	v4 =	vadd.s32 v1, v4;
	_ =	sdelay $0x1  }
0x57: {  	v3 =	vadd.s32 v1, v3;
	_ =	sdelay $0x2  }
0x58: {  	[tilespmem:s20], [sflag:$0x1] =	stream.indirect_vreg.gather [hbm4b:s3+s2], $0x80, v4, vm0, $0xb8;
	[tilespmem:$0xB100] =	vst v63  }
0x59: {  	_ = 	snop  }
0x5a: {  	[tilespmem:s21], [sflag:$0x1] =	stream.indirect_vreg.gather [hbm4b:s3+s2], $0x80, v3, vm0, $0xb8;
	[tilespmem:$0xB100] =	vst v63  }
0x5b: {  	v3 =	vld [tilespmem:$0x70];
	_ =	sdelay $0x4  }
0x5c: {  	v60 =	vshll.u32 v3, $0x1  }
0x5d: {  	v3 =	vand.u32 $0x7, v3;
	v4 =	vand.u32 $0xFFFFFFF0, v60  }
0x5e: {  	v3 =	vor.u32 v3, v4  }
0x5f: {  	v4 =	vperm.xlane v3, v0;
	_ =	sdelay $0x1  }
0x60: {  	v3 =	vperm.xlane v3, v2;
	v4 =	vadd.s32 v1, v4;
	_ =	sdelay $0x1  }
0x61: {  	v3 =	vadd.s32 v1, v3;
	_ =	sdelay $0x2  }
0x62: {  	[tilespmem:s22], [sflag:$0x1] =	stream.indirect_vreg.gather [hbm4b:s3+s2], $0x80, v4, vm0, $0xb8;
	[tilespmem:$0xB100] =	vst v63  }
0x63: {  	_ = 	snop  }
0x64: {  	[tilespmem:s23], [sflag:$0x1] =	stream.indirect_vreg.gather [hbm4b:s3+s2], $0x80, v3, vm0, $0xb8;
	[tilespmem:$0xB100] =	vst v63  }
0x65: {  	v3 =	vld [tilespmem:$0x80];
	_ =	sdelay $0x4  }
0x66: {  	v61 =	vshll.u32 v3, $0x1  }
0x67: {  	v3 =	vand.u32 $0x7, v3;
	v4 =	vand.u32 $0xFFFFFFF0, v61  }
0x68: {  	v3 =	vor.u32 v3, v4  }
0x69: {  	v4 =	vperm.xlane v3, v0;
	_ =	sdelay $0x1  }
0x6a: {  	v3 =	vperm.xlane v3, v2;
	v4 =	vadd.s32 v1, v4;
	_ =	sdelay $0x1  }
0x6b: {  	v3 =	vadd.s32 v1, v3;
	_ =	sdelay $0x2  }
0x6c: {  	[tilespmem:s24], [sflag:$0x1] =	stream.indirect_vreg.gather [hbm4b:s3+s2], $0x80, v4, vm0, $0xb8;
	[tilespmem:$0xB100] =	vst v63  }
0x6d: {  	_ = 	snop  }
0x6e: {  	[tilespmem:s25], [sflag:$0x1] =	stream.indirect_vreg.gather [hbm4b:s3+s2], $0x80, v3, vm0, $0xb8;
	[tilespmem:$0xB100] =	vst v63  }
0x6f: {  	v3 =	vld [tilespmem:$0x90];
	_ =	sdelay $0x4  }
0x70: {  	v62 =	vshll.u32 v3, $0x1  }
0x71: {  	v3 =	vand.u32 $0x7, v3;
	v4 =	vand.u32 $0xFFFFFFF0, v62  }
0x72: {  	v3 =	vor.u32 v3, v4  }
0x73: {  	v4 =	vperm.xlane v3, v0;
	_ =	sdelay $0x1  }
0x74: {  	v3 =	vperm.xlane v3, v2;
	v4 =	vadd.s32 v1, v4;
	_ =	sdelay $0x1  }
0x75: {  	v3 =	vadd.s32 v1, v3;
	_ =	sdelay $0x2  }
0x76: {  	[tilespmem:s26], [sflag:$0x1] =	stream.indirect_vreg.gather [hbm4b:s3+s2], $0x80, v4, vm0, $0xb8;
	[tilespmem:$0xB100] =	vst v63  }
0x77: {  	_ = 	snop  }
0x78: {  	[tilespmem:s28], [sflag:$0x1] =	stream.indirect_vreg.gather [hbm4b:s3+s2], $0x80, v3, vm0, $0xb8;
	[tilespmem:$0xB100] =	vst v63  }
0x79: {  	v3 =	vld [tilespmem:$0xA0];
	_ =	sdelay $0x4  }
0x7a: {  	v63 =	vshll.u32 v3, $0x1  }
0x7b: {  	v3 =	vand.u32 $0x7, v3;
	v4 =	vand.u32 $0xFFFFFFF0, v63  }
0x7c: {  	v3 =	vor.u32 v3, v4  }
0x7d: {  	v4 =	vperm.xlane v3, v0;
	_ =	sdelay $0x1  }
0x7e: {  	v3 =	vperm.xlane v3, v2;
	v4 =	vadd.s32 v1, v4;
	_ =	sdelay $0x1  }
0x7f: {  	v3 =	vadd.s32 v1, v3;
	_ =	sdelay $0x2  }
0x80: {  	[tilespmem:s29], [sflag:$0x1] =	stream.indirect_vreg.gather [hbm4b:s3+s2], $0x80, v4, vm0, $0xb8;
	[tilespmem:$0xB100] =	vst v63  }
0x81: {  	_ = 	snop  }
0x82: {  	[tilespmem:s30], [sflag:$0x1] =	stream.indirect_vreg.gather [hbm4b:s3+s2], $0x80, v3, vm0, $0xb8;
	[tilespmem:$0xB100] =	vst v63  }
0x83: {  	_ =	swait.ge [sflag:s31], $0xB000  }
0x84: {  	p0 =	sne.s32 s6, $0x1;
	[sflag:s31] =	ssyncset.done $0x0  }
.Ltmp0:
0x85: {  	[sflag:s31] =	ssyncadd.s32 $0xFFFF5000;
	(pc) =	sbr.rel @p0 .LBB2_1-.Ltmp0, $4  }
0x86: {  	[hbm4b:s5+s2] =	stream.linear.scatter [tilespmem:s8], [sflag:$0x2], $0xB000, $0x38;
	[tilespmem:$0xB100] =	vst v63  }
0x87: {  	_ =	swait.ge [sflag:s7], $0xB000  }
0x88: {  	[sflag:s7] =	ssyncset.done $0x0  }
0x89: {  	s6 =	sadd.s32 $0xFFFFFFFF, s6;
	[sflag:s7] =	ssyncadd.s32 $0xFFFF5000  }
0x8a: {  	_ =	sfence.sel $0x180000  }
0x8b: {  	[bflag:$0x0] =	sbarrier.arrive $0xFFFF  }
0x8c: {  	p0 =	sne.s32 s0, $0x0;
	_ =	strace $0x9000004A  }
0x8d: {  	s0 =	sadd.s32 @!p0 $0x100000, s1;
	[bflag:$0x2] =	sbarrier.arrive $0xFFFF  }
0x8e: {  	[sflag:s0] =	ssyncadd.tile.s32 @!p0 $0x1;
	_ =	shalt  }
.Lfunc_end2:
_tile_overlayer_lowered:
.L_overlay_start_2:
0x8f: {  	(tag) =	ssettag $0x2  }
0x90: {  	s0 =	rddreg [dreg:$0x0];
	s2 =	stileid.u32  }
0x91: {  	s1 =	rddreg [dreg:$0x1];
	p0 =	sne.s32 s2, $0x0  }
0x92: {  	s3 =	rddreg [dreg:$0x2];
	[bflag:$0x3] =	sbarrier.arrive $0xFFFF;
	s2 =	simm.s32 @!p0 $0x1C02  }
0x93: {  	[timem:s3], [sflag:s2] =	dma.local @!p0 [hbm:s0], s1  }
0x94: {  	s0 =	simm.s32 @!p0 $0x2  }
0x95: {  	_ =	swait.ge @!p0 [sflag:s0], s1  }
0x96: {  	s1 =	ssub.s32 @!p0 $0x0, s1;
	[sflag:s0] =	ssyncset.done @!p0 $0x0  }
0x97: {  	[sflag:s0] =	ssyncadd.s32 @!p0 s1  }
0x98: {  	[bflag:$0x3] =	sbarrier.arrive $0xFFFF  }
0x99: {  	_ =	shalt  }

// kernel: kernel.17.cloned.1.call-start
scs
__scs_entry_jumppad:
0x0: {  	(pc) =	sbr.rel $0x88, $3  }
0x1: {  	(tag) =	ssettag $0x0;
	lr =	simm.s32 $0x1  }
0x2: {  	[smem:$0x3F67] =	sst lr;
	_ =	strace $0xD0000000  }
0x3: {  	_ = 	snop  }
0x4: {  	_ = 	snop  }
0x5: {  	_ = 	snop  }
0x6: {  	_ = 	snop  }
0x7: {  	_ = 	snop  }
__scs_overlays_trampoline_lowered:
0x8: {  	[smem:$0x3F76] =	sst s0  }
0x9: {  	[smem:$0x3F77] =	sst s1  }
0xa: {  	[smem:$0x3F78] =	sst s2  }
0xb: {  	[smem:$0x3F79] =	sst s3  }
0xc: {  	[smem:$0x3F7A] =	sst s4  }
0xd: {  	[smem:$0x3F7B] =	sst s5  }
0xe: {  	[smem:$0x3F7C] =	sst s6  }
0xf: {  	[smem:$0x3F7D] =	sst s7  }
0x10: {  	[smem:$0x3F7E] =	sst s8  }
0x11: {  	[smem:$0x3F7F] =	sst s9;
	s0 =	simm.s32 @!p0 $0x0  }
0x12: {  	s1 =	sld [smem:$0x3F65];
	s0 =	simm.s32 @p0 $0x1  }
0x13: {  	[smem:$0x3F80] =	sst s0;
	s0 =	simm.s32 @!p1 $0x0  }
0x14: {  	s2 =	sld [smem:$0x3F64];
	s0 =	simm.s32 @p1 $0x1  }
0x15: {  	[smem:$0x3F81] =	sst s0;
	s0 =	simm.s32 @!p2 $0x0  }
0x16: {  	s3 =	sld [smem:$0x3FDB];
	s0 =	simm.s32 @p2 $0x1  }
0x17: {  	s4 =	simm.s32 $0x1BF5;
	[smem:$0x3F83] =	sst s0  }
0x18: {  	s0 =	sld [smem:$0x3F66];
	_ =	swait.ge [sflag:s4], $0x0  }
0x19: {  	s7 =	sld [smem:$0x3F67]  }
0x1a: {  	s8 =	sadd.s32 $0xFFFFE003, lr  }
0x1b: {  	s9 =	sadd.s32 $0xFFFFFEF7, lr;
	s5 =	simm.s32 $0xFFFFFFFF;
	p2 =	slt.u32 s8, $0xFFFFF086  }
0x1c: {  	p1 =	slt.u32 s9, $0xF7A;
	s5 =	simm.s32 @!p2 $0x0  }
0x1d: {  	s5 =	simm.s32 @p1 $0x1;
	p0 =	seq.s32 s7, s2  }
0x1e: {  	s7 =	smul.u32 @!p0 $0xF7A, s2;
	p2 =	seq.s32 @!p0 s5, $0x0  }
0x1f: {  	s9 =	smul.u32 $0xF7A, s1;
	s8 =	simm.s32 @!p0 $0x1BF5;
	p2 =	por !p2, p0  }
0x20: {  	[sflag:s8] =	ssyncset.s32 @!p0 $0xFFFFF086;
	s6 =	sadd.s32 @!p0 s3, s7;
	s7 =	simm.s32 @!p0 $0x108  }
0x21: {  	s3 =	sadd.s32 s3, s9;
	s6 =	sadd.s32 @!p0 $0x88, s6;
	s7 =	simm.s32 @p2 $0x1082  }
0x22: {  	[simem:s7], [sflag:s8] =	dma.local @!p0 [hbm:s6], $0xF7A  }
0x23: {  	s9 =	sor.u32 $0xD0000000, s2;
	s6 =	simm.s32 $0x108;
	_ =	swait.ge @!p0 [sflag:s8], $0x0  }
0x24: {  	s3 =	sadd.s32 $0x88, s3;
	s6 =	simm.s32 @!p1 $0x1082;
	[sflag:s4] =	ssyncset.s32 $0xFFFFF086  }
0x25: {  	[simem:s6], [sflag:s4] =	dma.local [hbm:s3], $0xF7A  }
0x26: {  	[smem:$0x3F67] =	sst s1;
	(tag) =	ssettag s2;
	_ =	strace s9  }
0x27: {  	s1 =	sld [smem:$0x3F77]  }
0x28: {  	s2 =	sld [smem:$0x3F78]  }
0x29: {  	s4 =	sld [smem:$0x3F7A]  }
0x2a: {  	p0 =	seq.s32 s5, $0x0;
	s5 =	sld [smem:$0x3F7B]  }
0x2b: {  	s6 =	sld [smem:$0x3F7C]  }
0x2c: {  	s7 =	sld [smem:$0x3F7D]  }
0x2d: {  	s3 =	simm.s32 $0x108;
	s8 =	sld [smem:$0x3F7E]  }
0x2e: {  	s3 =	simm.s32 @!p0 $0x1082;
	s9 =	sld [smem:$0x3F7F]  }
0x2f: {  	lr =	sadd.s32 s0, s3;
	s0 =	sld [smem:$0x3F76]  }
0x30: {  	s3 =	sld [smem:$0x3F79]  }
0x31: {  	[smem:$0x3F82] =	sst s10  }
0x32: {  	s10 =	sld [smem:$0x3F80];
	_ =	sdelay $0x3  }
0x33: {  	p0 =	seq.s32 s10, $0x1;
	s10 =	sld [smem:$0x3F82];
	_ =	sdelay $0x3  }
0x34: {  	[smem:$0x3F82] =	sst s10  }
0x35: {  	s10 =	sld [smem:$0x3F81];
	_ =	sdelay $0x3  }
0x36: {  	p1 =	seq.s32 s10, $0x1;
	s10 =	sld [smem:$0x3F82];
	_ =	sdelay $0x3  }
0x37: {  	[smem:$0x3F82] =	sst s10  }
0x38: {  	s10 =	sld [smem:$0x3F83]  }
0x39: {  	_ = 	snop;
	(pc) =	sbr.ind lr, $3  }
0x3a: {  	_ = 	snop  }
0x3b: {  	_ = 	snop  }
0x3c: {  	p2 =	seq.s32 s10, $0x1;
	s10 =	sld [smem:$0x3F82]  }
0x3d: {  	_ =	shalt  }
0x3e: {  	_ =	shalt  }
0x3f: {  	_ =	shalt  }
0x40: {  	_ =	shalt  }
0x41: {  	_ =	shalt  }
0x42: {  	_ =	shalt  }
0x43: {  	_ =	shalt  }
0x44: {  	_ =	shalt  }
0x45: {  	_ =	shalt  }
0x46: {  	_ =	shalt  }
0x47: {  	_ =	shalt  }
0x48: {  	_ =	shalt  }
0x49: {  	_ =	shalt  }
0x4a: {  	_ =	shalt  }
0x4b: {  	_ =	shalt  }
0x4c: {  	_ =	shalt  }
0x4d: {  	_ =	shalt  }
0x4e: {  	_ =	shalt  }
0x4f: {  	_ =	shalt  }
0x50: {  	_ =	shalt  }
0x51: {  	_ =	shalt  }
0x52: {  	_ =	shalt  }
0x53: {  	_ =	shalt  }
0x54: {  	_ =	shalt  }
0x55: {  	_ =	shalt  }
0x56: {  	_ =	shalt  }
0x57: {  	_ =	shalt  }
0x58: {  	_ =	shalt  }
0x59: {  	_ =	shalt  }
0x5a: {  	_ =	shalt  }
0x5b: {  	_ =	shalt  }
0x5c: {  	_ =	shalt  }
0x5d: {  	_ =	shalt  }
0x5e: {  	_ =	shalt  }
0x5f: {  	_ =	shalt  }
0x60: {  	_ =	shalt  }
0x61: {  	_ =	shalt  }
0x62: {  	_ =	shalt  }
0x63: {  	_ =	shalt  }
0x64: {  	_ =	shalt  }
0x65: {  	_ =	shalt  }
0x66: {  	_ =	shalt  }
0x67: {  	_ =	shalt  }
0x68: {  	_ =	shalt  }
0x69: {  	_ =	shalt  }
0x6a: {  	_ =	shalt  }
0x6b: {  	_ =	shalt  }
0x6c: {  	_ =	shalt  }
0x6d: {  	_ =	shalt  }
0x6e: {  	_ =	shalt  }
0x6f: {  	_ =	shalt  }
0x70: {  	_ =	shalt  }
0x71: {  	_ =	shalt  }
0x72: {  	_ =	shalt  }
0x73: {  	_ =	shalt  }
0x74: {  	_ =	shalt  }
0x75: {  	_ =	shalt  }
0x76: {  	_ =	shalt  }
0x77: {  	_ =	shalt  }
0x78: {  	_ =	shalt  }
0x79: {  	_ =	shalt  }
0x7a: {  	_ =	shalt  }
0x7b: {  	_ =	shalt  }
0x7c: {  	_ =	shalt  }
0x7d: {  	_ =	shalt  }
0x7e: {  	_ =	shalt  }
0x7f: {  	_ =	shalt  }
0x80: {  	_ =	shalt  }
0x81: {  	_ =	shalt  }
0x82: {  	_ =	shalt  }
0x83: {  	_ =	shalt  }
0x84: {  	_ =	shalt  }
0x85: {  	_ =	shalt  }
0x86: {  	_ =	shalt  }
0x87: {  	_ =	shalt  }
.Lfunc_end0:
.L_simem_size_0:
called_computation.2_lowered:
.L_overlay_start_0:
0x88: {  	s2 =	sld [smem:$0x3FD9]  }
0x89: {  	s3 =	sld [smem:$0x3FFE];
	_ =	sdelay $0x1  }
0x8a: {  	s1 =	srdreg.scid  }
0x8b: {  	s0 =	sand.u32 $0x1, s1  }
0x8c: {  	s15 =	sshll.u32 s0, $0xA;
	s2 =	sadd.s32 s3, s2  }
0x8d: {  	s2 =	sadd.s32 s2, s15  }
0x8e: {  	[smem:$0x3F8E] =	sst s2  }
0x8f: {  	_ = 	snop  }
0x90: {  	s2 =	sld [smem:$0x3FD0];
	_ =	sdelay $0x2  }
0x91: {  	s16 =	simm.s32 $0xD;
	s4 =	simm.s32 $0x10  }
0x92: {  	[smem:s4], [sflag:s16] =	dma.local [hbm:s2], $0x1  }
0x93: {  	_ =	swait.eq [sflag:s16], $0x1  }
0x94: {  	[sflag:s16] =	ssyncset.done $0x0  }
0x95: {  	[sflag:s16] =	ssyncadd.s32 $0xFFFFFFFF  }
0x96: {  	s17 =	sld [smem:$0x10];
	(tm) =	ssettm $0x1  }
0x97: {  	s18 =	sld [smem:$0x3FFB];
	_ =	sdelay $0x3  }
0x98: {  	_ =	strace s18  }
0x99: {  	s2 =	sld [smem:$0x3FFC];
	_ =	sdelay $0x3  }
0x9a: {  	_ =	strace s2  }
0x9b: {  	s2 =	sld [smem:$0x3FFD];
	_ =	sdelay $0x3  }
0x9c: {  	_ =	strace s2  }
0x9d: {  	_ =	strace $0x8FFFFFFF  }
0x9e: {  	s19 =	sld [smem:$0x3FDB];
	_ =	sdelay $0x1  }
0x9f: {  	s20 =	simm.s32 $_scs_section_size  }
0xa0: {  	s5 =	simm.s32 $_size__tile_overlayer_lowered;
	s6 =	simm.s32 $_tile_overlayer_lowered  }
0xa1: {  	s7 =	simm.s32 $0x1BFF;
	s21 =	sshll.u32 s6, $0x1;
	s4 =	sadd.s32 s20, s19  }
0xa2: {  	s22 =	simm.s32 $0x0;
	s5 =	sshll.u32 s5, $0x1;
	s6 =	sadd.s32 s21, s4  }
0xa3: {  	[timem:s22], [sflag:s7] =	dma.local [hbm:s6], s5  }
0xa4: {  	_ =	swait.ge [sflag:s7], s5  }
0xa5: {  	s5 =	ssub.s32 $0x0, s5;
	[sflag:s7] =	ssyncset.done $0x0  }
0xa6: {  	[sflag:s7] =	ssyncadd.s32 s5;
	_ =	sdelay $0x1  }
0xa7: {  	s23 =	simm.s32 $0x1B8B  }
0xa8: {  	_ =	swait.ge [sflag:s23], $0x1  }
0xa9: {  	[sflag:s23] =	ssyncset.done $0x0  }
0xaa: {  	[sflag:s23] =	ssyncadd.s32 $0xFFFFFFFF  }
0xab: {  	s5 =	sld [smem:$0x0]  }
0xac: {  	s6 =	sand.u32 $0xFFFFFFFE, s1  }
0xad: {  	p0 =	sne.s32 s1, s6  }
0xae: {  	s6 =	sshll.u32 @p0 s6, $0xE  }
0xaf: {  	s6 =	sadd.s32 @p0 $0x11B8D, s6;
	s7 =	sshll.u32 @p0 s5, $0x11  }
0xb0: {  	s6 =	sor.u32 @p0 s7, s6  }
0xb1: {  	[sflag:s6] =	ssyncadd.remote.s32 @p0 $0x1;
	_ =	sdelay $0x1  }
0xb2: {  	s6 =	simm.s32 @p0 $0x1B8D  }
0xb3: {  	_ =	swait.eq @p0 [sflag:s6], $0x1  }
0xb4: {  	[sflag:s6] =	ssyncadd.s32 @p0 $0xFFFFFFFF  }
0xb5: {  	s7 =	sshll.u32 @!p0 s1, $0xE  }
0xb6: {  	s7 =	sor.u32 @!p0 $0x4000, s7;
	s6 =	simm.s32 @!p0 $0x1B8D  }
0xb7: {  	s5 =	sshll.u32 @!p0 s5, $0x11;
	s7 =	sadd.s32 @!p0 $0x11B8D, s7;
	_ =	swait.eq @!p0 [sflag:s6], $0x1  }
0xb8: {  	s5 =	sor.u32 @!p0 s5, s7;
	[sflag:s6] =	ssyncadd.s32 @!p0 $0xFFFFFFFF  }
0xb9: {  	s25 =	simm.s32 $0x1B8E;
	s24 =	sld [smem:$0x3FFE];
	[sflag:s5] =	ssyncadd.remote.s32 @!p0 $0x1  }
0xba: {  	s26 =	simm.s32 $execute0_lowered;
	[smem:$0x3FD2] =	sst s25  }
0xbb: {  	s6 =	sshll.u32 s26, $0x1;
	_ =	strace $0x8000004C;
	[dreg:$0x1] =	wrdreg $0xFFFFFFFF  }
0xbc: {  	s28 =	simm.s32 $_size_execute0_lowered;
	s4 =	sadd.s32 s4, s6;
	[dreg:$0x0] =	wrdreg $0x0  }
0xbd: {  	s6 =	sshll.u32 s28, $0x1;
	[dreg:$0x2] =	wrdreg s4  }
0xbe: {  	[dreg:$0x3] =	wrdreg s6  }
0xbf: {  	[dreg:$0x4] =	wrdreg $0xC0  }
0xc0: {  	_ =	task [dreg:s22], $0x5FFFF  }
0xc1: {  	[dreg:$0x1] =	wrdreg $0xFFFFFFFF  }
0xc2: {  	[dreg:$0x0] =	wrdreg $0x60  }
0xc3: {  	[dreg:$0x2] =	wrdreg s24  }
0xc4: {  	[dreg:$0x3] =	wrdreg s17  }
0xc5: {  	[dreg:$0x4] =	wrdreg $0xB  }
0xc6: {  	_ =	task.clear_ibuf [dreg:s22], $0x5FFFF;
	_ =	strace $0x9000004C  }
0xc7: {  	s29 =	simm.s32 $0xB;
	_ =	strace $0x8000004E  }
0xc8: {  	_ =	swait.ge [sflag:s29], $0x1  }
0xc9: {  	[sflag:s29] =	ssyncadd.s32 $0xFFFFFFFF  }
0xca: {  	_ =	strace $0x9000004E  }
0xcb: {  	_ =	sfence  }
0xcc: {  	s30 =	sld [smem:$0x0];
	_ =	sdelay $0x2  }
0xcd: {  	s31 =	sshll.u32 s1, $0xD;
	s1 =	sshrl.u32 s1, $0x2  }
0xce: {  	s4 =	sand.u32 $0x4000, s31;
	s1 =	sadd.s32 s1, s30  }
0xcf: {  	s0 =	sor.u32 s4, s0;
	s1 =	sshll.u32 s1, $0x11  }
0xd0: {  	s0 =	sor.u32 s1, s0  }
0xd1: {  	s0 =	sadd.s32 $0x8F2B, s0  }
0xd2: {  	[sflag:s0] =	ssyncadd.remote.s32 $0x1  }
0xd3: {  	_ =	sfence.sel $0xFFFF  }
0xd4: {  	[dreg:$0x0] =	wrdreg $0xFFFFFFFF;
	(pc) =	sbr.abs _section_cstart, $3  }
0xd5: {  	[dreg:$0x1] =	wrdreg $0xFFFFFFFF  }
0xd6: {  	_ =	task.clear_ibuf [dreg:s22], $0x2FFFF;
	_ =	strace $0x9FFFFFFF  }
0xd7: {  	(tm) =	ssettm $0x7FFFFFFF  }
tec
execute0_lowered:
.L_overlay_start_1:
0x0: {  	(tag) =	ssettag $0x1  }
0x1: {  	s4 =	rddreg [dreg:$0x0]  }
0x2: {  	s1 =	srdreg.scid;
	s0 =	stileid.u32  }
0x3: {  	s5 =	rddreg [dreg:$0x1];
	s2 =	simm.s32 $0x0;
	s10 =	simm.s32 $0x1100  }
0x4: {  	s11 =	simm.s32 $0x1900;
	s12 =	simm.s32 $0x2100;
	s13 =	simm.s32 $0x2900  }
0x5: {  	s14 =	simm.s32 $0x3100;
	s15 =	simm.s32 $0x3900;
	s16 =	simm.s32 $0x4100  }
0x6: {  	s17 =	simm.s32 $0x4900;
	s18 =	simm.s32 $0x5100;
	s19 =	simm.s32 $0x5900  }
0x7: {  	s20 =	simm.s32 $0x6100;
	s21 =	simm.s32 $0x6900;
	s22 =	simm.s32 $0x7100  }
0x8: {  	s23 =	simm.s32 $0x7900;
	s24 =	simm.s32 $0x8100;
	s25 =	simm.s32 $0x8900  }
0x9: {  	s26 =	simm.s32 $0x9100;
	s28 =	simm.s32 $0x9900;
	s29 =	simm.s32 $0xA100  }
0xa: {  	s30 =	simm.s32 $0xA900;
	s3 =	sand.u32 $0x1, s1;
	s6 =	sshll.u32 s0, $0x1  }
0xb: {  	s31 =	simm.s32 $0x1;
	s1 =	rddreg [dreg:$0x2];
	s6 =	sor.u32 s3, s6  }
0xc: {  	[smem:$0x7FF] =	sst s2;
	s8 =	ssub.s32 $0x2, s3;
	s7 =	smul.u32 $0x1600, s6  }
0xd: {  	_ =	strace $0x8000004D;
	s9 =	sshrl.u32 s8, $0x1;
	s6 =	smul.u32 $0x16, s6  }
0xe: {  	v2 =	vlaneseq.u32;
	s3 =	sadd.s32 $0x89E00, s4;
	s8 =	ssub.s32 s8, s9;
	s9 =	simm.s32 $0x900  }
0xf: {  	vm0 =	vmmov $0xffff;
	v1 =	vshrl.u32 v2, $0x3;
	s7 =	sadd.s32 s7, s4;
	s4 =	sadd.s32 s5, s6;
	s6 =	smax.u32 s8, $0x1  }
0x10: {  	v0 =	vand.u32 $0x7, v2;
	v2 =	vor.u32 $0x8, v2;
	v1 =	vmul.u32 $0x8, v1;
	s8 =	simm.s32 $0x100;
	s5 =	sadd.s32 $0x10C600, s7;
	s7 =	simm.s32 $0x2  }
.LBB2_1:
0x11: {  	[tilespmem:s2], [sflag:$0x2] =	stream.linear.gather [hbm4b:s4+s2], $0xB0, $0x38;
	[tilespmem:$0xB100] =	vst v63  }
0x12: {  	_ =	swait.ge [sflag:s7], $0xB0  }
0x13: {  	[sflag:s7] =	ssyncset.done $0x0  }
0x14: {  	[sflag:s7] =	ssyncadd.s32 $0xFFFFFF50  }
0x15: {  	v3 =	vld [tilespmem:$0x0];
	_ =	sdelay $0x4  }
0x16: {  	v4 =	vshll.u32 v3, $0x1  }
0x17: {  	v3 =	vand.u32 $0x7, v3;
	v4 =	vand.u32 $0xFFFFFFF0, v4  }
0x18: {  	v3 =	vor.u32 v3, v4  }
0x19: {  	v4 =	vperm.xlane v3, v0;
	_ =	sdelay $0x1  }
0x1a: {  	v3 =	vperm.xlane v3, v2;
	v4 =	vadd.s32 v1, v4;
	_ =	sdelay $0x1  }
0x1b: {  	v3 =	vadd.s32 v1, v3;
	_ =	sdelay $0x2  }
0x1c: {  	[tilespmem:s8], [sflag:$0x1] =	stream.indirect_vreg.gather [hbm4b:s3+s2], $0x80, v4, vm0, $0xb8;
	[tilespmem:$0xB100] =	vst v63  }
0x1d: {  	_ = 	snop  }
0x1e: {  	[tilespmem:s9], [sflag:$0x1] =	stream.indirect_vreg.gather [hbm4b:s3+s2], $0x80, v3, vm0, $0xb8;
	[tilespmem:$0xB100] =	vst v63  }
0x1f: {  	v3 =	vld [tilespmem:$0x10];
	_ =	sdelay $0x4  }
0x20: {  	v54 =	vshll.u32 v3, $0x1  }
0x21: {  	v3 =	vand.u32 $0x7, v3;
	v4 =	vand.u32 $0xFFFFFFF0, v54  }
0x22: {  	v3 =	vor.u32 v3, v4  }
0x23: {  	v4 =	vperm.xlane v3, v0;
	_ =	sdelay $0x1  }
0x24: {  	v3 =	vperm.xlane v3, v2;
	v4 =	vadd.s32 v1, v4;
	_ =	sdelay $0x1  }
0x25: {  	v3 =	vadd.s32 v1, v3;
	_ =	sdelay $0x2  }
0x26: {  	[tilespmem:s10], [sflag:$0x1] =	stream.indirect_vreg.gather [hbm4b:s3+s2], $0x80, v4, vm0, $0xb8;
	[tilespmem:$0xB100] =	vst v63  }
0x27: {  	_ = 	snop  }
0x28: {  	[tilespmem:s11], [sflag:$0x1] =	stream.indirect_vreg.gather [hbm4b:s3+s2], $0x80, v3, vm0, $0xb8;
	[tilespmem:$0xB100] =	vst v63  }
0x29: {  	v3 =	vld [tilespmem:$0x20];
	_ =	sdelay $0x4  }
0x2a: {  	v55 =	vshll.u32 v3, $0x1  }
0x2b: {  	v3 =	vand.u32 $0x7, v3;
	v4 =	vand.u32 $0xFFFFFFF0, v55  }
0x2c: {  	v3 =	vor.u32 v3, v4  }
0x2d: {  	v4 =	vperm.xlane v3, v0;
	_ =	sdelay $0x1  }
0x2e: {  	v3 =	vperm.xlane v3, v2;
	v4 =	vadd.s32 v1, v4;
	_ =	sdelay $0x1  }
0x2f: {  	v3 =	vadd.s32 v1, v3;
	_ =	sdelay $0x2  }
0x30: {  	[tilespmem:s12], [sflag:$0x1] =	stream.indirect_vreg.gather [hbm4b:s3+s2], $0x80, v4, vm0, $0xb8;
	[tilespmem:$0xB100] =	vst v63  }
0x31: {  	_ = 	snop  }
0x32: {  	[tilespmem:s13], [sflag:$0x1] =	stream.indirect_vreg.gather [hbm4b:s3+s2], $0x80, v3, vm0, $0xb8;
	[tilespmem:$0xB100] =	vst v63  }
0x33: {  	v3 =	vld [tilespmem:$0x30];
	_ =	sdelay $0x4  }
0x34: {  	v56 =	vshll.u32 v3, $0x1  }
0x35: {  	v3 =	vand.u32 $0x7, v3;
	v4 =	vand.u32 $0xFFFFFFF0, v56  }
0x36: {  	v3 =	vor.u32 v3, v4  }
0x37: {  	v4 =	vperm.xlane v3, v0;
	_ =	sdelay $0x1  }
0x38: {  	v3 =	vperm.xlane v3, v2;
	v4 =	vadd.s32 v1, v4;
	_ =	sdelay $0x1  }
0x39: {  	v3 =	vadd.s32 v1, v3;
	_ =	sdelay $0x2  }
0x3a: {  	[tilespmem:s14], [sflag:$0x1] =	stream.indirect_vreg.gather [hbm4b:s3+s2], $0x80, v4, vm0, $0xb8;
	[tilespmem:$0xB100] =	vst v63  }
0x3b: {  	_ = 	snop  }
0x3c: {  	[tilespmem:s15], [sflag:$0x1] =	stream.indirect_vreg.gather [hbm4b:s3+s2], $0x80, v3, vm0, $0xb8;
	[tilespmem:$0xB100] =	vst v63  }
0x3d: {  	v3 =	vld [tilespmem:$0x40];
	_ =	sdelay $0x4  }
0x3e: {  	v57 =	vshll.u32 v3, $0x1  }
0x3f: {  	v3 =	vand.u32 $0x7, v3;
	v4 =	vand.u32 $0xFFFFFFF0, v57  }
0x40: {  	v3 =	vor.u32 v3, v4  }
0x41: {  	v4 =	vperm.xlane v3, v0;
	_ =	sdelay $0x1  }
0x42: {  	v3 =	vperm.xlane v3, v2;
	v4 =	vadd.s32 v1, v4;
	_ =	sdelay $0x1  }
0x43: {  	v3 =	vadd.s32 v1, v3;
	_ =	sdelay $0x2  }
0x44: {  	[tilespmem:s16], [sflag:$0x1] =	stream.indirect_vreg.gather [hbm4b:s3+s2], $0x80, v4, vm0, $0xb8;
	[tilespmem:$0xB100] =	vst v63  }
0x45: {  	_ = 	snop  }
0x46: {  	[tilespmem:s17], [sflag:$0x1] =	stream.indirect_vreg.gather [hbm4b:s3+s2], $0x80, v3, vm0, $0xb8;
	[tilespmem:$0xB100] =	vst v63  }
0x47: {  	v3 =	vld [tilespmem:$0x50];
	_ =	sdelay $0x4  }
0x48: {  	v58 =	vshll.u32 v3, $0x1  }
0x49: {  	v3 =	vand.u32 $0x7, v3;
	v4 =	vand.u32 $0xFFFFFFF0, v58  }
0x4a: {  	v3 =	vor.u32 v3, v4  }
0x4b: {  	v4 =	vperm.xlane v3, v0;
	_ =	sdelay $0x1  }
0x4c: {  	v3 =	vperm.xlane v3, v2;
	v4 =	vadd.s32 v1, v4;
	_ =	sdelay $0x1  }
0x4d: {  	v3 =	vadd.s32 v1, v3;
	_ =	sdelay $0x2  }
0x4e: {  	[tilespmem:s18], [sflag:$0x1] =	stream.indirect_vreg.gather [hbm4b:s3+s2], $0x80, v4, vm0, $0xb8;
	[tilespmem:$0xB100] =	vst v63  }
0x4f: {  	_ = 	snop  }
0x50: {  	[tilespmem:s19], [sflag:$0x1] =	stream.indirect_vreg.gather [hbm4b:s3+s2], $0x80, v3, vm0, $0xb8;
	[tilespmem:$0xB100] =	vst v63  }
0x51: {  	v3 =	vld [tilespmem:$0x60];
	_ =	sdelay $0x4  }
0x52: {  	v59 =	vshll.u32 v3, $0x1  }
0x53: {  	v3 =	vand.u32 $0x7, v3;
	v4 =	vand.u32 $0xFFFFFFF0, v59  }
0x54: {  	v3 =	vor.u32 v3, v4  }
0x55: {  	v4 =	vperm.xlane v3, v0;
	_ =	sdelay $0x1  }
0x56: {  	v3 =	vperm.xlane v3, v2;
	v4 =	vadd.s32 v1, v4;
	_ =	sdelay $0x1  }
0x57: {  	v3 =	vadd.s32 v1, v3;
	_ =	sdelay $0x2  }
0x58: {  	[tilespmem:s20], [sflag:$0x1] =	stream.indirect_vreg.gather [hbm4b:s3+s2], $0x80, v4, vm0, $0xb8;
	[tilespmem:$0xB100] =	vst v63  }
0x59: {  	_ = 	snop  }
0x5a: {  	[tilespmem:s21], [sflag:$0x1] =	stream.indirect_vreg.gather [hbm4b:s3+s2], $0x80, v3, vm0, $0xb8;
	[tilespmem:$0xB100] =	vst v63  }
0x5b: {  	v3 =	vld [tilespmem:$0x70];
	_ =	sdelay $0x4  }
0x5c: {  	v60 =	vshll.u32 v3, $0x1  }
0x5d: {  	v3 =	vand.u32 $0x7, v3;
	v4 =	vand.u32 $0xFFFFFFF0, v60  }
0x5e: {  	v3 =	vor.u32 v3, v4  }
0x5f: {  	v4 =	vperm.xlane v3, v0;
	_ =	sdelay $0x1  }
0x60: {  	v3 =	vperm.xlane v3, v2;
	v4 =	vadd.s32 v1, v4;
	_ =	sdelay $0x1  }
0x61: {  	v3 =	vadd.s32 v1, v3;
	_ =	sdelay $0x2  }
0x62: {  	[tilespmem:s22], [sflag:$0x1] =	stream.indirect_vreg.gather [hbm4b:s3+s2], $0x80, v4, vm0, $0xb8;
	[tilespmem:$0xB100] =	vst v63  }
0x63: {  	_ = 	snop  }
0x64: {  	[tilespmem:s23], [sflag:$0x1] =	stream.indirect_vreg.gather [hbm4b:s3+s2], $0x80, v3, vm0, $0xb8;
	[tilespmem:$0xB100] =	vst v63  }
0x65: {  	v3 =	vld [tilespmem:$0x80];
	_ =	sdelay $0x4  }
0x66: {  	v61 =	vshll.u32 v3, $0x1  }
0x67: {  	v3 =	vand.u32 $0x7, v3;
	v4 =	vand.u32 $0xFFFFFFF0, v61  }
0x68: {  	v3 =	vor.u32 v3, v4  }
0x69: {  	v4 =	vperm.xlane v3, v0;
	_ =	sdelay $0x1  }
0x6a: {  	v3 =	vperm.xlane v3, v2;
	v4 =	vadd.s32 v1, v4;
	_ =	sdelay $0x1  }
0x6b: {  	v3 =	vadd.s32 v1, v3;
	_ =	sdelay $0x2  }
0x6c: {  	[tilespmem:s24], [sflag:$0x1] =	stream.indirect_vreg.gather [hbm4b:s3+s2], $0x80, v4, vm0, $0xb8;
	[tilespmem:$0xB100] =	vst v63  }
0x6d: {  	_ = 	snop  }
0x6e: {  	[tilespmem:s25], [sflag:$0x1] =	stream.indirect_vreg.gather [hbm4b:s3+s2], $0x80, v3, vm0, $0xb8;
	[tilespmem:$0xB100] =	vst v63  }
0x6f: {  	v3 =	vld [tilespmem:$0x90];
	_ =	sdelay $0x4  }
0x70: {  	v62 =	vshll.u32 v3, $0x1  }
0x71: {  	v3 =	vand.u32 $0x7, v3;
	v4 =	vand.u32 $0xFFFFFFF0, v62  }
0x72: {  	v3 =	vor.u32 v3, v4  }
0x73: {  	v4 =	vperm.xlane v3, v0;
	_ =	sdelay $0x1  }
0x74: {  	v3 =	vperm.xlane v3, v2;
	v4 =	vadd.s32 v1, v4;
	_ =	sdelay $0x1  }
0x75: {  	v3 =	vadd.s32 v1, v3;
	_ =	sdelay $0x2  }
0x76: {  	[tilespmem:s26], [sflag:$0x1] =	stream.indirect_vreg.gather [hbm4b:s3+s2], $0x80, v4, vm0, $0xb8;
	[tilespmem:$0xB100] =	vst v63  }
0x77: {  	_ = 	snop  }
0x78: {  	[tilespmem:s28], [sflag:$0x1] =	stream.indirect_vreg.gather [hbm4b:s3+s2], $0x80, v3, vm0, $0xb8;
	[tilespmem:$0xB100] =	vst v63  }
0x79: {  	v3 =	vld [tilespmem:$0xA0];
	_ =	sdelay $0x4  }
0x7a: {  	v63 =	vshll.u32 v3, $0x1  }
0x7b: {  	v3 =	vand.u32 $0x7, v3;
	v4 =	vand.u32 $0xFFFFFFF0, v63  }
0x7c: {  	v3 =	vor.u32 v3, v4  }
0x7d: {  	v4 =	vperm.xlane v3, v0;
	_ =	sdelay $0x1  }
0x7e: {  	v3 =	vperm.xlane v3, v2;
	v4 =	vadd.s32 v1, v4;
	_ =	sdelay $0x1  }
0x7f: {  	v3 =	vadd.s32 v1, v3;
	_ =	sdelay $0x2  }
0x80: {  	[tilespmem:s29], [sflag:$0x1] =	stream.indirect_vreg.gather [hbm4b:s3+s2], $0x80, v4, vm0, $0xb8;
	[tilespmem:$0xB100] =	vst v63  }
0x81: {  	_ = 	snop  }
0x82: {  	[tilespmem:s30], [sflag:$0x1] =	stream.indirect_vreg.gather [hbm4b:s3+s2], $0x80, v3, vm0, $0xb8;
	[tilespmem:$0xB100] =	vst v63  }
0x83: {  	_ =	swait.ge [sflag:s31], $0xB000  }
0x84: {  	p0 =	sne.s32 s6, $0x1;
	[sflag:s31] =	ssyncset.done $0x0  }
.Ltmp0:
0x85: {  	[sflag:s31] =	ssyncadd.s32 $0xFFFF5000;
	(pc) =	sbr.rel @p0 .LBB2_1-.Ltmp0, $4  }
0x86: {  	[hbm4b:s5+s2] =	stream.linear.scatter [tilespmem:s8], [sflag:$0x2], $0xB000, $0x38;
	[tilespmem:$0xB100] =	vst v63  }
0x87: {  	_ =	swait.ge [sflag:s7], $0xB000  }
0x88: {  	[sflag:s7] =	ssyncset.done $0x0  }
0x89: {  	s6 =	sadd.s32 $0xFFFFFFFF, s6;
	[sflag:s7] =	ssyncadd.s32 $0xFFFF5000  }
0x8a: {  	_ =	sfence.sel $0x180000  }
0x8b: {  	[bflag:$0x0] =	sbarrier.arrive $0xFFFF  }
0x8c: {  	p0 =	sne.s32 s0, $0x0;
	_ =	strace $0x9000004D  }
0x8d: {  	s0 =	sadd.s32 @!p0 $0x100000, s1;
	[bflag:$0x2] =	sbarrier.arrive $0xFFFF  }
0x8e: {  	[sflag:s0] =	ssyncadd.tile.s32 @!p0 $0x1;
	_ =	shalt  }
.Lfunc_end2:
_tile_overlayer_lowered:
.L_overlay_start_2:
0x8f: {  	(tag) =	ssettag $0x2  }
0x90: {  	s0 =	rddreg [dreg:$0x0];
	s2 =	stileid.u32  }
0x91: {  	s1 =	rddreg [dreg:$0x1];
	p0 =	sne.s32 s2, $0x0  }
0x92: {  	s3 =	rddreg [dreg:$0x2];
	[bflag:$0x3] =	sbarrier.arrive $0xFFFF;
	s2 =	simm.s32 @!p0 $0x1C02  }
0x93: {  	[timem:s3], [sflag:s2] =	dma.local @!p0 [hbm:s0], s1  }
0x94: {  	s0 =	simm.s32 @!p0 $0x2  }
0x95: {  	_ =	swait.ge @!p0 [sflag:s0], s1  }
0x96: {  	s1 =	ssub.s32 @!p0 $0x0, s1;
	[sflag:s0] =	ssyncset.done @!p0 $0x0  }
0x97: {  	[sflag:s0] =	ssyncadd.s32 @!p0 s1  }
0x98: {  	[bflag:$0x3] =	sbarrier.arrive $0xFFFF  }
0x99: {  	_ =	shalt  }

// kernel: kernel.20.cloned.1.call-start
scs
__scs_entry_jumppad:
0x0: {  	(pc) =	sbr.rel $0x88, $3  }
0x1: {  	(tag) =	ssettag $0x0;
	lr =	simm.s32 $0x1  }
0x2: {  	[smem:$0x3F67] =	sst lr;
	_ =	strace $0xD0000000  }
0x3: {  	_ = 	snop  }
0x4: {  	_ = 	snop  }
0x5: {  	_ = 	snop  }
0x6: {  	_ = 	snop  }
0x7: {  	_ = 	snop  }
__scs_overlays_trampoline_lowered:
0x8: {  	[smem:$0x3F76] =	sst s0  }
0x9: {  	[smem:$0x3F77] =	sst s1  }
0xa: {  	[smem:$0x3F78] =	sst s2  }
0xb: {  	[smem:$0x3F79] =	sst s3  }
0xc: {  	[smem:$0x3F7A] =	sst s4  }
0xd: {  	[smem:$0x3F7B] =	sst s5  }
0xe: {  	[smem:$0x3F7C] =	sst s6  }
0xf: {  	[smem:$0x3F7D] =	sst s7  }
0x10: {  	[smem:$0x3F7E] =	sst s8  }
0x11: {  	[smem:$0x3F7F] =	sst s9;
	s0 =	simm.s32 @!p0 $0x0  }
0x12: {  	s1 =	sld [smem:$0x3F65];
	s0 =	simm.s32 @p0 $0x1  }
0x13: {  	[smem:$0x3F80] =	sst s0;
	s0 =	simm.s32 @!p1 $0x0  }
0x14: {  	s2 =	sld [smem:$0x3F64];
	s0 =	simm.s32 @p1 $0x1  }
0x15: {  	[smem:$0x3F81] =	sst s0;
	s0 =	simm.s32 @!p2 $0x0  }
0x16: {  	s3 =	sld [smem:$0x3FDB];
	s0 =	simm.s32 @p2 $0x1  }
0x17: {  	s4 =	simm.s32 $0x1BF5;
	[smem:$0x3F83] =	sst s0  }
0x18: {  	s0 =	sld [smem:$0x3F66];
	_ =	swait.ge [sflag:s4], $0x0  }
0x19: {  	s7 =	sld [smem:$0x3F67]  }
0x1a: {  	s8 =	sadd.s32 $0xFFFFE003, lr  }
0x1b: {  	s9 =	sadd.s32 $0xFFFFFEF7, lr;
	s5 =	simm.s32 $0xFFFFFFFF;
	p2 =	slt.u32 s8, $0xFFFFF086  }
0x1c: {  	p1 =	slt.u32 s9, $0xF7A;
	s5 =	simm.s32 @!p2 $0x0  }
0x1d: {  	s5 =	simm.s32 @p1 $0x1;
	p0 =	seq.s32 s7, s2  }
0x1e: {  	s7 =	smul.u32 @!p0 $0xF7A, s2;
	p2 =	seq.s32 @!p0 s5, $0x0  }
0x1f: {  	s9 =	smul.u32 $0xF7A, s1;
	s8 =	simm.s32 @!p0 $0x1BF5;
	p2 =	por !p2, p0  }
0x20: {  	[sflag:s8] =	ssyncset.s32 @!p0 $0xFFFFF086;
	s6 =	sadd.s32 @!p0 s3, s7;
	s7 =	simm.s32 @!p0 $0x108  }
0x21: {  	s3 =	sadd.s32 s3, s9;
	s6 =	sadd.s32 @!p0 $0x88, s6;
	s7 =	simm.s32 @p2 $0x1082  }
0x22: {  	[simem:s7], [sflag:s8] =	dma.local @!p0 [hbm:s6], $0xF7A  }
0x23: {  	s9 =	sor.u32 $0xD0000000, s2;
	s6 =	simm.s32 $0x108;
	_ =	swait.ge @!p0 [sflag:s8], $0x0  }
0x24: {  	s3 =	sadd.s32 $0x88, s3;
	s6 =	simm.s32 @!p1 $0x1082;
	[sflag:s4] =	ssyncset.s32 $0xFFFFF086  }
0x25: {  	[simem:s6], [sflag:s4] =	dma.local [hbm:s3], $0xF7A  }
0x26: {  	[smem:$0x3F67] =	sst s1;
	(tag) =	ssettag s2;
	_ =	strace s9  }
0x27: {  	s1 =	sld [smem:$0x3F77]  }
0x28: {  	s2 =	sld [smem:$0x3F78]  }
0x29: {  	s4 =	sld [smem:$0x3F7A]  }
0x2a: {  	p0 =	seq.s32 s5, $0x0;
	s5 =	sld [smem:$0x3F7B]  }
0x2b: {  	s6 =	sld [smem:$0x3F7C]  }
0x2c: {  	s7 =	sld [smem:$0x3F7D]  }
0x2d: {  	s3 =	simm.s32 $0x108;
	s8 =	sld [smem:$0x3F7E]  }
0x2e: {  	s3 =	simm.s32 @!p0 $0x1082;
	s9 =	sld [smem:$0x3F7F]  }
0x2f: {  	lr =	sadd.s32 s0, s3;
	s0 =	sld [smem:$0x3F76]  }
0x30: {  	s3 =	sld [smem:$0x3F79]  }
0x31: {  	[smem:$0x3F82] =	sst s10  }
0x32: {  	s10 =	sld [smem:$0x3F80];
	_ =	sdelay $0x3  }
0x33: {  	p0 =	seq.s32 s10, $0x1;
	s10 =	sld [smem:$0x3F82];
	_ =	sdelay $0x3  }
0x34: {  	[smem:$0x3F82] =	sst s10  }
0x35: {  	s10 =	sld [smem:$0x3F81];
	_ =	sdelay $0x3  }
0x36: {  	p1 =	seq.s32 s10, $0x1;
	s10 =	sld [smem:$0x3F82];
	_ =	sdelay $0x3  }
0x37: {  	[smem:$0x3F82] =	sst s10  }
0x38: {  	s10 =	sld [smem:$0x3F83]  }
0x39: {  	_ = 	snop;
	(pc) =	sbr.ind lr, $3  }
0x3a: {  	_ = 	snop  }
0x3b: {  	_ = 	snop  }
0x3c: {  	p2 =	seq.s32 s10, $0x1;
	s10 =	sld [smem:$0x3F82]  }
0x3d: {  	_ =	shalt  }
0x3e: {  	_ =	shalt  }
0x3f: {  	_ =	shalt  }
0x40: {  	_ =	shalt  }
0x41: {  	_ =	shalt  }
0x42: {  	_ =	shalt  }
0x43: {  	_ =	shalt  }
0x44: {  	_ =	shalt  }
0x45: {  	_ =	shalt  }
0x46: {  	_ =	shalt  }
0x47: {  	_ =	shalt  }
0x48: {  	_ =	shalt  }
0x49: {  	_ =	shalt  }
0x4a: {  	_ =	shalt  }
0x4b: {  	_ =	shalt  }
0x4c: {  	_ =	shalt  }
0x4d: {  	_ =	shalt  }
0x4e: {  	_ =	shalt  }
0x4f: {  	_ =	shalt  }
0x50: {  	_ =	shalt  }
0x51: {  	_ =	shalt  }
0x52: {  	_ =	shalt  }
0x53: {  	_ =	shalt  }
0x54: {  	_ =	shalt  }
0x55: {  	_ =	shalt  }
0x56: {  	_ =	shalt  }
0x57: {  	_ =	shalt  }
0x58: {  	_ =	shalt  }
0x59: {  	_ =	shalt  }
0x5a: {  	_ =	shalt  }
0x5b: {  	_ =	shalt  }
0x5c: {  	_ =	shalt  }
0x5d: {  	_ =	shalt  }
0x5e: {  	_ =	shalt  }
0x5f: {  	_ =	shalt  }
0x60: {  	_ =	shalt  }
0x61: {  	_ =	shalt  }
0x62: {  	_ =	shalt  }
0x63: {  	_ =	shalt  }
0x64: {  	_ =	shalt  }
0x65: {  	_ =	shalt  }
0x66: {  	_ =	shalt  }
0x67: {  	_ =	shalt  }
0x68: {  	_ =	shalt  }
0x69: {  	_ =	shalt  }
0x6a: {  	_ =	shalt  }
0x6b: {  	_ =	shalt  }
0x6c: {  	_ =	shalt  }
0x6d: {  	_ =	shalt  }
0x6e: {  	_ =	shalt  }
0x6f: {  	_ =	shalt  }
0x70: {  	_ =	shalt  }
0x71: {  	_ =	shalt  }
0x72: {  	_ =	shalt  }
0x73: {  	_ =	shalt  }
0x74: {  	_ =	shalt  }
0x75: {  	_ =	shalt  }
0x76: {  	_ =	shalt  }
0x77: {  	_ =	shalt  }
0x78: {  	_ =	shalt  }
0x79: {  	_ =	shalt  }
0x7a: {  	_ =	shalt  }
0x7b: {  	_ =	shalt  }
0x7c: {  	_ =	shalt  }
0x7d: {  	_ =	shalt  }
0x7e: {  	_ =	shalt  }
0x7f: {  	_ =	shalt  }
0x80: {  	_ =	shalt  }
0x81: {  	_ =	shalt  }
0x82: {  	_ =	shalt  }
0x83: {  	_ =	shalt  }
0x84: {  	_ =	shalt  }
0x85: {  	_ =	shalt  }
0x86: {  	_ =	shalt  }
0x87: {  	_ =	shalt  }
.Lfunc_end0:
.L_simem_size_0:
called_computation.3_lowered:
.L_overlay_start_0:
0x88: {  	s2 =	sld [smem:$0x3FD9]  }
0x89: {  	s3 =	sld [smem:$0x3FFE];
	_ =	sdelay $0x1  }
0x8a: {  	s1 =	srdreg.scid  }
0x8b: {  	s0 =	sand.u32 $0x1, s1  }
0x8c: {  	s17 =	sshll.u32 s0, $0xA;
	s2 =	sadd.s32 s3, s2  }
0x8d: {  	s2 =	sadd.s32 s2, s17  }
0x8e: {  	[smem:$0x3F8E] =	sst s2  }
0x8f: {  	_ = 	snop  }
0x90: {  	(tm) =	ssettm $0x1  }
0x91: {  	s18 =	sld [smem:$0x3FFB];
	_ =	sdelay $0x3  }
0x92: {  	_ =	strace s18  }
0x93: {  	s2 =	sld [smem:$0x3FFC];
	_ =	sdelay $0x3  }
0x94: {  	_ =	strace s2  }
0x95: {  	s2 =	sld [smem:$0x3FFD];
	_ =	sdelay $0x3  }
0x96: {  	_ =	strace s2  }
0x97: {  	_ =	strace $0x8FFFFFFF  }
0x98: {  	s19 =	sld [smem:$0x3FDB];
	_ =	sdelay $0x1  }
0x99: {  	s20 =	simm.s32 $_scs_section_size  }
0x9a: {  	s4 =	simm.s32 $_size__tile_overlayer_lowered;
	s5 =	simm.s32 $_tile_overlayer_lowered  }
0x9b: {  	s6 =	simm.s32 $0x1BFF;
	s21 =	sshll.u32 s5, $0x1;
	s3 =	sadd.s32 s20, s19  }
0x9c: {  	s22 =	simm.s32 $0x0;
	s4 =	sshll.u32 s4, $0x1;
	s5 =	sadd.s32 s21, s3  }
0x9d: {  	[timem:s22], [sflag:s6] =	dma.local [hbm:s5], s4  }
0x9e: {  	_ =	swait.ge [sflag:s6], s4  }
0x9f: {  	s4 =	ssub.s32 $0x0, s4;
	[sflag:s6] =	ssyncset.done $0x0  }
0xa0: {  	[sflag:s6] =	ssyncadd.s32 s4;
	_ =	sdelay $0x1  }
0xa1: {  	s23 =	simm.s32 $0x1B8B  }
0xa2: {  	_ =	swait.ge [sflag:s23], $0x1  }
0xa3: {  	[sflag:s23] =	ssyncset.done $0x0  }
0xa4: {  	[sflag:s23] =	ssyncadd.s32 $0xFFFFFFFF  }
0xa5: {  	s4 =	sld [smem:$0x0]  }
0xa6: {  	s5 =	sand.u32 $0xFFFFFFFE, s1  }
0xa7: {  	p0 =	sne.s32 s1, s5  }
0xa8: {  	s5 =	sshll.u32 @p0 s5, $0xE  }
0xa9: {  	s5 =	sadd.s32 @p0 $0x11B8D, s5;
	s6 =	sshll.u32 @p0 s4, $0x11  }
0xaa: {  	s5 =	sor.u32 @p0 s6, s5  }
0xab: {  	[sflag:s5] =	ssyncadd.remote.s32 @p0 $0x1;
	_ =	sdelay $0x1  }
0xac: {  	s5 =	simm.s32 @p0 $0x1B8D  }
0xad: {  	_ =	swait.eq @p0 [sflag:s5], $0x1  }
0xae: {  	[sflag:s5] =	ssyncadd.s32 @p0 $0xFFFFFFFF  }
0xaf: {  	s6 =	sshll.u32 @!p0 s1, $0xE  }
0xb0: {  	s6 =	sor.u32 @!p0 $0x4000, s6;
	s5 =	simm.s32 @!p0 $0x1B8D  }
0xb1: {  	s4 =	sshll.u32 @!p0 s4, $0x11;
	s6 =	sadd.s32 @!p0 $0x11B8D, s6;
	_ =	swait.eq @!p0 [sflag:s5], $0x1  }
0xb2: {  	s4 =	sor.u32 @!p0 s4, s6;
	[sflag:s5] =	ssyncadd.s32 @!p0 $0xFFFFFFFF  }
0xb3: {  	s25 =	simm.s32 $0x1B8E;
	s24 =	sld [smem:$0x3FFE];
	[sflag:s4] =	ssyncadd.remote.s32 @!p0 $0x1  }
0xb4: {  	s26 =	simm.s32 $execute0_lowered;
	[smem:$0x3FD2] =	sst s25  }
0xb5: {  	s5 =	sshll.u32 s26, $0x1;
	_ =	strace $0x8000004F;
	[dreg:$0x1] =	wrdreg $0xFFFFFFFF  }
0xb6: {  	s28 =	simm.s32 $_size_execute0_lowered;
	s3 =	sadd.s32 s3, s5;
	[dreg:$0x0] =	wrdreg $0x0  }
0xb7: {  	s5 =	sshll.u32 s28, $0x1;
	[dreg:$0x2] =	wrdreg s3  }
0xb8: {  	[dreg:$0x3] =	wrdreg s5  }
0xb9: {  	[dreg:$0x4] =	wrdreg $0xC0  }
0xba: {  	_ =	task [dreg:s22], $0x5FFFF  }
0xbb: {  	[dreg:$0x1] =	wrdreg $0xFFFFFFFF  }
0xbc: {  	[dreg:$0x0] =	wrdreg $0x60  }
0xbd: {  	[dreg:$0x2] =	wrdreg s24  }
0xbe: {  	[dreg:$0x3] =	wrdreg $0xC  }
0xbf: {  	_ =	task.clear_ibuf [dreg:s22], $0x4FFFF;
	_ =	strace $0x9000004F  }
0xc0: {  	s29 =	simm.s32 $0xC;
	_ =	strace $0x80000051  }
0xc1: {  	_ =	swait.ge [sflag:s29], $0x1  }
0xc2: {  	[sflag:s29] =	ssyncadd.s32 $0xFFFFFFFF  }
0xc3: {  	_ =	strace $0x90000051  }
0xc4: {  	_ =	sfence  }
0xc5: {  	s30 =	sld [smem:$0x0];
	_ =	sdelay $0x2  }
0xc6: {  	s31 =	sshll.u32 s1, $0xD;
	s1 =	sshrl.u32 s1, $0x2  }
0xc7: {  	s4 =	sand.u32 $0x4000, s31;
	s1 =	sadd.s32 s1, s30  }
0xc8: {  	s0 =	sor.u32 s4, s0;
	s1 =	sshll.u32 s1, $0x11  }
0xc9: {  	s0 =	sor.u32 s1, s0  }
0xca: {  	s0 =	sadd.s32 $0x8F2B, s0  }
0xcb: {  	[sflag:s0] =	ssyncadd.remote.s32 $0x1  }
0xcc: {  	_ =	sfence.sel $0xFFFF  }
0xcd: {  	[dreg:$0x0] =	wrdreg $0xFFFFFFFF;
	(pc) =	sbr.abs _section_cstart, $3  }
0xce: {  	[dreg:$0x1] =	wrdreg $0xFFFFFFFF  }
0xcf: {  	_ =	task.clear_ibuf [dreg:s22], $0x2FFFF;
	_ =	strace $0x9FFFFFFF  }
0xd0: {  	(tm) =	ssettm $0x7FFFFFFF  }
0xd1: {  	_ =	shalt  }
tec
execute0_lowered:
.L_overlay_start_1:
0x0: {  	(tag) =	ssettag $0x1  }
0x1: {  	s1 =	srdreg.scid  }
0x2: {  	s0 =	stileid.u32;
	s4 =	rddreg [dreg:$0x0]  }
0x3: {  	s2 =	simm.s32 $0x0;
	s9 =	simm.s32 $0x900;
	s10 =	simm.s32 $0x1100  }
0x4: {  	s11 =	simm.s32 $0x1900;
	s12 =	simm.s32 $0x2100;
	s13 =	simm.s32 $0x2900  }
0x5: {  	s14 =	simm.s32 $0x3100;
	s15 =	simm.s32 $0x3900;
	s16 =	simm.s32 $0x4100  }
0x6: {  	s17 =	simm.s32 $0x4900;
	s18 =	simm.s32 $0x5100;
	s19 =	simm.s32 $0x5900  }
0x7: {  	s20 =	simm.s32 $0x6100;
	s21 =	simm.s32 $0x6900;
	s22 =	simm.s32 $0x7100  }
0x8: {  	s23 =	simm.s32 $0x7900;
	s24 =	simm.s32 $0x8100;
	s25 =	simm.s32 $0x8900  }
0x9: {  	s28 =	simm.s32 $0x9900;
	s29 =	simm.s32 $0xA100;
	s30 =	simm.s32 $0xA900  }
0xa: {  	s3 =	sand.u32 $0x1, s1;
	s26 =	sshll.u32 s0, $0x1;
	s1 =	rddreg [dreg:$0x1]  }
0xb: {  	s31 =	simm.s32 $0x1;
	[smem:$0x7FF] =	sst s2;
	s5 =	sor.u32 s3, s26  }
0xc: {  	s7 =	ssub.s32 $0x2, s3;
	_ =	strace $0x80000050;
	s6 =	smul.u32 $0x16, s5  }
0xd: {  	s3 =	sadd.s32 $0x89E00, s4;
	s5 =	smul.u32 $0x1600, s5;
	s8 =	sshrl.u32 s7, $0x1  }
0xe: {  	v2 =	vlaneseq.u32;
	s26 =	simm.s32 $0x9100;
	s7 =	ssub.s32 s7, s8;
	s6 =	sadd.s32 s6, s4  }
0xf: {  	vm0 =	vmmov $0xffff;
	v1 =	vshrl.u32 v2, $0x3;
	s8 =	simm.s32 $0x100;
	s5 =	sadd.s32 s5, s4;
	s4 =	sadd.s32 $0x9E00, s6  }
0x10: {  	v0 =	vand.u32 $0x7, v2;
	v2 =	vor.u32 $0x8, v2;
	v1 =	vmul.u32 $0x8, v1;
	s5 =	sadd.s32 $0xA200, s5;
	s6 =	smax.u32 s7, $0x1;
	s7 =	simm.s32 $0x2  }
.LBB2_1:
0x11: {  	[tilespmem:s2], [sflag:$0x2] =	stream.linear.gather [hbm4b:s4+s2], $0xB0, $0x38;
	[tilespmem:$0xB100] =	vst v63  }
0x12: {  	_ =	swait.ge [sflag:s7], $0xB0  }
0x13: {  	[sflag:s7] =	ssyncset.done $0x0  }
0x14: {  	[sflag:s7] =	ssyncadd.s32 $0xFFFFFF50  }
0x15: {  	v3 =	vld [tilespmem:$0x0];
	_ =	sdelay $0x4  }
0x16: {  	v4 =	vshll.u32 v3, $0x1  }
0x17: {  	v3 =	vand.u32 $0x7, v3;
	v4 =	vand.u32 $0xFFFFFFF0, v4  }
0x18: {  	v3 =	vor.u32 v3, v4  }
0x19: {  	v4 =	vperm.xlane v3, v0;
	_ =	sdelay $0x1  }
0x1a: {  	v3 =	vperm.xlane v3, v2;
	v4 =	vadd.s32 v1, v4;
	_ =	sdelay $0x1  }
0x1b: {  	v3 =	vadd.s32 v1, v3;
	_ =	sdelay $0x2  }
0x1c: {  	[tilespmem:s8], [sflag:$0x1] =	stream.indirect_vreg.gather [hbm4b:s3+s2], $0x80, v4, vm0, $0xb8;
	[tilespmem:$0xB100] =	vst v63  }
0x1d: {  	_ = 	snop  }
0x1e: {  	[tilespmem:s9], [sflag:$0x1] =	stream.indirect_vreg.gather [hbm4b:s3+s2], $0x80, v3, vm0, $0xb8;
	[tilespmem:$0xB100] =	vst v63  }
0x1f: {  	v3 =	vld [tilespmem:$0x10];
	_ =	sdelay $0x4  }
0x20: {  	v54 =	vshll.u32 v3, $0x1  }
0x21: {  	v3 =	vand.u32 $0x7, v3;
	v4 =	vand.u32 $0xFFFFFFF0, v54  }
0x22: {  	v3 =	vor.u32 v3, v4  }
0x23: {  	v4 =	vperm.xlane v3, v0;
	_ =	sdelay $0x1  }
0x24: {  	v3 =	vperm.xlane v3, v2;
	v4 =	vadd.s32 v1, v4;
	_ =	sdelay $0x1  }
0x25: {  	v3 =	vadd.s32 v1, v3;
	_ =	sdelay $0x2  }
0x26: {  	[tilespmem:s10], [sflag:$0x1] =	stream.indirect_vreg.gather [hbm4b:s3+s2], $0x80, v4, vm0, $0xb8;
	[tilespmem:$0xB100] =	vst v63  }
0x27: {  	_ = 	snop  }
0x28: {  	[tilespmem:s11], [sflag:$0x1] =	stream.indirect_vreg.gather [hbm4b:s3+s2], $0x80, v3, vm0, $0xb8;
	[tilespmem:$0xB100] =	vst v63  }
0x29: {  	v3 =	vld [tilespmem:$0x20];
	_ =	sdelay $0x4  }
0x2a: {  	v55 =	vshll.u32 v3, $0x1  }
0x2b: {  	v3 =	vand.u32 $0x7, v3;
	v4 =	vand.u32 $0xFFFFFFF0, v55  }
0x2c: {  	v3 =	vor.u32 v3, v4  }
0x2d: {  	v4 =	vperm.xlane v3, v0;
	_ =	sdelay $0x1  }
0x2e: {  	v3 =	vperm.xlane v3, v2;
	v4 =	vadd.s32 v1, v4;
	_ =	sdelay $0x1  }
0x2f: {  	v3 =	vadd.s32 v1, v3;
	_ =	sdelay $0x2  }
0x30: {  	[tilespmem:s12], [sflag:$0x1] =	stream.indirect_vreg.gather [hbm4b:s3+s2], $0x80, v4, vm0, $0xb8;
	[tilespmem:$0xB100] =	vst v63  }
0x31: {  	_ = 	snop  }
0x32: {  	[tilespmem:s13], [sflag:$0x1] =	stream.indirect_vreg.gather [hbm4b:s3+s2], $0x80, v3, vm0, $0xb8;
	[tilespmem:$0xB100] =	vst v63  }
0x33: {  	v3 =	vld [tilespmem:$0x30];
	_ =	sdelay $0x4  }
0x34: {  	v56 =	vshll.u32 v3, $0x1  }
0x35: {  	v3 =	vand.u32 $0x7, v3;
	v4 =	vand.u32 $0xFFFFFFF0, v56  }
0x36: {  	v3 =	vor.u32 v3, v4  }
0x37: {  	v4 =	vperm.xlane v3, v0;
	_ =	sdelay $0x1  }
0x38: {  	v3 =	vperm.xlane v3, v2;
	v4 =	vadd.s32 v1, v4;
	_ =	sdelay $0x1  }
0x39: {  	v3 =	vadd.s32 v1, v3;
	_ =	sdelay $0x2  }
0x3a: {  	[tilespmem:s14], [sflag:$0x1] =	stream.indirect_vreg.gather [hbm4b:s3+s2], $0x80, v4, vm0, $0xb8;
	[tilespmem:$0xB100] =	vst v63  }
0x3b: {  	_ = 	snop  }
0x3c: {  	[tilespmem:s15], [sflag:$0x1] =	stream.indirect_vreg.gather [hbm4b:s3+s2], $0x80, v3, vm0, $0xb8;
	[tilespmem:$0xB100] =	vst v63  }
0x3d: {  	v3 =	vld [tilespmem:$0x40];
	_ =	sdelay $0x4  }
0x3e: {  	v57 =	vshll.u32 v3, $0x1  }
0x3f: {  	v3 =	vand.u32 $0x7, v3;
	v4 =	vand.u32 $0xFFFFFFF0, v57  }
0x40: {  	v3 =	vor.u32 v3, v4  }
0x41: {  	v4 =	vperm.xlane v3, v0;
	_ =	sdelay $0x1  }
0x42: {  	v3 =	vperm.xlane v3, v2;
	v4 =	vadd.s32 v1, v4;
	_ =	sdelay $0x1  }
0x43: {  	v3 =	vadd.s32 v1, v3;
	_ =	sdelay $0x2  }
0x44: {  	[tilespmem:s16], [sflag:$0x1] =	stream.indirect_vreg.gather [hbm4b:s3+s2], $0x80, v4, vm0, $0xb8;
	[tilespmem:$0xB100] =	vst v63  }
0x45: {  	_ = 	snop  }
0x46: {  	[tilespmem:s17], [sflag:$0x1] =	stream.indirect_vreg.gather [hbm4b:s3+s2], $0x80, v3, vm0, $0xb8;
	[tilespmem:$0xB100] =	vst v63  }
0x47: {  	v3 =	vld [tilespmem:$0x50];
	_ =	sdelay $0x4  }
0x48: {  	v58 =	vshll.u32 v3, $0x1  }
0x49: {  	v3 =	vand.u32 $0x7, v3;
	v4 =	vand.u32 $0xFFFFFFF0, v58  }
0x4a: {  	v3 =	vor.u32 v3, v4  }
0x4b: {  	v4 =	vperm.xlane v3, v0;
	_ =	sdelay $0x1  }
0x4c: {  	v3 =	vperm.xlane v3, v2;
	v4 =	vadd.s32 v1, v4;
	_ =	sdelay $0x1  }
0x4d: {  	v3 =	vadd.s32 v1, v3;
	_ =	sdelay $0x2  }
0x4e: {  	[tilespmem:s18], [sflag:$0x1] =	stream.indirect_vreg.gather [hbm4b:s3+s2], $0x80, v4, vm0, $0xb8;
	[tilespmem:$0xB100] =	vst v63  }
0x4f: {  	_ = 	snop  }
0x50: {  	[tilespmem:s19], [sflag:$0x1] =	stream.indirect_vreg.gather [hbm4b:s3+s2], $0x80, v3, vm0, $0xb8;
	[tilespmem:$0xB100] =	vst v63  }
0x51: {  	v3 =	vld [tilespmem:$0x60];
	_ =	sdelay $0x4  }
0x52: {  	v59 =	vshll.u32 v3, $0x1  }
0x53: {  	v3 =	vand.u32 $0x7, v3;
	v4 =	vand.u32 $0xFFFFFFF0, v59  }
0x54: {  	v3 =	vor.u32 v3, v4  }
0x55: {  	v4 =	vperm.xlane v3, v0;
	_ =	sdelay $0x1  }
0x56: {  	v3 =	vperm.xlane v3, v2;
	v4 =	vadd.s32 v1, v4;
	_ =	sdelay $0x1  }
0x57: {  	v3 =	vadd.s32 v1, v3;
	_ =	sdelay $0x2  }
0x58: {  	[tilespmem:s20], [sflag:$0x1] =	stream.indirect_vreg.gather [hbm4b:s3+s2], $0x80, v4, vm0, $0xb8;
	[tilespmem:$0xB100] =	vst v63  }
0x59: {  	_ = 	snop  }
0x5a: {  	[tilespmem:s21], [sflag:$0x1] =	stream.indirect_vreg.gather [hbm4b:s3+s2], $0x80, v3, vm0, $0xb8;
	[tilespmem:$0xB100] =	vst v63  }
0x5b: {  	v3 =	vld [tilespmem:$0x70];
	_ =	sdelay $0x4  }
0x5c: {  	v60 =	vshll.u32 v3, $0x1  }
0x5d: {  	v3 =	vand.u32 $0x7, v3;
	v4 =	vand.u32 $0xFFFFFFF0, v60  }
0x5e: {  	v3 =	vor.u32 v3, v4  }
0x5f: {  	v4 =	vperm.xlane v3, v0;
	_ =	sdelay $0x1  }
0x60: {  	v3 =	vperm.xlane v3, v2;
	v4 =	vadd.s32 v1, v4;
	_ =	sdelay $0x1  }
0x61: {  	v3 =	vadd.s32 v1, v3;
	_ =	sdelay $0x2  }
0x62: {  	[tilespmem:s22], [sflag:$0x1] =	stream.indirect_vreg.gather [hbm4b:s3+s2], $0x80, v4, vm0, $0xb8;
	[tilespmem:$0xB100] =	vst v63  }
0x63: {  	_ = 	snop  }
0x64: {  	[tilespmem:s23], [sflag:$0x1] =	stream.indirect_vreg.gather [hbm4b:s3+s2], $0x80, v3, vm0, $0xb8;
	[tilespmem:$0xB100] =	vst v63  }
0x65: {  	v3 =	vld [tilespmem:$0x80];
	_ =	sdelay $0x4  }
0x66: {  	v61 =	vshll.u32 v3, $0x1  }
0x67: {  	v3 =	vand.u32 $0x7, v3;
	v4 =	vand.u32 $0xFFFFFFF0, v61  }
0x68: {  	v3 =	vor.u32 v3, v4  }
0x69: {  	v4 =	vperm.xlane v3, v0;
	_ =	sdelay $0x1  }
0x6a: {  	v3 =	vperm.xlane v3, v2;
	v4 =	vadd.s32 v1, v4;
	_ =	sdelay $0x1  }
0x6b: {  	v3 =	vadd.s32 v1, v3;
	_ =	sdelay $0x2  }
0x6c: {  	[tilespmem:s24], [sflag:$0x1] =	stream.indirect_vreg.gather [hbm4b:s3+s2], $0x80, v4, vm0, $0xb8;
	[tilespmem:$0xB100] =	vst v63  }
0x6d: {  	_ = 	snop  }
0x6e: {  	[tilespmem:s25], [sflag:$0x1] =	stream.indirect_vreg.gather [hbm4b:s3+s2], $0x80, v3, vm0, $0xb8;
	[tilespmem:$0xB100] =	vst v63  }
0x6f: {  	v3 =	vld [tilespmem:$0x90];
	_ =	sdelay $0x4  }
0x70: {  	v62 =	vshll.u32 v3, $0x1  }
0x71: {  	v3 =	vand.u32 $0x7, v3;
	v4 =	vand.u32 $0xFFFFFFF0, v62  }
0x72: {  	v3 =	vor.u32 v3, v4  }
0x73: {  	v4 =	vperm.xlane v3, v0;
	_ =	sdelay $0x1  }
0x74: {  	v3 =	vperm.xlane v3, v2;
	v4 =	vadd.s32 v1, v4;
	_ =	sdelay $0x1  }
0x75: {  	v3 =	vadd.s32 v1, v3;
	_ =	sdelay $0x2  }
0x76: {  	[tilespmem:s26], [sflag:$0x1] =	stream.indirect_vreg.gather [hbm4b:s3+s2], $0x80, v4, vm0, $0xb8;
	[tilespmem:$0xB100] =	vst v63  }
0x77: {  	_ = 	snop  }
0x78: {  	[tilespmem:s28], [sflag:$0x1] =	stream.indirect_vreg.gather [hbm4b:s3+s2], $0x80, v3, vm0, $0xb8;
	[tilespmem:$0xB100] =	vst v63  }
0x79: {  	v3 =	vld [tilespmem:$0xA0];
	_ =	sdelay $0x4  }
0x7a: {  	v63 =	vshll.u32 v3, $0x1  }
0x7b: {  	v3 =	vand.u32 $0x7, v3;
	v4 =	vand.u32 $0xFFFFFFF0, v63  }
0x7c: {  	v3 =	vor.u32 v3, v4  }
0x7d: {  	v4 =	vperm.xlane v3, v0;
	_ =	sdelay $0x1  }
0x7e: {  	v3 =	vperm.xlane v3, v2;
	v4 =	vadd.s32 v1, v4;
	_ =	sdelay $0x1  }
0x7f: {  	v3 =	vadd.s32 v1, v3;
	_ =	sdelay $0x2  }
0x80: {  	[tilespmem:s29], [sflag:$0x1] =	stream.indirect_vreg.gather [hbm4b:s3+s2], $0x80, v4, vm0, $0xb8;
	[tilespmem:$0xB100] =	vst v63  }
0x81: {  	_ = 	snop  }
0x82: {  	[tilespmem:s30], [sflag:$0x1] =	stream.indirect_vreg.gather [hbm4b:s3+s2], $0x80, v3, vm0, $0xb8;
	[tilespmem:$0xB100] =	vst v63  }
0x83: {  	_ =	swait.ge [sflag:s31], $0xB000  }
0x84: {  	p0 =	sne.s32 s6, $0x1;
	[sflag:s31] =	ssyncset.done $0x0  }
.Ltmp0:
0x85: {  	[sflag:s31] =	ssyncadd.s32 $0xFFFF5000;
	(pc) =	sbr.rel @p0 .LBB2_1-.Ltmp0, $4  }
0x86: {  	[hbm4b:s5+s2] =	stream.linear.scatter [tilespmem:s8], [sflag:$0x2], $0xB000, $0x38;
	[tilespmem:$0xB100] =	vst v63  }
0x87: {  	_ =	swait.ge [sflag:s7], $0xB000  }
0x88: {  	[sflag:s7] =	ssyncset.done $0x0  }
0x89: {  	s6 =	sadd.s32 $0xFFFFFFFF, s6;
	[sflag:s7] =	ssyncadd.s32 $0xFFFF5000  }
0x8a: {  	_ =	sfence.sel $0x180000  }
0x8b: {  	[bflag:$0x0] =	sbarrier.arrive $0xFFFF  }
0x8c: {  	p0 =	sne.s32 s0, $0x0;
	_ =	strace $0x90000050  }
0x8d: {  	s0 =	sadd.s32 @!p0 $0x100000, s1;
	[bflag:$0x2] =	sbarrier.arrive $0xFFFF  }
0x8e: {  	[sflag:s0] =	ssyncadd.tile.s32 @!p0 $0x1;
	_ =	shalt  }
.Lfunc_end2:
_tile_overlayer_lowered:
.L_overlay_start_2:
0x8f: {  	(tag) =	ssettag $0x2  }
0x90: {  	s0 =	rddreg [dreg:$0x0];
	s2 =	stileid.u32  }
0x91: {  	s1 =	rddreg [dreg:$0x1];
	p0 =	sne.s32 s2, $0x0  }
0x92: {  	s3 =	rddreg [dreg:$0x2];
	[bflag:$0x3] =	sbarrier.arrive $0xFFFF;
	s2 =	simm.s32 @!p0 $0x1C02  }
0x93: {  	[timem:s3], [sflag:s2] =	dma.local @!p0 [hbm:s0], s1  }
0x94: {  	s0 =	simm.s32 @!p0 $0x2  }
0x95: {  	_ =	swait.ge @!p0 [sflag:s0], s1  }
0x96: {  	s1 =	ssub.s32 @!p0 $0x0, s1;
	[sflag:s0] =	ssyncset.done @!p0 $0x0  }
0x97: {  	[sflag:s0] =	ssyncadd.s32 @!p0 s1  }
0x98: {  	[bflag:$0x3] =	sbarrier.arrive $0xFFFF  }
0x99: {  	_ =	shalt  }

</sc_bundles>
